<compile_context>
chip_gen: v7x
topology: tpu7x:2x2x1
jax: 0.10.2.dev20260603
libtpu: 0.0.44.dev20260713+nightly
codegen_flags: <defaults>
</compile_context>

<pallas_src>
import functools

import jax
import jax.numpy as jnp
import numpy as np
from jax.experimental import pallas as pl
from jax.experimental.pallas import tpu as pltpu
from jax.experimental.pallas import tpu_sc as plsc

N_CAT = 26
CAT_CARD = 10000
CAT_DIM = 101
EMB = 128
HID = 1024
NNUM = 13
B = 4096
INPUT_DIM = 2 * EMB + N_CAT * CAT_DIM + NNUM
XW = (2 + N_CAT) * EMB
NQ = 4
WN = HID + NQ
EPS = 1e-5

_NC = 2
_NS = 16
_NW = _NC * _NS
_BPW = B // _NW

_BT = 256
_GRID = B // _BT



def _x0_sc_kernel(user_emb, item_emb, cat_pad, user_ids, item_ids, cat_gidx):
    mesh = plsc.VectorSubcoreMesh(core_axis_name="c", subcore_axis_name="s")

    @functools.partial(
        pl.kernel,
        out_type=jax.ShapeDtypeStruct((B, XW), jnp.float32),
        mesh=mesh,
        scratch_types=[
            pltpu.VMEM((_BPW,), jnp.int32),
            pltpu.VMEM((_BPW, EMB), jnp.float32),
            pltpu.VMEM((_BPW, EMB), jnp.float32),
            pltpu.SemaphoreType.DMA,
        ],
    )
    def k(ue_hbm, ie_hbm, ce_hbm, uid_hbm, iid_hbm, cat_gidx_hbm,
          x0_out, idx_v, buf_a, buf_b, sem):
        wid = jax.lax.axis_index("s") * _NC + jax.lax.axis_index("c")
        base = wid * _BPW
        rows = pl.ds(base, _BPW)
        pltpu.sync_copy(uid_hbm.at[rows], idx_v)
        pltpu.async_copy(ue_hbm.at[idx_v], buf_a, sem).wait()
        pltpu.sync_copy(buf_a, x0_out.at[rows, pl.ds(0, EMB)])
        pltpu.sync_copy(iid_hbm.at[rows], idx_v)
        pltpu.async_copy(ie_hbm.at[idx_v], buf_a, sem).wait()
        pltpu.sync_copy(buf_a, x0_out.at[rows, pl.ds(EMB, EMB)])
        for i in range(N_CAT):
            pltpu.sync_copy(cat_gidx_hbm.at[i, rows], idx_v)
            pltpu.async_copy(ce_hbm.at[idx_v], buf_b, sem).wait()
            pltpu.sync_copy(buf_b, x0_out.at[rows, pl.ds((2 + i) * EMB, EMB)])

    return k(user_emb, item_emb, cat_pad, user_ids, item_ids, cat_gidx)



def _bf(x):
    return x.astype(jnp.bfloat16)


def _bn_affine(acc_s, acc_sq, gamma, beta):
    mu = acc_s * (1.0 / B)
    var = acc_sq * (1.0 / B) - mu * mu
    a = gamma * jax.lax.rsqrt(var + EPS)
    return a, beta - a * mu


def _stage_a(x_ref, num_ref, wbig_ref, wnum_ref, b0_ref, w1_ref, b1_ref,
             g1_ref, be1_ref, cc_ref,
             deep0_ref, h1_ref, aff1_ref, cross_ref, acc_s, acc_sq):
    step = pl.program_id(0)

    @pl.when(step == 0)
    def _():
        acc_s[...] = jnp.zeros_like(acc_s)
        acc_sq[...] = jnp.zeros_like(acc_sq)

    acc = jnp.dot(_bf(x_ref[...]), wbig_ref[...],
                  preferred_element_type=jnp.float32)
    acc += jnp.dot(_bf(num_ref[...]), wnum_ref[...],
                   preferred_element_type=jnp.float32)
    deep0 = acc[:, :HID] + b0_ref[...]
    deep0_ref[...] = deep0
    q0 = acc[:, HID:HID + 1]
    q1 = acc[:, HID + 1:HID + 2]
    q2 = acc[:, HID + 2:HID + 3]
    q3 = acc[:, HID + 3:HID + 4]
    c01 = cc_ref[0, 0]
    c02 = cc_ref[0, 1]
    c12 = cc_ref[0, 2]
    c0f = cc_ref[0, 3]
    c1f = cc_ref[0, 4]
    c2f = cc_ref[0, 5]
    s0 = q0
    t0 = 1.0 + s0
    s1 = t0 * q1 + c01
    t1 = 1.0 + s1
    s2 = t0 * t1 * q2 + t1 * c02 + c12
    t2 = 1.0 + s2
    cross_ref[...] = t0 * t1 * t2 * q3 + t1 * t2 * c0f + t2 * c1f + c2f

    h1 = jnp.dot(_bf(deep0), w1_ref[...], preferred_element_type=jnp.float32)
    h1 += b1_ref[...]
    h1_ref[...] = h1
    acc_s[...] += jnp.sum(h1, axis=0, keepdims=True)
    acc_sq[...] += jnp.sum(h1 * h1, axis=0, keepdims=True)

    @pl.when(step == _GRID - 1)
    def _():
        a, s = _bn_affine(acc_s[...], acc_sq[...], g1_ref[...], be1_ref[...])
        aff1_ref[0:1, :] = a
        aff1_ref[1:2, :] = s


def _stage_mid(h_ref, aff_ref, w_ref, b_ref, g_ref, be_ref, skip_ref,
               hn_ref, affn_ref, skipn_ref, acc_s, acc_sq, *, has_skip,
               out_skip):
    step = pl.program_id(0)

    @pl.when(step == 0)
    def _():
        acc_s[...] = jnp.zeros_like(acc_s)
        acc_sq[...] = jnp.zeros_like(acc_sq)

    z = aff_ref[0:1, :] * h_ref[...] + aff_ref[1:2, :]
    if has_skip:
        z += skip_ref[...]
    z = jnp.maximum(z, 0.0)
    if out_skip:
        skipn_ref[...] = z
    hn = jnp.dot(_bf(z), w_ref[...], preferred_element_type=jnp.float32)
    hn += b_ref[...]
    hn_ref[...] = hn
    acc_s[...] += jnp.sum(hn, axis=0, keepdims=True)
    acc_sq[...] += jnp.sum(hn * hn, axis=0, keepdims=True)

    @pl.when(step == _GRID - 1)
    def _():
        a, s = _bn_affine(acc_s[...], acc_sq[...], g_ref[...], be_ref[...])
        affn_ref[0:1, :] = a
        affn_ref[1:2, :] = s


def _stage_e(h_ref, aff_ref, skip_ref, cross_ref, wf_ref, cc_ref, out_ref):
    z = aff_ref[0:1, :] * h_ref[...] + aff_ref[1:2, :] + skip_ref[...]
    z = jnp.maximum(z, 0.0)
    dot = jnp.sum(z * wf_ref[...], axis=1, keepdims=True)
    out_ref[...] = dot + cross_ref[...] + cc_ref[0, 0]


def _bspec(shape, resident=False):
    if resident:
        return pl.BlockSpec(shape, lambda b: tuple(0 for _ in shape))
    return pl.BlockSpec(shape, lambda b: (b,) + tuple(0 for _ in shape[1:]))


_F32 = jnp.float32


def _dense_tc(x0p, num, wbig, wnum, b0, w1a, b1a, g1a, be1a, w2a, b2a, g2a,
              be2a, w1b, b1b, g1b, be1b, w2b, b2b, g2b, be2b, wf, ccA, ccE):
    act = jax.ShapeDtypeStruct((B, HID), _F32)
    aff = jax.ShapeDtypeStruct((8, HID), _F32)

    deep0, h1, aff1, crossv = pl.pallas_call(
        _stage_a,
        grid=(_GRID,),
        in_specs=[
            _bspec((_BT, XW)),
            _bspec((_BT, NNUM)),
            _bspec((XW, WN), True),
            _bspec((NNUM, WN), True),
            _bspec((1, HID), True),
            _bspec((HID, HID), True),
            _bspec((1, HID), True),
            _bspec((1, HID), True),
            _bspec((1, HID), True),
            _bspec((1, 8), True),
        ],
        out_specs=[
            _bspec((_BT, HID)),
            _bspec((_BT, HID)),
            _bspec((8, HID), True),
            _bspec((_BT, 1)),
        ],
        out_shape=[act, act, aff, jax.ShapeDtypeStruct((B, 1), _F32)],
        scratch_shapes=[pltpu.VMEM((1, HID), _F32), pltpu.VMEM((1, HID), _F32)],
    )(x0p, num, wbig, wnum, b0, w1a, b1a, g1a, be1a, ccA)

    def mid(h, affin, w, b, g, be, skip, has_skip, out_skip):
        kern = functools.partial(_stage_mid, has_skip=has_skip,
                                 out_skip=out_skip)
        in_specs = [
            _bspec((_BT, HID)),
            _bspec((8, HID), True),
            _bspec((HID, HID), True),
            _bspec((1, HID), True),
            _bspec((1, HID), True),
            _bspec((1, HID), True),
            _bspec((_BT, HID)),
        ]
        out_specs = [_bspec((_BT, HID)), _bspec((8, HID), True),
                     _bspec((_BT, HID))]
        out_shape = [act, aff, act]
        return pl.pallas_call(
            kern,
            grid=(_GRID,),
            in_specs=in_specs,
            out_specs=out_specs,
            out_shape=out_shape,
            scratch_shapes=[pltpu.VMEM((1, HID), _F32),
                            pltpu.VMEM((1, HID), _F32)],
        )(h, affin, w, b, g, be, skip)

    h2, aff2, _ = mid(h1, aff1, w2a, b2a, g2a, be2a, deep0,
                      has_skip=False, out_skip=False)
    h3, aff3, deep1 = mid(h2, aff2, w1b, b1b, g1b, be1b, deep0,
                          has_skip=True, out_skip=True)
    h4, aff4, _ = mid(h3, aff3, w2b, b2b, g2b, be2b, deep1,
                      has_skip=False, out_skip=False)
    out = pl.pallas_call(
        _stage_e,
        grid=(_GRID,),
        in_specs=[
            _bspec((_BT, HID)),
            _bspec((8, HID), True),
            _bspec((_BT, HID)),
            _bspec((_BT, 1)),
            _bspec((1, HID), True),
            _bspec((1, 8), True),
        ],
        out_specs=[_bspec((_BT, 1))],
        out_shape=[jax.ShapeDtypeStruct((B, 1), _F32)],
    )(h4, aff4, deep1, crossv, wf, ccE)[0]
    return out



def kernel(user_ids, item_ids, cat_features, num_features, params):
    f32 = jnp.float32
    cat_pad = jnp.pad(params['cat_emb'],
                      ((0, 0), (0, 0), (0, EMB - CAT_DIM))).reshape(-1, EMB)
    cat_gidx = (cat_features.astype(jnp.int32)
                + (jnp.arange(N_CAT, dtype=jnp.int32) * CAT_CARD)[None, :]).T
    x0p = _x0_sc_kernel(params['user_emb'], params['item_emb'], cat_pad,
                        user_ids, item_ids, cat_gidx)

    w0 = params['cross0_w']
    w1 = params['cross1_w']
    w2 = params['cross2_w']
    wf_cross = params['W_final'][HID:]
    wf_deep = params['W_final'][:HID]
    wm = jnp.concatenate([params['W_init'], w0, w1, w2, wf_cross], axis=1)
    wm = wm.astype(jnp.bfloat16)
    w_ui = wm[:2 * EMB]
    w_cat = jnp.pad(wm[2 * EMB:2 * EMB + N_CAT * CAT_DIM]
                    .reshape(N_CAT, CAT_DIM, WN),
                    ((0, 0), (0, EMB - CAT_DIM), (0, 0))).reshape(-1, WN)
    wbig = jnp.concatenate([w_ui, w_cat], axis=0)
    wnum = wm[2 * EMB + N_CAT * CAT_DIM:]

    b0v = params['cross0_b']
    b1v = params['cross1_b']
    b2v = params['cross2_b']
    wfc = wf_cross[:, 0]
    w1v = w1[:, 0]
    w2v = w2[:, 0]
    ccA = jnp.stack([jnp.dot(b0v, w1v), jnp.dot(b0v, w2v), jnp.dot(b1v, w2v),
                     jnp.dot(b0v, wfc), jnp.dot(b1v, wfc), jnp.dot(b2v, wfc),
                     0.0, 0.0]).astype(f32)[None, :]
    ccE = jnp.concatenate([params['b_final'],
                           jnp.zeros((7,), f32)])[None, :]

    def row(v):
        return v.astype(f32)[None, :]

    out2d = _dense_tc(
        x0p, num_features, wbig, wnum, row(params['b_init']),
        params['res0_W1'].astype(jnp.bfloat16), row(params['res0_b1']),
        row(params['res0_g1']), row(params['res0_be1']),
        params['res0_W2'].astype(jnp.bfloat16), row(params['res0_b2']),
        row(params['res0_g2']), row(params['res0_be2']),
        params['res1_W1'].astype(jnp.bfloat16), row(params['res1_b1']),
        row(params['res1_g1']), row(params['res1_be1']),
        params['res1_W2'].astype(jnp.bfloat16), row(params['res1_b2']),
        row(params['res1_g2']), row(params['res1_be2']),
        row(wf_deep[:, 0]), ccA, ccE)
    return out2d.reshape(B)

# --- scband reference (transcript-rebuilt; emitter-appended) ---
"""Pipeline reference for scband-dcn-rec-sys-30116310680394 (READ-ONLY COPY).

The authoritative reference and input builder live on the scoring server;
editing this copy changes nothing except your own understanding.
"""

import jax, jax.numpy as jnp
import numpy as np

N_USERS = 100000
N_ITEMS = 100000
N_CAT = 26
CAT_CARD = 10000
CAT_DIM = int(np.sqrt(CAT_CARD)) + 1  # 101
EMB = 128
HID = 1024
NCROSS = 3
NRES = 2
NNUM = 13
B = 4096
INPUT_DIM = 2 * EMB + N_CAT * CAT_DIM + NNUM  # 2895
EPS = 1e-5


def _bn(x, gamma, beta):
    # BatchNorm1d in training mode: batch statistics, biased variance
    mu = jnp.mean(x, axis=0)
    var = jnp.var(x, axis=0)
    return gamma * (x - mu) / jnp.sqrt(var + EPS) + beta


def setup_inputs(seed: int = 0) -> dict:
    key = jax.random.key(seed)
    ks = jax.random.split(key, 64)
    user_ids = jax.random.randint(ks[0], (B,), 0, N_USERS, dtype=jnp.int64) if jax.config.jax_enable_x64 else jax.random.randint(ks[0], (B,), 0, N_USERS, dtype=jnp.int32)
    item_ids = jax.random.randint(ks[1], (B,), 0, N_ITEMS, dtype=user_ids.dtype)
    cat_features = jax.random.randint(ks[2], (B, N_CAT), 0, CAT_CARD, dtype=user_ids.dtype)
    num_features = jax.random.normal(ks[3], (B, NNUM), dtype=jnp.float32)
    params = {}
    params['user_emb'] = jax.random.normal(ks[4], (N_USERS, EMB), dtype=jnp.float32) * 0.02
    params['item_emb'] = jax.random.normal(ks[5], (N_ITEMS, EMB), dtype=jnp.float32) * 0.02
    params['cat_emb'] = jax.random.normal(ks[6], (N_CAT, CAT_CARD, CAT_DIM), dtype=jnp.float32) * 0.02
    params['W_init'] = jax.random.normal(ks[7], (INPUT_DIM, HID), dtype=jnp.float32) / np.sqrt(INPUT_DIM)
    params['b_init'] = jnp.zeros((HID,), dtype=jnp.float32)
    kidx = 8
    for i in range(NRES):
        params[f'res{i}_W1'] = jax.random.normal(ks[kidx], (HID, HID), dtype=jnp.float32) / np.sqrt(HID); kidx += 1
        params[f'res{i}_b1'] = jnp.zeros((HID,), dtype=jnp.float32)
        params[f'res{i}_g1'] = jnp.ones((HID,), dtype=jnp.float32)
        params[f'res{i}_be1'] = jnp.zeros((HID,), dtype=jnp.float32)
        params[f'res{i}_W2'] = jax.random.normal(ks[kidx], (HID, HID), dtype=jnp.float32) / np.sqrt(HID); kidx += 1
        params[f'res{i}_b2'] = jnp.zeros((HID,), dtype=jnp.float32)
        params[f'res{i}_g2'] = jnp.ones((HID,), dtype=jnp.float32)
        params[f'res{i}_be2'] = jnp.zeros((HID,), dtype=jnp.float32)
    for i in range(NCROSS):
        params[f'cross{i}_w'] = jax.random.normal(ks[kidx], (INPUT_DIM, 1), dtype=jnp.float32) / np.sqrt(INPUT_DIM); kidx += 1
        params[f'cross{i}_b'] = jnp.zeros((INPUT_DIM,), dtype=jnp.float32)
    params['W_final'] = jax.random.normal(ks[kidx], (HID + INPUT_DIM, 1), dtype=jnp.float32) / np.sqrt(HID + INPUT_DIM)
    params['b_final'] = jnp.zeros((1,), dtype=jnp.float32)
    return {'user_ids': user_ids, 'item_ids': item_ids, 'cat_features': cat_features,
            'num_features': num_features, 'params': params}


def _forward(user_ids, item_ids, cat_features, num_features, params):
    ue = jnp.take(params['user_emb'], user_ids, axis=0)
    ie = jnp.take(params['item_emb'], item_ids, axis=0)
    cat_embs = [jnp.take(params['cat_emb'][i], cat_features[:, i], axis=0) for i in range(N_CAT)]
    x0 = jnp.concatenate([ue, ie] + cat_embs + [num_features], axis=1)  # [B, INPUT_DIM]
    # deep branch
    deep = x0 @ params['W_init'] + params['b_init']
    for i in range(NRES):
        h = deep @ params[f'res{i}_W1'] + params[f'res{i}_b1']
        h = _bn(h, params[f'res{i}_g1'], params[f'res{i}_be1'])
        h = jax.nn.relu(h)
        # dropout is identity in eval/inference
        h = h @ params[f'res{i}_W2'] + params[f'res{i}_b2']
        h = _bn(h, params[f'res{i}_g2'], params[f'res{i}_be2'])
        deep = jax.nn.relu(h + deep)
    # cross branch: x + x * (x @ w) + b (per the given CrossLayer code)
    cross = x0
    for i in range(NCROSS):
        s = cross @ params[f'cross{i}_w']  # [B, 1]
        cross = cross + cross * s + params[f'cross{i}_b']
    fin = jnp.concatenate([deep, cross], axis=1)
    out = fin @ params['W_final'] + params['b_final']
    return jnp.squeeze(out, axis=1)


def reference(user_ids, item_ids, cat_features, num_features, params):
    return _forward(user_ids, item_ids, cat_features, num_features, params)

if __name__ == "__main__":
    import jax
    _d = setup_inputs()
    print(jax.jit(kernel)(*tuple(_d.values())))

</pallas_src>

<mosaic_0001>
#map = affine_map<(d0, d1) -> (0, 0)>
#map1 = affine_map<(d0, d1) -> (0)>
module attributes {stable_mosaic.version = 14 : i64} {
  func.func @k(%arg0: i32, %arg1: i32, %arg2: memref<100000x128xf32, #tpu.memory_space<hbm>>, %arg3: memref<100000x128xf32, #tpu.memory_space<hbm>>, %arg4: memref<260000x128xf32, #tpu.memory_space<hbm>>, %arg5: memref<4096xi32, #tpu.memory_space<hbm>>, %arg6: memref<4096xi32, #tpu.memory_space<hbm>>, %arg7: memref<26x4096xi32, #tpu.memory_space<hbm>>, %arg8: memref<4096x3584xf32, #tpu.memory_space<hbm>>, %arg9: memref<128xi32, #tpu.memory_space<vmem>>, %arg10: memref<128x128xf32, #tpu.memory_space<vmem>>, %arg11: memref<128x128xf32, #tpu.memory_space<vmem>>, %arg12: memref<!tpu.dma_semaphore, #tpu.memory_space<semaphore_mem>>) attributes {dimension_semantics = [#tpu.dimension_semantics<core_parallel>, #tpu.dimension_semantics<subcore_parallel>], iteration_bounds = array<i64: 2, 16>, scalar_prefetch = 0 : i64, scratch_operands = 4 : i64, tpu.core_type = #tpu.core_type<sc_vector_subcore>, window_params = [{transform_indices = #map}, {transform_indices = #map}, {transform_indices = #map}, {transform_indices = #map1}, {transform_indices = #map1}, {transform_indices = #map}, {transform_indices = #map}]} {
    %mul3A = arith.constant 2 : i32
    %mul3A_0 = arith.muli %arg1, %mul3A : i32
    %add3A = arith.addi %mul3A_0, %arg0 : i32
    %mul3A_1 = arith.constant 128 : i32
    %mul3A_2 = arith.muli %add3A, %mul3A_1 : i32
    "tpu.region"() ({
      %run_scoped3A_194 = tpu.sem_alloc : memref<!tpu.dma_semaphore, #tpu.memory_space<semaphore_mem>>
      %dma_start3A_195 = tpu.memref_slice %arg5[%mul3A_2] : memref<4096xi32, #tpu.memory_space<hbm>> -> memref<128xi32, #tpu.memory_space<hbm>>
      %dma_start3A_196 = tpu.memref_slice %arg5[%mul3A_2] : memref<4096xi32, #tpu.memory_space<hbm>> -> memref<128xi32, #tpu.memory_space<hbm>>
      tpu.enqueue_dma source(%dma_start3A_196 : memref<128xi32, #tpu.memory_space<hbm>>) target(%arg9 : memref<128xi32, #tpu.memory_space<vmem>>) target_semaphore(%run_scoped3A_194 : memref<!tpu.dma_semaphore, #tpu.memory_space<semaphore_mem>>)
      %dma_wait3A_197 = tpu.memref_slice %arg5[%mul3A_2] : memref<4096xi32, #tpu.memory_space<hbm>> -> memref<128xi32, #tpu.memory_space<hbm>>
      %dma_wait3A_198 = tpu.memref_slice %arg5[%mul3A_2] : memref<4096xi32, #tpu.memory_space<hbm>> -> memref<128xi32, #tpu.memory_space<hbm>>
      tpu.wait_dma2 semaphore(%run_scoped3A_194 : memref<!tpu.dma_semaphore, #tpu.memory_space<semaphore_mem>>) src(%dma_wait3A_198 : memref<128xi32, #tpu.memory_space<hbm>>) dst(%arg9 : memref<128xi32, #tpu.memory_space<vmem>>)
      tpu.yield
    }) : () -> ()
    %dma_start3A = arith.constant 0 : i32
    %dma_start3A_3 = arith.constant 0 : i32
    %dma_start3A_4 = tpu.memref_slice %arg2[%dma_start3A, %dma_start3A_3] : memref<100000x128xf32, #tpu.memory_space<hbm>> -> memref<100000x128xf32, #tpu.memory_space<hbm>>
    tpu.enqueue_indirect_dma source(%dma_start3A_4 : memref<100000x128xf32, #tpu.memory_space<hbm>>) target(%arg10 : memref<128x128xf32, #tpu.memory_space<vmem>>) offsets(%arg9 : memref<128xi32, #tpu.memory_space<vmem>>) semaphore(%arg12 : memref<!tpu.dma_semaphore, #tpu.memory_space<semaphore_mem>>)
    %dma_wait3A = arith.constant 0 : i32
    %dma_wait3A_5 = arith.constant 0 : i32
    %dma_wait3A_6 = tpu.memref_slice %arg2[%dma_wait3A, %dma_wait3A_5] : memref<100000x128xf32, #tpu.memory_space<hbm>> -> memref<100000x128xf32, #tpu.memory_space<hbm>>
    tpu.wait_indirect_dma semaphore(%arg12 : memref<!tpu.dma_semaphore, #tpu.memory_space<semaphore_mem>>) src(%dma_wait3A_6 : memref<100000x128xf32, #tpu.memory_space<hbm>>) dst(%arg10 : memref<128x128xf32, #tpu.memory_space<vmem>>)
    "tpu.region"() ({
      %run_scoped3A_194 = tpu.sem_alloc : memref<!tpu.dma_semaphore, #tpu.memory_space<semaphore_mem>>
      %dma_start3A_195 = arith.constant 0 : i32
      %dma_start3A_196 = tpu.memref_slice %arg8[%mul3A_2, %dma_start3A_195] : memref<4096x3584xf32, #tpu.memory_space<hbm>> -> memref<128x128xf32, #tpu.memory_space<hbm>>
      %dma_start3A_197 = arith.constant 0 : i32
      %dma_start3A_198 = tpu.memref_slice %arg8[%mul3A_2, %dma_start3A_197] : memref<4096x3584xf32, #tpu.memory_space<hbm>> -> memref<128x128xf32, #tpu.memory_space<hbm>>
      tpu.enqueue_dma source(%arg10 : memref<128x128xf32, #tpu.memory_space<vmem>>) target(%dma_start3A_198 : memref<128x128xf32, #tpu.memory_space<hbm>>) target_semaphore(%run_scoped3A_194 : memref<!tpu.dma_semaphore, #tpu.memory_space<semaphore_mem>>)
      %dma_wait3A_199 = arith.constant 0 : i32
      %dma_wait3A_200 = tpu.memref_slice %arg8[%mul3A_2, %dma_wait3A_199] : memref<4096x3584xf32, #tpu.memory_space<hbm>> -> memref<128x128xf32, #tpu.memory_space<hbm>>
      %dma_wait3A_201 = arith.constant 0 : i32
      %dma_wait3A_202 = tpu.memref_slice %arg8[%mul3A_2, %dma_wait3A_201] : memref<4096x3584xf32, #tpu.memory_space<hbm>> -> memref<128x128xf32, #tpu.memory_space<hbm>>
      tpu.wait_dma2 semaphore(%run_scoped3A_194 : memref<!tpu.dma_semaphore, #tpu.memory_space<semaphore_mem>>) src(%arg10 : memref<128x128xf32, #tpu.memory_space<vmem>>) dst(%dma_wait3A_202 : memref<128x128xf32, #tpu.memory_space<hbm>>)
      tpu.yield
    }) : () -> ()
    "tpu.region"() ({
      %run_scoped3A_194 = tpu.sem_alloc : memref<!tpu.dma_semaphore, #tpu.memory_space<semaphore_mem>>
      %dma_start3A_195 = tpu.memref_slice %arg6[%mul3A_2] : memref<4096xi32, #tpu.memory_space<hbm>> -> memref<128xi32, #tpu.memory_space<hbm>>
      %dma_start3A_196 = tpu.memref_slice %arg6[%mul3A_2] : memref<4096xi32, #tpu.memory_space<hbm>> -> memref<128xi32, #tpu.memory_space<hbm>>
      tpu.enqueue_dma source(%dma_start3A_196 : memref<128xi32, #tpu.memory_space<hbm>>) target(%arg9 : memref<128xi32, #tpu.memory_space<vmem>>) target_semaphore(%run_scoped3A_194 : memref<!tpu.dma_semaphore, #tpu.memory_space<semaphore_mem>>)
      %dma_wait3A_197 = tpu.memref_slice %arg6[%mul3A_2] : memref<4096xi32, #tpu.memory_space<hbm>> -> memref<128xi32, #tpu.memory_space<hbm>>
      %dma_wait3A_198 = tpu.memref_slice %arg6[%mul3A_2] : memref<4096xi32, #tpu.memory_space<hbm>> -> memref<128xi32, #tpu.memory_space<hbm>>
      tpu.wait_dma2 semaphore(%run_scoped3A_194 : memref<!tpu.dma_semaphore, #tpu.memory_space<semaphore_mem>>) src(%dma_wait3A_198 : memref<128xi32, #tpu.memory_space<hbm>>) dst(%arg9 : memref<128xi32, #tpu.memory_space<vmem>>)
      tpu.yield
    }) : () -> ()
    %dma_start3A_7 = arith.constant 0 : i32
    %dma_start3A_8 = arith.constant 0 : i32
    %dma_start3A_9 = tpu.memref_slice %arg3[%dma_start3A_7, %dma_start3A_8] : memref<100000x128xf32, #tpu.memory_space<hbm>> -> memref<100000x128xf32, #tpu.memory_space<hbm>>
    tpu.enqueue_indirect_dma source(%dma_start3A_9 : memref<100000x128xf32, #tpu.memory_space<hbm>>) target(%arg10 : memref<128x128xf32, #tpu.memory_space<vmem>>) offsets(%arg9 : memref<128xi32, #tpu.memory_space<vmem>>) semaphore(%arg12 : memref<!tpu.dma_semaphore, #tpu.memory_space<semaphore_mem>>)
    %dma_wait3A_10 = arith.constant 0 : i32
    %dma_wait3A_11 = arith.constant 0 : i32
    %dma_wait3A_12 = tpu.memref_slice %arg3[%dma_wait3A_10, %dma_wait3A_11] : memref<100000x128xf32, #tpu.memory_space<hbm>> -> memref<100000x128xf32, #tpu.memory_space<hbm>>
    tpu.wait_indirect_dma semaphore(%arg12 : memref<!tpu.dma_semaphore, #tpu.memory_space<semaphore_mem>>) src(%dma_wait3A_12 : memref<100000x128xf32, #tpu.memory_space<hbm>>) dst(%arg10 : memref<128x128xf32, #tpu.memory_space<vmem>>)
    "tpu.region"() ({
      %run_scoped3A_194 = tpu.sem_alloc : memref<!tpu.dma_semaphore, #tpu.memory_space<semaphore_mem>>
      %dma_start3A_195 = arith.constant 128 : i32
      %dma_start3A_196 = tpu.memref_slice %arg8[%mul3A_2, %dma_start3A_195] : memref<4096x3584xf32, #tpu.memory_space<hbm>> -> memref<128x128xf32, #tpu.memory_space<hbm>>
      %dma_start3A_197 = arith.constant 128 : i32
      %dma_start3A_198 = tpu.memref_slice %arg8[%mul3A_2, %dma_start3A_197] : memref<4096x3584xf32, #tpu.memory_space<hbm>> -> memref<128x128xf32, #tpu.memory_space<hbm>>
      tpu.enqueue_dma source(%arg10 : memref<128x128xf32, #tpu.memory_space<vmem>>) target(%dma_start3A_198 : memref<128x128xf32, #tpu.memory_space<hbm>>) target_semaphore(%run_scoped3A_194 : memref<!tpu.dma_semaphore, #tpu.memory_space<semaphore_mem>>)
      %dma_wait3A_199 = arith.constant 128 : i32
      %dma_wait3A_200 = tpu.memref_slice %arg8[%mul3A_2, %dma_wait3A_199] : memref<4096x3584xf32, #tpu.memory_space<hbm>> -> memref<128x128xf32, #tpu.memory_space<hbm>>
      %dma_wait3A_201 = arith.constant 128 : i32
      %dma_wait3A_202 = tpu.memref_slice %arg8[%mul3A_2, %dma_wait3A_201] : memref<4096x3584xf32, #tpu.memory_space<hbm>> -> memref<128x128xf32, #tpu.memory_space<hbm>>
      tpu.wait_dma2 semaphore(%run_scoped3A_194 : memref<!tpu.dma_semaphore, #tpu.memory_space<semaphore_mem>>) src(%arg10 : memref<128x128xf32, #tpu.memory_space<vmem>>) dst(%dma_wait3A_202 : memref<128x128xf32, #tpu.memory_space<hbm>>)
      tpu.yield
    }) : () -> ()
    %run_scoped3A = arith.constant 0 : i32
    "tpu.region"() ({
      %run_scoped3A_194 = tpu.sem_alloc : memref<!tpu.dma_semaphore, #tpu.memory_space<semaphore_mem>>
      %dma_start3A_195 = tpu.memref_slice %arg7[%run_scoped3A, %mul3A_2] : memref<26x4096xi32, #tpu.memory_space<hbm>> -> memref<1x128xi32, #tpu.memory_space<hbm>>
      %dma_start3A_196 = tpu.memref_squeeze %dma_start3A_195 : memref<1x128xi32, #tpu.memory_space<hbm>> -> memref<128xi32, #tpu.memory_space<hbm>>
      %dma_start3A_197 = tpu.memref_slice %arg7[%run_scoped3A, %mul3A_2] : memref<26x4096xi32, #tpu.memory_space<hbm>> -> memref<1x128xi32, #tpu.memory_space<hbm>>
      %dma_start3A_198 = tpu.memref_squeeze %dma_start3A_197 : memref<1x128xi32, #tpu.memory_space<hbm>> -> memref<128xi32, #tpu.memory_space<hbm>>
      tpu.enqueue_dma source(%dma_start3A_198 : memref<128xi32, #tpu.memory_space<hbm>>) target(%arg9 : memref<128xi32, #tpu.memory_space<vmem>>) target_semaphore(%run_scoped3A_194 : memref<!tpu.dma_semaphore, #tpu.memory_space<semaphore_mem>>)
      %dma_wait3A_199 = tpu.memref_slice %arg7[%run_scoped3A, %mul3A_2] : memref<26x4096xi32, #tpu.memory_space<hbm>> -> memref<1x128xi32, #tpu.memory_space<hbm>>
      %dma_wait3A_200 = tpu.memref_squeeze %dma_wait3A_199 : memref<1x128xi32, #tpu.memory_space<hbm>> -> memref<128xi32, #tpu.memory_space<hbm>>
      %dma_wait3A_201 = tpu.memref_slice %arg7[%run_scoped3A, %mul3A_2] : memref<26x4096xi32, #tpu.memory_space<hbm>> -> memref<1x128xi32, #tpu.memory_space<hbm>>
      %dma_wait3A_202 = tpu.memref_squeeze %dma_wait3A_201 : memref<1x128xi32, #tpu.memory_space<hbm>> -> memref<128xi32, #tpu.memory_space<hbm>>
      tpu.wait_dma2 semaphore(%run_scoped3A_194 : memref<!tpu.dma_semaphore, #tpu.memory_space<semaphore_mem>>) src(%dma_wait3A_202 : memref<128xi32, #tpu.memory_space<hbm>>) dst(%arg9 : memref<128xi32, #tpu.memory_space<vmem>>)
      tpu.yield
    }) : () -> ()
    %dma_start3A_13 = arith.constant 0 : i32
    %dma_start3A_14 = arith.constant 0 : i32
    %dma_start3A_15 = tpu.memref_slice %arg4[%dma_start3A_13, %dma_start3A_14] : memref<260000x128xf32, #tpu.memory_space<hbm>> -> memref<260000x128xf32, #tpu.memory_space<hbm>>
    tpu.enqueue_indirect_dma source(%dma_start3A_15 : memref<260000x128xf32, #tpu.memory_space<hbm>>) target(%arg11 : memref<128x128xf32, #tpu.memory_space<vmem>>) offsets(%arg9 : memref<128xi32, #tpu.memory_space<vmem>>) semaphore(%arg12 : memref<!tpu.dma_semaphore, #tpu.memory_space<semaphore_mem>>)
    %dma_wait3A_16 = arith.constant 0 : i32
    %dma_wait3A_17 = arith.constant 0 : i32
    %dma_wait3A_18 = tpu.memref_slice %arg4[%dma_wait3A_16, %dma_wait3A_17] : memref<260000x128xf32, #tpu.memory_space<hbm>> -> memref<260000x128xf32, #tpu.memory_space<hbm>>
    tpu.wait_indirect_dma semaphore(%arg12 : memref<!tpu.dma_semaphore, #tpu.memory_space<semaphore_mem>>) src(%dma_wait3A_18 : memref<260000x128xf32, #tpu.memory_space<hbm>>) dst(%arg11 : memref<128x128xf32, #tpu.memory_space<vmem>>)
    "tpu.region"() ({
      %run_scoped3A_194 = tpu.sem_alloc : memref<!tpu.dma_semaphore, #tpu.memory_space<semaphore_mem>>
      %dma_start3A_195 = arith.constant 256 : i32
      %dma_start3A_196 = tpu.memref_slice %arg8[%mul3A_2, %dma_start3A_195] : memref<4096x3584xf32, #tpu.memory_space<hbm>> -> memref<128x128xf32, #tpu.memory_space<hbm>>
      %dma_start3A_197 = arith.constant 256 : i32
      %dma_start3A_198 = tpu.memref_slice %arg8[%mul3A_2, %dma_start3A_197] : memref<4096x3584xf32, #tpu.memory_space<hbm>> -> memref<128x128xf32, #tpu.memory_space<hbm>>
      tpu.enqueue_dma source(%arg11 : memref<128x128xf32, #tpu.memory_space<vmem>>) target(%dma_start3A_198 : memref<128x128xf32, #tpu.memory_space<hbm>>) target_semaphore(%run_scoped3A_194 : memref<!tpu.dma_semaphore, #tpu.memory_space<semaphore_mem>>)
      %dma_wait3A_199 = arith.constant 256 : i32
      %dma_wait3A_200 = tpu.memref_slice %arg8[%mul3A_2, %dma_wait3A_199] : memref<4096x3584xf32, #tpu.memory_space<hbm>> -> memref<128x128xf32, #tpu.memory_space<hbm>>
      %dma_wait3A_201 = arith.constant 256 : i32
      %dma_wait3A_202 = tpu.memref_slice %arg8[%mul3A_2, %dma_wait3A_201] : memref<4096x3584xf32, #tpu.memory_space<hbm>> -> memref<128x128xf32, #tpu.memory_space<hbm>>
      tpu.wait_dma2 semaphore(%run_scoped3A_194 : memref<!tpu.dma_semaphore, #tpu.memory_space<semaphore_mem>>) src(%arg11 : memref<128x128xf32, #tpu.memory_space<vmem>>) dst(%dma_wait3A_202 : memref<128x128xf32, #tpu.memory_space<hbm>>)
      tpu.yield
    }) : () -> ()
    %run_scoped3A_19 = arith.constant 1 : i32
    "tpu.region"() ({
      %run_scoped3A_194 = tpu.sem_alloc : memref<!tpu.dma_semaphore, #tpu.memory_space<semaphore_mem>>
      %dma_start3A_195 = tpu.memref_slice %arg7[%run_scoped3A_19, %mul3A_2] : memref<26x4096xi32, #tpu.memory_space<hbm>> -> memref<1x128xi32, #tpu.memory_space<hbm>>
      %dma_start3A_196 = tpu.memref_squeeze %dma_start3A_195 : memref<1x128xi32, #tpu.memory_space<hbm>> -> memref<128xi32, #tpu.memory_space<hbm>>
      %dma_start3A_197 = tpu.memref_slice %arg7[%run_scoped3A_19, %mul3A_2] : memref<26x4096xi32, #tpu.memory_space<hbm>> -> memref<1x128xi32, #tpu.memory_space<hbm>>
      %dma_start3A_198 = tpu.memref_squeeze %dma_start3A_197 : memref<1x128xi32, #tpu.memory_space<hbm>> -> memref<128xi32, #tpu.memory_space<hbm>>
      tpu.enqueue_dma source(%dma_start3A_198 : memref<128xi32, #tpu.memory_space<hbm>>) target(%arg9 : memref<128xi32, #tpu.memory_space<vmem>>) target_semaphore(%run_scoped3A_194 : memref<!tpu.dma_semaphore, #tpu.memory_space<semaphore_mem>>)
      %dma_wait3A_199 = tpu.memref_slice %arg7[%run_scoped3A_19, %mul3A_2] : memref<26x4096xi32, #tpu.memory_space<hbm>> -> memref<1x128xi32, #tpu.memory_space<hbm>>
      %dma_wait3A_200 = tpu.memref_squeeze %dma_wait3A_199 : memref<1x128xi32, #tpu.memory_space<hbm>> -> memref<128xi32, #tpu.memory_space<hbm>>
      %dma_wait3A_201 = tpu.memref_slice %arg7[%run_scoped3A_19, %mul3A_2] : memref<26x4096xi32, #tpu.memory_space<hbm>> -> memref<1x128xi32, #tpu.memory_space<hbm>>
      %dma_wait3A_202 = tpu.memref_squeeze %dma_wait3A_201 : memref<1x128xi32, #tpu.memory_space<hbm>> -> memref<128xi32, #tpu.memory_space<hbm>>
      tpu.wait_dma2 semaphore(%run_scoped3A_194 : memref<!tpu.dma_semaphore, #tpu.memory_space<semaphore_mem>>) src(%dma_wait3A_202 : memref<128xi32, #tpu.memory_space<hbm>>) dst(%arg9 : memref<128xi32, #tpu.memory_space<vmem>>)
      tpu.yield
    }) : () -> ()
    %dma_start3A_20 = arith.constant 0 : i32
    %dma_start3A_21 = arith.constant 0 : i32
    %dma_start3A_22 = tpu.memref_slice %arg4[%dma_start3A_20, %dma_start3A_21] : memref<260000x128xf32, #tpu.memory_space<hbm>> -> memref<260000x128xf32, #tpu.memory_space<hbm>>
    tpu.enqueue_indirect_dma source(%dma_start3A_22 : memref<260000x128xf32, #tpu.memory_space<hbm>>) target(%arg11 : memref<128x128xf32, #tpu.memory_space<vmem>>) offsets(%arg9 : memref<128xi32, #tpu.memory_space<vmem>>) semaphore(%arg12 : memref<!tpu.dma_semaphore, #tpu.memory_space<semaphore_mem>>)
    %dma_wait3A_23 = arith.constant 0 : i32
    %dma_wait3A_24 = arith.constant 0 : i32
    %dma_wait3A_25 = tpu.memref_slice %arg4[%dma_wait3A_23, %dma_wait3A_24] : memref<260000x128xf32, #tpu.memory_space<hbm>> -> memref<260000x128xf32, #tpu.memory_space<hbm>>
    tpu.wait_indirect_dma semaphore(%arg12 : memref<!tpu.dma_semaphore, #tpu.memory_space<semaphore_mem>>) src(%dma_wait3A_25 : memref<260000x128xf32, #tpu.memory_space<hbm>>) dst(%arg11 : memref<128x128xf32, #tpu.memory_space<vmem>>)
    "tpu.region"() ({
      %run_scoped3A_194 = tpu.sem_alloc : memref<!tpu.dma_semaphore, #tpu.memory_space<semaphore_mem>>
      %dma_start3A_195 = arith.constant 384 : i32
      %dma_start3A_196 = tpu.memref_slice %arg8[%mul3A_2, %dma_start3A_195] : memref<4096x3584xf32, #tpu.memory_space<hbm>> -> memref<128x128xf32, #tpu.memory_space<hbm>>
      %dma_start3A_197 = arith.constant 384 : i32
      %dma_start3A_198 = tpu.memref_slice %arg8[%mul3A_2, %dma_start3A_197] : memref<4096x3584xf32, #tpu.memory_space<hbm>> -> memref<128x128xf32, #tpu.memory_space<hbm>>
      tpu.enqueue_dma source(%arg11 : memref<128x128xf32, #tpu.memory_space<vmem>>) target(%dma_start3A_198 : memref<128x128xf32, #tpu.memory_space<hbm>>) target_semaphore(%run_scoped3A_194 : memref<!tpu.dma_semaphore, #tpu.memory_space<semaphore_mem>>)
      %dma_wait3A_199 = arith.constant 384 : i32
      %dma_wait3A_200 = tpu.memref_slice %arg8[%mul3A_2, %dma_wait3A_199] : memref<4096x3584xf32, #tpu.memory_space<hbm>> -> memref<128x128xf32, #tpu.memory_space<hbm>>
      %dma_wait3A_201 = arith.constant 384 : i32
      %dma_wait3A_202 = tpu.memref_slice %arg8[%mul3A_2, %dma_wait3A_201] : memref<4096x3584xf32, #tpu.memory_space<hbm>> -> memref<128x128xf32, #tpu.memory_space<hbm>>
      tpu.wait_dma2 semaphore(%run_scoped3A_194 : memref<!tpu.dma_semaphore, #tpu.memory_space<semaphore_mem>>) src(%arg11 : memref<128x128xf32, #tpu.memory_space<vmem>>) dst(%dma_wait3A_202 : memref<128x128xf32, #tpu.memory_space<hbm>>)
      tpu.yield
    }) : () -> ()
    %run_scoped3A_26 = arith.constant 2 : i32
    "tpu.region"() ({
      %run_scoped3A_194 = tpu.sem_alloc : memref<!tpu.dma_semaphore, #tpu.memory_space<semaphore_mem>>
      %dma_start3A_195 = tpu.memref_slice %arg7[%run_scoped3A_26, %mul3A_2] : memref<26x4096xi32, #tpu.memory_space<hbm>> -> memref<1x128xi32, #tpu.memory_space<hbm>>
      %dma_start3A_196 = tpu.memref_squeeze %dma_start3A_195 : memref<1x128xi32, #tpu.memory_space<hbm>> -> memref<128xi32, #tpu.memory_space<hbm>>
      %dma_start3A_197 = tpu.memref_slice %arg7[%run_scoped3A_26, %mul3A_2] : memref<26x4096xi32, #tpu.memory_space<hbm>> -> memref<1x128xi32, #tpu.memory_space<hbm>>
      %dma_start3A_198 = tpu.memref_squeeze %dma_start3A_197 : memref<1x128xi32, #tpu.memory_space<hbm>> -> memref<128xi32, #tpu.memory_space<hbm>>
      tpu.enqueue_dma source(%dma_start3A_198 : memref<128xi32, #tpu.memory_space<hbm>>) target(%arg9 : memref<128xi32, #tpu.memory_space<vmem>>) target_semaphore(%run_scoped3A_194 : memref<!tpu.dma_semaphore, #tpu.memory_space<semaphore_mem>>)
      %dma_wait3A_199 = tpu.memref_slice %arg7[%run_scoped3A_26, %mul3A_2] : memref<26x4096xi32, #tpu.memory_space<hbm>> -> memref<1x128xi32, #tpu.memory_space<hbm>>
      %dma_wait3A_200 = tpu.memref_squeeze %dma_wait3A_199 : memref<1x128xi32, #tpu.memory_space<hbm>> -> memref<128xi32, #tpu.memory_space<hbm>>
      %dma_wait3A_201 = tpu.memref_slice %arg7[%run_scoped3A_26, %mul3A_2] : memref<26x4096xi32, #tpu.memory_space<hbm>> -> memref<1x128xi32, #tpu.memory_space<hbm>>
      %dma_wait3A_202 = tpu.memref_squeeze %dma_wait3A_201 : memref<1x128xi32, #tpu.memory_space<hbm>> -> memref<128xi32, #tpu.memory_space<hbm>>
      tpu.wait_dma2 semaphore(%run_scoped3A_194 : memref<!tpu.dma_semaphore, #tpu.memory_space<semaphore_mem>>) src(%dma_wait3A_202 : memref<128xi32, #tpu.memory_space<hbm>>) dst(%arg9 : memref<128xi32, #tpu.memory_space<vmem>>)
      tpu.yield
    }) : () -> ()
    %dma_start3A_27 = arith.constant 0 : i32
    %dma_start3A_28 = arith.constant 0 : i32
    %dma_start3A_29 = tpu.memref_slice %arg4[%dma_start3A_27, %dma_start3A_28] : memref<260000x128xf32, #tpu.memory_space<hbm>> -> memref<260000x128xf32, #tpu.memory_space<hbm>>
    tpu.enqueue_indirect_dma source(%dma_start3A_29 : memref<260000x128xf32, #tpu.memory_space<hbm>>) target(%arg11 : memref<128x128xf32, #tpu.memory_space<vmem>>) offsets(%arg9 : memref<128xi32, #tpu.memory_space<vmem>>) semaphore(%arg12 : memref<!tpu.dma_semaphore, #tpu.memory_space<semaphore_mem>>)
    %dma_wait3A_30 = arith.constant 0 : i32
    %dma_wait3A_31 = arith.constant 0 : i32
    %dma_wait3A_32 = tpu.memref_slice %arg4[%dma_wait3A_30, %dma_wait3A_31] : memref<260000x128xf32, #tpu.memory_space<hbm>> -> memref<260000x128xf32, #tpu.memory_space<hbm>>
    tpu.wait_indirect_dma semaphore(%arg12 : memref<!tpu.dma_semaphore, #tpu.memory_space<semaphore_mem>>) src(%dma_wait3A_32 : memref<260000x128xf32, #tpu.memory_space<hbm>>) dst(%arg11 : memref<128x128xf32, #tpu.memory_space<vmem>>)
    "tpu.region"() ({
      %run_scoped3A_194 = tpu.sem_alloc : memref<!tpu.dma_semaphore, #tpu.memory_space<semaphore_mem>>
      %dma_start3A_195 = arith.constant 512 : i32
      %dma_start3A_196 = tpu.memref_slice %arg8[%mul3A_2, %dma_start3A_195] : memref<4096x3584xf32, #tpu.memory_space<hbm>> -> memref<128x128xf32, #tpu.memory_space<hbm>>
      %dma_start3A_197 = arith.constant 512 : i32
      %dma_start3A_198 = tpu.memref_slice %arg8[%mul3A_2, %dma_start3A_197] : memref<4096x3584xf32, #tpu.memory_space<hbm>> -> memref<128x128xf32, #tpu.memory_space<hbm>>
      tpu.enqueue_dma source(%arg11 : memref<128x128xf32, #tpu.memory_space<vmem>>) target(%dma_start3A_198 : memref<128x128xf32, #tpu.memory_space<hbm>>) target_semaphore(%run_scoped3A_194 : memref<!tpu.dma_semaphore, #tpu.memory_space<semaphore_mem>>)
      %dma_wait3A_199 = arith.constant 512 : i32
      %dma_wait3A_200 = tpu.memref_slice %arg8[%mul3A_2, %dma_wait3A_199] : memref<4096x3584xf32, #tpu.memory_space<hbm>> -> memref<128x128xf32, #tpu.memory_space<hbm>>
      %dma_wait3A_201 = arith.constant 512 : i32
      %dma_wait3A_202 = tpu.memref_slice %arg8[%mul3A_2, %dma_wait3A_201] : memref<4096x3584xf32, #tpu.memory_space<hbm>> -> memref<128x128xf32, #tpu.memory_space<hbm>>
      tpu.wait_dma2 semaphore(%run_scoped3A_194 : memref<!tpu.dma_semaphore, #tpu.memory_space<semaphore_mem>>) src(%arg11 : memref<128x128xf32, #tpu.memory_space<vmem>>) dst(%dma_wait3A_202 : memref<128x128xf32, #tpu.memory_space<hbm>>)
      tpu.yield
    }) : () -> ()
    %run_scoped3A_33 = arith.constant 3 : i32
    "tpu.region"() ({
      %run_scoped3A_194 = tpu.sem_alloc : memref<!tpu.dma_semaphore, #tpu.memory_space<semaphore_mem>>
      %dma_start3A_195 = tpu.memref_slice %arg7[%run_scoped3A_33, %mul3A_2] : memref<26x4096xi32, #tpu.memory_space<hbm>> -> memref<1x128xi32, #tpu.memory_space<hbm>>
      %dma_start3A_196 = tpu.memref_squeeze %dma_start3A_195 : memref<1x128xi32, #tpu.memory_space<hbm>> -> memref<128xi32, #tpu.memory_space<hbm>>
      %dma_start3A_197 = tpu.memref_slice %arg7[%run_scoped3A_33, %mul3A_2] : memref<26x4096xi32, #tpu.memory_space<hbm>> -> memref<1x128xi32, #tpu.memory_space<hbm>>
      %dma_start3A_198 = tpu.memref_squeeze %dma_start3A_197 : memref<1x128xi32, #tpu.memory_space<hbm>> -> memref<128xi32, #tpu.memory_space<hbm>>
      tpu.enqueue_dma source(%dma_start3A_198 : memref<128xi32, #tpu.memory_space<hbm>>) target(%arg9 : memref<128xi32, #tpu.memory_space<vmem>>) target_semaphore(%run_scoped3A_194 : memref<!tpu.dma_semaphore, #tpu.memory_space<semaphore_mem>>)
      %dma_wait3A_199 = tpu.memref_slice %arg7[%run_scoped3A_33, %mul3A_2] : memref<26x4096xi32, #tpu.memory_space<hbm>> -> memref<1x128xi32, #tpu.memory_space<hbm>>
      %dma_wait3A_200 = tpu.memref_squeeze %dma_wait3A_199 : memref<1x128xi32, #tpu.memory_space<hbm>> -> memref<128xi32, #tpu.memory_space<hbm>>
      %dma_wait3A_201 = tpu.memref_slice %arg7[%run_scoped3A_33, %mul3A_2] : memref<26x4096xi32, #tpu.memory_space<hbm>> -> memref<1x128xi32, #tpu.memory_space<hbm>>
      %dma_wait3A_202 = tpu.memref_squeeze %dma_wait3A_201 : memref<1x128xi32, #tpu.memory_space<hbm>> -> memref<128xi32, #tpu.memory_space<hbm>>
      tpu.wait_dma2 semaphore(%run_scoped3A_194 : memref<!tpu.dma_semaphore, #tpu.memory_space<semaphore_mem>>) src(%dma_wait3A_202 : memref<128xi32, #tpu.memory_space<hbm>>) dst(%arg9 : memref<128xi32, #tpu.memory_space<vmem>>)
      tpu.yield
    }) : () -> ()
    %dma_start3A_34 = arith.constant 0 : i32
    %dma_start3A_35 = arith.constant 0 : i32
    %dma_start3A_36 = tpu.memref_slice %arg4[%dma_start3A_34, %dma_start3A_35] : memref<260000x128xf32, #tpu.memory_space<hbm>> -> memref<260000x128xf32, #tpu.memory_space<hbm>>
    tpu.enqueue_indirect_dma source(%dma_start3A_36 : memref<260000x128xf32, #tpu.memory_space<hbm>>) target(%arg11 : memref<128x128xf32, #tpu.memory_space<vmem>>) offsets(%arg9 : memref<128xi32, #tpu.memory_space<vmem>>) semaphore(%arg12 : memref<!tpu.dma_semaphore, #tpu.memory_space<semaphore_mem>>)
    %dma_wait3A_37 = arith.constant 0 : i32
    %dma_wait3A_38 = arith.constant 0 : i32
    %dma_wait3A_39 = tpu.memref_slice %arg4[%dma_wait3A_37, %dma_wait3A_38] : memref<260000x128xf32, #tpu.memory_space<hbm>> -> memref<260000x128xf32, #tpu.memory_space<hbm>>
    tpu.wait_indirect_dma semaphore(%arg12 : memref<!tpu.dma_semaphore, #tpu.memory_space<semaphore_mem>>) src(%dma_wait3A_39 : memref<260000x128xf32, #tpu.memory_space<hbm>>) dst(%arg11 : memref<128x128xf32, #tpu.memory_space<vmem>>)
    "tpu.region"() ({
      %run_scoped3A_194 = tpu.sem_alloc : memref<!tpu.dma_semaphore, #tpu.memory_space<semaphore_mem>>
      %dma_start3A_195 = arith.constant 640 : i32
      %dma_start3A_196 = tpu.memref_slice %arg8[%mul3A_2, %dma_start3A_195] : memref<4096x3584xf32, #tpu.memory_space<hbm>> -> memref<128x128xf32, #tpu.memory_space<hbm>>
      %dma_start3A_197 = arith.constant 640 : i32
      %dma_start3A_198 = tpu.memref_slice %arg8[%mul3A_2, %dma_start3A_197] : memref<4096x3584xf32, #tpu.memory_space<hbm>> -> memref<128x128xf32, #tpu.memory_space<hbm>>
      tpu.enqueue_dma source(%arg11 : memref<128x128xf32, #tpu.memory_space<vmem>>) target(%dma_start3A_198 : memref<128x128xf32, #tpu.memory_space<hbm>>) target_semaphore(%run_scoped3A_194 : memref<!tpu.dma_semaphore, #tpu.memory_space<semaphore_mem>>)
      %dma_wait3A_199 = arith.constant 640 : i32
      %dma_wait3A_200 = tpu.memref_slice %arg8[%mul3A_2, %dma_wait3A_199] : memref<4096x3584xf32, #tpu.memory_space<hbm>> -> memref<128x128xf32, #tpu.memory_space<hbm>>
      %dma_wait3A_201 = arith.constant 640 : i32
      %dma_wait3A_202 = tpu.memref_slice %arg8[%mul3A_2, %dma_wait3A_201] : memref<4096x3584xf32, #tpu.memory_space<hbm>> -> memref<128x128xf32, #tpu.memory_space<hbm>>
      tpu.wait_dma2 semaphore(%run_scoped3A_194 : memref<!tpu.dma_semaphore, #tpu.memory_space<semaphore_mem>>) src(%arg11 : memref<128x128xf32, #tpu.memory_space<vmem>>) dst(%dma_wait3A_202 : memref<128x128xf32, #tpu.memory_space<hbm>>)
      tpu.yield
    }) : () -> ()
    %run_scoped3A_40 = arith.constant 4 : i32
    "tpu.region"() ({
      %run_scoped3A_194 = tpu.sem_alloc : memref<!tpu.dma_semaphore, #tpu.memory_space<semaphore_mem>>
      %dma_start3A_195 = tpu.memref_slice %arg7[%run_scoped3A_40, %mul3A_2] : memref<26x4096xi32, #tpu.memory_space<hbm>> -> memref<1x128xi32, #tpu.memory_space<hbm>>
      %dma_start3A_196 = tpu.memref_squeeze %dma_start3A_195 : memref<1x128xi32, #tpu.memory_space<hbm>> -> memref<128xi32, #tpu.memory_space<hbm>>
      %dma_start3A_197 = tpu.memref_slice %arg7[%run_scoped3A_40, %mul3A_2] : memref<26x4096xi32, #tpu.memory_space<hbm>> -> memref<1x128xi32, #tpu.memory_space<hbm>>
      %dma_start3A_198 = tpu.memref_squeeze %dma_start3A_197 : memref<1x128xi32, #tpu.memory_space<hbm>> -> memref<128xi32, #tpu.memory_space<hbm>>
      tpu.enqueue_dma source(%dma_start3A_198 : memref<128xi32, #tpu.memory_space<hbm>>) target(%arg9 : memref<128xi32, #tpu.memory_space<vmem>>) target_semaphore(%run_scoped3A_194 : memref<!tpu.dma_semaphore, #tpu.memory_space<semaphore_mem>>)
      %dma_wait3A_199 = tpu.memref_slice %arg7[%run_scoped3A_40, %mul3A_2] : memref<26x4096xi32, #tpu.memory_space<hbm>> -> memref<1x128xi32, #tpu.memory_space<hbm>>
      %dma_wait3A_200 = tpu.memref_squeeze %dma_wait3A_199 : memref<1x128xi32, #tpu.memory_space<hbm>> -> memref<128xi32, #tpu.memory_space<hbm>>
      %dma_wait3A_201 = tpu.memref_slice %arg7[%run_scoped3A_40, %mul3A_2] : memref<26x4096xi32, #tpu.memory_space<hbm>> -> memref<1x128xi32, #tpu.memory_space<hbm>>
      %dma_wait3A_202 = tpu.memref_squeeze %dma_wait3A_201 : memref<1x128xi32, #tpu.memory_space<hbm>> -> memref<128xi32, #tpu.memory_space<hbm>>
      tpu.wait_dma2 semaphore(%run_scoped3A_194 : memref<!tpu.dma_semaphore, #tpu.memory_space<semaphore_mem>>) src(%dma_wait3A_202 : memref<128xi32, #tpu.memory_space<hbm>>) dst(%arg9 : memref<128xi32, #tpu.memory_space<vmem>>)
      tpu.yield
    }) : () -> ()
    %dma_start3A_41 = arith.constant 0 : i32
    %dma_start3A_42 = arith.constant 0 : i32
    %dma_start3A_43 = tpu.memref_slice %arg4[%dma_start3A_41, %dma_start3A_42] : memref<260000x128xf32, #tpu.memory_space<hbm>> -> memref<260000x128xf32, #tpu.memory_space<hbm>>
    tpu.enqueue_indirect_dma source(%dma_start3A_43 : memref<260000x128xf32, #tpu.memory_space<hbm>>) target(%arg11 : memref<128x128xf32, #tpu.memory_space<vmem>>) offsets(%arg9 : memref<128xi32, #tpu.memory_space<vmem>>) semaphore(%arg12 : memref<!tpu.dma_semaphore, #tpu.memory_space<semaphore_mem>>)
    %dma_wait3A_44 = arith.constant 0 : i32
    %dma_wait3A_45 = arith.constant 0 : i32
    %dma_wait3A_46 = tpu.memref_slice %arg4[%dma_wait3A_44, %dma_wait3A_45] : memref<260000x128xf32, #tpu.memory_space<hbm>> -> memref<260000x128xf32, #tpu.memory_space<hbm>>
    tpu.wait_indirect_dma semaphore(%arg12 : memref<!tpu.dma_semaphore, #tpu.memory_space<semaphore_mem>>) src(%dma_wait3A_46 : memref<260000x128xf32, #tpu.memory_space<hbm>>) dst(%arg11 : memref<128x128xf32, #tpu.memory_space<vmem>>)
    "tpu.region"() ({
      %run_scoped3A_194 = tpu.sem_alloc : memref<!tpu.dma_semaphore, #tpu.memory_space<semaphore_mem>>
      %dma_start3A_195 = arith.constant 768 : i32
      %dma_start3A_196 = tpu.memref_slice %arg8[%mul3A_2, %dma_start3A_195] : memref<4096x3584xf32, #tpu.memory_space<hbm>> -> memref<128x128xf32, #tpu.memory_space<hbm>>
      %dma_start3A_197 = arith.constant 768 : i32
      %dma_start3A_198 = tpu.memref_slice %arg8[%mul3A_2, %dma_start3A_197] : memref<4096x3584xf32, #tpu.memory_space<hbm>> -> memref<128x128xf32, #tpu.memory_space<hbm>>
      tpu.enqueue_dma source(%arg11 : memref<128x128xf32, #tpu.memory_space<vmem>>) target(%dma_start3A_198 : memref<128x128xf32, #tpu.memory_space<hbm>>) target_semaphore(%run_scoped3A_194 : memref<!tpu.dma_semaphore, #tpu.memory_space<semaphore_mem>>)
      %dma_wait3A_199 = arith.constant 768 : i32
      %dma_wait3A_200 = tpu.memref_slice %arg8[%mul3A_2, %dma_wait3A_199] : memref<4096x3584xf32, #tpu.memory_space<hbm>> -> memref<128x128xf32, #tpu.memory_space<hbm>>
      %dma_wait3A_201 = arith.constant 768 : i32
      %dma_wait3A_202 = tpu.memref_slice %arg8[%mul3A_2, %dma_wait3A_201] : memref<4096x3584xf32, #tpu.memory_space<hbm>> -> memref<128x128xf32, #tpu.memory_space<hbm>>
      tpu.wait_dma2 semaphore(%run_scoped3A_194 : memref<!tpu.dma_semaphore, #tpu.memory_space<semaphore_mem>>) src(%arg11 : memref<128x128xf32, #tpu.memory_space<vmem>>) dst(%dma_wait3A_202 : memref<128x128xf32, #tpu.memory_space<hbm>>)
      tpu.yield
    }) : () -> ()
    %run_scoped3A_47 = arith.constant 5 : i32
    "tpu.region"() ({
      %run_scoped3A_194 = tpu.sem_alloc : memref<!tpu.dma_semaphore, #tpu.memory_space<semaphore_mem>>
      %dma_start3A_195 = tpu.memref_slice %arg7[%run_scoped3A_47, %mul3A_2] : memref<26x4096xi32, #tpu.memory_space<hbm>> -> memref<1x128xi32, #tpu.memory_space<hbm>>
      %dma_start3A_196 = tpu.memref_squeeze %dma_start3A_195 : memref<1x128xi32, #tpu.memory_space<hbm>> -> memref<128xi32, #tpu.memory_space<hbm>>
      %dma_start3A_197 = tpu.memref_slice %arg7[%run_scoped3A_47, %mul3A_2] : memref<26x4096xi32, #tpu.memory_space<hbm>> -> memref<1x128xi32, #tpu.memory_space<hbm>>
      %dma_start3A_198 = tpu.memref_squeeze %dma_start3A_197 : memref<1x128xi32, #tpu.memory_space<hbm>> -> memref<128xi32, #tpu.memory_space<hbm>>
      tpu.enqueue_dma source(%dma_start3A_198 : memref<128xi32, #tpu.memory_space<hbm>>) target(%arg9 : memref<128xi32, #tpu.memory_space<vmem>>) target_semaphore(%run_scoped3A_194 : memref<!tpu.dma_semaphore, #tpu.memory_space<semaphore_mem>>)
      %dma_wait3A_199 = tpu.memref_slice %arg7[%run_scoped3A_47, %mul3A_2] : memref<26x4096xi32, #tpu.memory_space<hbm>> -> memref<1x128xi32, #tpu.memory_space<hbm>>
      %dma_wait3A_200 = tpu.memref_squeeze %dma_wait3A_199 : memref<1x128xi32, #tpu.memory_space<hbm>> -> memref<128xi32, #tpu.memory_space<hbm>>
      %dma_wait3A_201 = tpu.memref_slice %arg7[%run_scoped3A_47, %mul3A_2] : memref<26x4096xi32, #tpu.memory_space<hbm>> -> memref<1x128xi32, #tpu.memory_space<hbm>>
      %dma_wait3A_202 = tpu.memref_squeeze %dma_wait3A_201 : memref<1x128xi32, #tpu.memory_space<hbm>> -> memref<128xi32, #tpu.memory_space<hbm>>
      tpu.wait_dma2 semaphore(%run_scoped3A_194 : memref<!tpu.dma_semaphore, #tpu.memory_space<semaphore_mem>>) src(%dma_wait3A_202 : memref<128xi32, #tpu.memory_space<hbm>>) dst(%arg9 : memref<128xi32, #tpu.memory_space<vmem>>)
      tpu.yield
    }) : () -> ()
    %dma_start3A_48 = arith.constant 0 : i32
    %dma_start3A_49 = arith.constant 0 : i32
    %dma_start3A_50 = tpu.memref_slice %arg4[%dma_start3A_48, %dma_start3A_49] : memref<260000x128xf32, #tpu.memory_space<hbm>> -> memref<260000x128xf32, #tpu.memory_space<hbm>>
    tpu.enqueue_indirect_dma source(%dma_start3A_50 : memref<260000x128xf32, #tpu.memory_space<hbm>>) target(%arg11 : memref<128x128xf32, #tpu.memory_space<vmem>>) offsets(%arg9 : memref<128xi32, #tpu.memory_space<vmem>>) semaphore(%arg12 : memref<!tpu.dma_semaphore, #tpu.memory_space<semaphore_mem>>)
    %dma_wait3A_51 = arith.constant 0 : i32
    %dma_wait3A_52 = arith.constant 0 : i32
    %dma_wait3A_53 = tpu.memref_slice %arg4[%dma_wait3A_51, %dma_wait3A_52] : memref<260000x128xf32, #tpu.memory_space<hbm>> -> memref<260000x128xf32, #tpu.memory_space<hbm>>
    tpu.wait_indirect_dma semaphore(%arg12 : memref<!tpu.dma_semaphore, #tpu.memory_space<semaphore_mem>>) src(%dma_wait3A_53 : memref<260000x128xf32, #tpu.memory_space<hbm>>) dst(%arg11 : memref<128x128xf32, #tpu.memory_space<vmem>>)
    "tpu.region"() ({
      %run_scoped3A_194 = tpu.sem_alloc : memref<!tpu.dma_semaphore, #tpu.memory_space<semaphore_mem>>
      %dma_start3A_195 = arith.constant 896 : i32
      %dma_start3A_196 = tpu.memref_slice %arg8[%mul3A_2, %dma_start3A_195] : memref<4096x3584xf32, #tpu.memory_space<hbm>> -> memref<128x128xf32, #tpu.memory_space<hbm>>
      %dma_start3A_197 = arith.constant 896 : i32
      %dma_start3A_198 = tpu.memref_slice %arg8[%mul3A_2, %dma_start3A_197] : memref<4096x3584xf32, #tpu.memory_space<hbm>> -> memref<128x128xf32, #tpu.memory_space<hbm>>
      tpu.enqueue_dma source(%arg11 : memref<128x128xf32, #tpu.memory_space<vmem>>) target(%dma_start3A_198 : memref<128x128xf32, #tpu.memory_space<hbm>>) target_semaphore(%run_scoped3A_194 : memref<!tpu.dma_semaphore, #tpu.memory_space<semaphore_mem>>)
      %dma_wait3A_199 = arith.constant 896 : i32
      %dma_wait3A_200 = tpu.memref_slice %arg8[%mul3A_2, %dma_wait3A_199] : memref<4096x3584xf32, #tpu.memory_space<hbm>> -> memref<128x128xf32, #tpu.memory_space<hbm>>
      %dma_wait3A_201 = arith.constant 896 : i32
      %dma_wait3A_202 = tpu.memref_slice %arg8[%mul3A_2, %dma_wait3A_201] : memref<4096x3584xf32, #tpu.memory_space<hbm>> -> memref<128x128xf32, #tpu.memory_space<hbm>>
      tpu.wait_dma2 semaphore(%run_scoped3A_194 : memref<!tpu.dma_semaphore, #tpu.memory_space<semaphore_mem>>) src(%arg11 : memref<128x128xf32, #tpu.memory_space<vmem>>) dst(%dma_wait3A_202 : memref<128x128xf32, #tpu.memory_space<hbm>>)
      tpu.yield
    }) : () -> ()
    %run_scoped3A_54 = arith.constant 6 : i32
    "tpu.region"() ({
      %run_scoped3A_194 = tpu.sem_alloc : memref<!tpu.dma_semaphore, #tpu.memory_space<semaphore_mem>>
      %dma_start3A_195 = tpu.memref_slice %arg7[%run_scoped3A_54, %mul3A_2] : memref<26x4096xi32, #tpu.memory_space<hbm>> -> memref<1x128xi32, #tpu.memory_space<hbm>>
      %dma_start3A_196 = tpu.memref_squeeze %dma_start3A_195 : memref<1x128xi32, #tpu.memory_space<hbm>> -> memref<128xi32, #tpu.memory_space<hbm>>
      %dma_start3A_197 = tpu.memref_slice %arg7[%run_scoped3A_54, %mul3A_2] : memref<26x4096xi32, #tpu.memory_space<hbm>> -> memref<1x128xi32, #tpu.memory_space<hbm>>
      %dma_start3A_198 = tpu.memref_squeeze %dma_start3A_197 : memref<1x128xi32, #tpu.memory_space<hbm>> -> memref<128xi32, #tpu.memory_space<hbm>>
      tpu.enqueue_dma source(%dma_start3A_198 : memref<128xi32, #tpu.memory_space<hbm>>) target(%arg9 : memref<128xi32, #tpu.memory_space<vmem>>) target_semaphore(%run_scoped3A_194 : memref<!tpu.dma_semaphore, #tpu.memory_space<semaphore_mem>>)
      %dma_wait3A_199 = tpu.memref_slice %arg7[%run_scoped3A_54, %mul3A_2] : memref<26x4096xi32, #tpu.memory_space<hbm>> -> memref<1x128xi32, #tpu.memory_space<hbm>>
      %dma_wait3A_200 = tpu.memref_squeeze %dma_wait3A_199 : memref<1x128xi32, #tpu.memory_space<hbm>> -> memref<128xi32, #tpu.memory_space<hbm>>
      %dma_wait3A_201 = tpu.memref_slice %arg7[%run_scoped3A_54, %mul3A_2] : memref<26x4096xi32, #tpu.memory_space<hbm>> -> memref<1x128xi32, #tpu.memory_space<hbm>>
      %dma_wait3A_202 = tpu.memref_squeeze %dma_wait3A_201 : memref<1x128xi32, #tpu.memory_space<hbm>> -> memref<128xi32, #tpu.memory_space<hbm>>
      tpu.wait_dma2 semaphore(%run_scoped3A_194 : memref<!tpu.dma_semaphore, #tpu.memory_space<semaphore_mem>>) src(%dma_wait3A_202 : memref<128xi32, #tpu.memory_space<hbm>>) dst(%arg9 : memref<128xi32, #tpu.memory_space<vmem>>)
      tpu.yield
    }) : () -> ()
    %dma_start3A_55 = arith.constant 0 : i32
    %dma_start3A_56 = arith.constant 0 : i32
    %dma_start3A_57 = tpu.memref_slice %arg4[%dma_start3A_55, %dma_start3A_56] : memref<260000x128xf32, #tpu.memory_space<hbm>> -> memref<260000x128xf32, #tpu.memory_space<hbm>>
    tpu.enqueue_indirect_dma source(%dma_start3A_57 : memref<260000x128xf32, #tpu.memory_space<hbm>>) target(%arg11 : memref<128x128xf32, #tpu.memory_space<vmem>>) offsets(%arg9 : memref<128xi32, #tpu.memory_space<vmem>>) semaphore(%arg12 : memref<!tpu.dma_semaphore, #tpu.memory_space<semaphore_mem>>)
    %dma_wait3A_58 = arith.constant 0 : i32
    %dma_wait3A_59 = arith.constant 0 : i32
    %dma_wait3A_60 = tpu.memref_slice %arg4[%dma_wait3A_58, %dma_wait3A_59] : memref<260000x128xf32, #tpu.memory_space<hbm>> -> memref<260000x128xf32, #tpu.memory_space<hbm>>
    tpu.wait_indirect_dma semaphore(%arg12 : memref<!tpu.dma_semaphore, #tpu.memory_space<semaphore_mem>>) src(%dma_wait3A_60 : memref<260000x128xf32, #tpu.memory_space<hbm>>) dst(%arg11 : memref<128x128xf32, #tpu.memory_space<vmem>>)
    "tpu.region"() ({
      %run_scoped3A_194 = tpu.sem_alloc : memref<!tpu.dma_semaphore, #tpu.memory_space<semaphore_mem>>
      %dma_start3A_195 = arith.constant 1024 : i32
      %dma_start3A_196 = tpu.memref_slice %arg8[%mul3A_2, %dma_start3A_195] : memref<4096x3584xf32, #tpu.memory_space<hbm>> -> memref<128x128xf32, #tpu.memory_space<hbm>>
      %dma_start3A_197 = arith.constant 1024 : i32
      %dma_start3A_198 = tpu.memref_slice %arg8[%mul3A_2, %dma_start3A_197] : memref<4096x3584xf32, #tpu.memory_space<hbm>> -> memref<128x128xf32, #tpu.memory_space<hbm>>
      tpu.enqueue_dma source(%arg11 : memref<128x128xf32, #tpu.memory_space<vmem>>) target(%dma_start3A_198 : memref<128x128xf32, #tpu.memory_space<hbm>>) target_semaphore(%run_scoped3A_194 : memref<!tpu.dma_semaphore, #tpu.memory_space<semaphore_mem>>)
      %dma_wait3A_199 = arith.constant 1024 : i32
      %dma_wait3A_200 = tpu.memref_slice %arg8[%mul3A_2, %dma_wait3A_199] : memref<4096x3584xf32, #tpu.memory_space<hbm>> -> memref<128x128xf32, #tpu.memory_space<hbm>>
      %dma_wait3A_201 = arith.constant 1024 : i32
      %dma_wait3A_202 = tpu.memref_slice %arg8[%mul3A_2, %dma_wait3A_201] : memref<4096x3584xf32, #tpu.memory_space<hbm>> -> memref<128x128xf32, #tpu.memory_space<hbm>>
      tpu.wait_dma2 semaphore(%run_scoped3A_194 : memref<!tpu.dma_semaphore, #tpu.memory_space<semaphore_mem>>) src(%arg11 : memref<128x128xf32, #tpu.memory_space<vmem>>) dst(%dma_wait3A_202 : memref<128x128xf32, #tpu.memory_space<hbm>>)
      tpu.yield
    }) : () -> ()
    %run_scoped3A_61 = arith.constant 7 : i32
    "tpu.region"() ({
      %run_scoped3A_194 = tpu.sem_alloc : memref<!tpu.dma_semaphore, #tpu.memory_space<semaphore_mem>>
      %dma_start3A_195 = tpu.memref_slice %arg7[%run_scoped3A_61, %mul3A_2] : memref<26x4096xi32, #tpu.memory_space<hbm>> -> memref<1x128xi32, #tpu.memory_space<hbm>>
      %dma_start3A_196 = tpu.memref_squeeze %dma_start3A_195 : memref<1x128xi32, #tpu.memory_space<hbm>> -> memref<128xi32, #tpu.memory_space<hbm>>
      %dma_start3A_197 = tpu.memref_slice %arg7[%run_scoped3A_61, %mul3A_2] : memref<26x4096xi32, #tpu.memory_space<hbm>> -> memref<1x128xi32, #tpu.memory_space<hbm>>
      %dma_start3A_198 = tpu.memref_squeeze %dma_start3A_197 : memref<1x128xi32, #tpu.memory_space<hbm>> -> memref<128xi32, #tpu.memory_space<hbm>>
      tpu.enqueue_dma source(%dma_start3A_198 : memref<128xi32, #tpu.memory_space<hbm>>) target(%arg9 : memref<128xi32, #tpu.memory_space<vmem>>) target_semaphore(%run_scoped3A_194 : memref<!tpu.dma_semaphore, #tpu.memory_space<semaphore_mem>>)
      %dma_wait3A_199 = tpu.memref_slice %arg7[%run_scoped3A_61, %mul3A_2] : memref<26x4096xi32, #tpu.memory_space<hbm>> -> memref<1x128xi32, #tpu.memory_space<hbm>>
      %dma_wait3A_200 = tpu.memref_squeeze %dma_wait3A_199 : memref<1x128xi32, #tpu.memory_space<hbm>> -> memref<128xi32, #tpu.memory_space<hbm>>
      %dma_wait3A_201 = tpu.memref_slice %arg7[%run_scoped3A_61, %mul3A_2] : memref<26x4096xi32, #tpu.memory_space<hbm>> -> memref<1x128xi32, #tpu.memory_space<hbm>>
      %dma_wait3A_202 = tpu.memref_squeeze %dma_wait3A_201 : memref<1x128xi32, #tpu.memory_space<hbm>> -> memref<128xi32, #tpu.memory_space<hbm>>
      tpu.wait_dma2 semaphore(%run_scoped3A_194 : memref<!tpu.dma_semaphore, #tpu.memory_space<semaphore_mem>>) src(%dma_wait3A_202 : memref<128xi32, #tpu.memory_space<hbm>>) dst(%arg9 : memref<128xi32, #tpu.memory_space<vmem>>)
      tpu.yield
    }) : () -> ()
    %dma_start3A_62 = arith.constant 0 : i32
    %dma_start3A_63 = arith.constant 0 : i32
    %dma_start3A_64 = tpu.memref_slice %arg4[%dma_start3A_62, %dma_start3A_63] : memref<260000x128xf32, #tpu.memory_space<hbm>> -> memref<260000x128xf32, #tpu.memory_space<hbm>>
    tpu.enqueue_indirect_dma source(%dma_start3A_64 : memref<260000x128xf32, #tpu.memory_space<hbm>>) target(%arg11 : memref<128x128xf32, #tpu.memory_space<vmem>>) offsets(%arg9 : memref<128xi32, #tpu.memory_space<vmem>>) semaphore(%arg12 : memref<!tpu.dma_semaphore, #tpu.memory_space<semaphore_mem>>)
    %dma_wait3A_65 = arith.constant 0 : i32
    %dma_wait3A_66 = arith.constant 0 : i32
    %dma_wait3A_67 = tpu.memref_slice %arg4[%dma_wait3A_65, %dma_wait3A_66] : memref<260000x128xf32, #tpu.memory_space<hbm>> -> memref<260000x128xf32, #tpu.memory_space<hbm>>
    tpu.wait_indirect_dma semaphore(%arg12 : memref<!tpu.dma_semaphore, #tpu.memory_space<semaphore_mem>>) src(%dma_wait3A_67 : memref<260000x128xf32, #tpu.memory_space<hbm>>) dst(%arg11 : memref<128x128xf32, #tpu.memory_space<vmem>>)
    "tpu.region"() ({
      %run_scoped3A_194 = tpu.sem_alloc : memref<!tpu.dma_semaphore, #tpu.memory_space<semaphore_mem>>
      %dma_start3A_195 = arith.constant 1152 : i32
      %dma_start3A_196 = tpu.memref_slice %arg8[%mul3A_2, %dma_start3A_195] : memref<4096x3584xf32, #tpu.memory_space<hbm>> -> memref<128x128xf32, #tpu.memory_space<hbm>>
      %dma_start3A_197 = arith.constant 1152 : i32
      %dma_start3A_198 = tpu.memref_slice %arg8[%mul3A_2, %dma_start3A_197] : memref<4096x3584xf32, #tpu.memory_space<hbm>> -> memref<128x128xf32, #tpu.memory_space<hbm>>
      tpu.enqueue_dma source(%arg11 : memref<128x128xf32, #tpu.memory_space<vmem>>) target(%dma_start3A_198 : memref<128x128xf32, #tpu.memory_space<hbm>>) target_semaphore(%run_scoped3A_194 : memref<!tpu.dma_semaphore, #tpu.memory_space<semaphore_mem>>)
      %dma_wait3A_199 = arith.constant 1152 : i32
      %dma_wait3A_200 = tpu.memref_slice %arg8[%mul3A_2, %dma_wait3A_199] : memref<4096x3584xf32, #tpu.memory_space<hbm>> -> memref<128x128xf32, #tpu.memory_space<hbm>>
      %dma_wait3A_201 = arith.constant 1152 : i32
      %dma_wait3A_202 = tpu.memref_slice %arg8[%mul3A_2, %dma_wait3A_201] : memref<4096x3584xf32, #tpu.memory_space<hbm>> -> memref<128x128xf32, #tpu.memory_space<hbm>>
      tpu.wait_dma2 semaphore(%run_scoped3A_194 : memref<!tpu.dma_semaphore, #tpu.memory_space<semaphore_mem>>) src(%arg11 : memref<128x128xf32, #tpu.memory_space<vmem>>) dst(%dma_wait3A_202 : memref<128x128xf32, #tpu.memory_space<hbm>>)
      tpu.yield
    }) : () -> ()
    %run_scoped3A_68 = arith.constant 8 : i32
    "tpu.region"() ({
      %run_scoped3A_194 = tpu.sem_alloc : memref<!tpu.dma_semaphore, #tpu.memory_space<semaphore_mem>>
      %dma_start3A_195 = tpu.memref_slice %arg7[%run_scoped3A_68, %mul3A_2] : memref<26x4096xi32, #tpu.memory_space<hbm>> -> memref<1x128xi32, #tpu.memory_space<hbm>>
      %dma_start3A_196 = tpu.memref_squeeze %dma_start3A_195 : memref<1x128xi32, #tpu.memory_space<hbm>> -> memref<128xi32, #tpu.memory_space<hbm>>
      %dma_start3A_197 = tpu.memref_slice %arg7[%run_scoped3A_68, %mul3A_2] : memref<26x4096xi32, #tpu.memory_space<hbm>> -> memref<1x128xi32, #tpu.memory_space<hbm>>
      %dma_start3A_198 = tpu.memref_squeeze %dma_start3A_197 : memref<1x128xi32, #tpu.memory_space<hbm>> -> memref<128xi32, #tpu.memory_space<hbm>>
      tpu.enqueue_dma source(%dma_start3A_198 : memref<128xi32, #tpu.memory_space<hbm>>) target(%arg9 : memref<128xi32, #tpu.memory_space<vmem>>) target_semaphore(%run_scoped3A_194 : memref<!tpu.dma_semaphore, #tpu.memory_space<semaphore_mem>>)
      %dma_wait3A_199 = tpu.memref_slice %arg7[%run_scoped3A_68, %mul3A_2] : memref<26x4096xi32, #tpu.memory_space<hbm>> -> memref<1x128xi32, #tpu.memory_space<hbm>>
      %dma_wait3A_200 = tpu.memref_squeeze %dma_wait3A_199 : memref<1x128xi32, #tpu.memory_space<hbm>> -> memref<128xi32, #tpu.memory_space<hbm>>
      %dma_wait3A_201 = tpu.memref_slice %arg7[%run_scoped3A_68, %mul3A_2] : memref<26x4096xi32, #tpu.memory_space<hbm>> -> memref<1x128xi32, #tpu.memory_space<hbm>>
      %dma_wait3A_202 = tpu.memref_squeeze %dma_wait3A_201 : memref<1x128xi32, #tpu.memory_space<hbm>> -> memref<128xi32, #tpu.memory_space<hbm>>
      tpu.wait_dma2 semaphore(%run_scoped3A_194 : memref<!tpu.dma_semaphore, #tpu.memory_space<semaphore_mem>>) src(%dma_wait3A_202 : memref<128xi32, #tpu.memory_space<hbm>>) dst(%arg9 : memref<128xi32, #tpu.memory_space<vmem>>)
      tpu.yield
    }) : () -> ()
    %dma_start3A_69 = arith.constant 0 : i32
    %dma_start3A_70 = arith.constant 0 : i32
    %dma_start3A_71 = tpu.memref_slice %arg4[%dma_start3A_69, %dma_start3A_70] : memref<260000x128xf32, #tpu.memory_space<hbm>> -> memref<260000x128xf32, #tpu.memory_space<hbm>>
    tpu.enqueue_indirect_dma source(%dma_start3A_71 : memref<260000x128xf32, #tpu.memory_space<hbm>>) target(%arg11 : memref<128x128xf32, #tpu.memory_space<vmem>>) offsets(%arg9 : memref<128xi32, #tpu.memory_space<vmem>>) semaphore(%arg12 : memref<!tpu.dma_semaphore, #tpu.memory_space<semaphore_mem>>)
    %dma_wait3A_72 = arith.constant 0 : i32
    %dma_wait3A_73 = arith.constant 0 : i32
    %dma_wait3A_74 = tpu.memref_slice %arg4[%dma_wait3A_72, %dma_wait3A_73] : memref<260000x128xf32, #tpu.memory_space<hbm>> -> memref<260000x128xf32, #tpu.memory_space<hbm>>
    tpu.wait_indirect_dma semaphore(%arg12 : memref<!tpu.dma_semaphore, #tpu.memory_space<semaphore_mem>>) src(%dma_wait3A_74 : memref<260000x128xf32, #tpu.memory_space<hbm>>) dst(%arg11 : memref<128x128xf32, #tpu.memory_space<vmem>>)
    "tpu.region"() ({
      %run_scoped3A_194 = tpu.sem_alloc : memref<!tpu.dma_semaphore, #tpu.memory_space<semaphore_mem>>
      %dma_start3A_195 = arith.constant 1280 : i32
      %dma_start3A_196 = tpu.memref_slice %arg8[%mul3A_2, %dma_start3A_195] : memref<4096x3584xf32, #tpu.memory_space<hbm>> -> memref<128x128xf32, #tpu.memory_space<hbm>>
      %dma_start3A_197 = arith.constant 1280 : i32
      %dma_start3A_198 = tpu.memref_slice %arg8[%mul3A_2, %dma_start3A_197] : memref<4096x3584xf32, #tpu.memory_space<hbm>> -> memref<128x128xf32, #tpu.memory_space<hbm>>
      tpu.enqueue_dma source(%arg11 : memref<128x128xf32, #tpu.memory_space<vmem>>) target(%dma_start3A_198 : memref<128x128xf32, #tpu.memory_space<hbm>>) target_semaphore(%run_scoped3A_194 : memref<!tpu.dma_semaphore, #tpu.memory_space<semaphore_mem>>)
      %dma_wait3A_199 = arith.constant 1280 : i32
      %dma_wait3A_200 = tpu.memref_slice %arg8[%mul3A_2, %dma_wait3A_199] : memref<4096x3584xf32, #tpu.memory_space<hbm>> -> memref<128x128xf32, #tpu.memory_space<hbm>>
      %dma_wait3A_201 = arith.constant 1280 : i32
      %dma_wait3A_202 = tpu.memref_slice %arg8[%mul3A_2, %dma_wait3A_201] : memref<4096x3584xf32, #tpu.memory_space<hbm>> -> memref<128x128xf32, #tpu.memory_space<hbm>>
      tpu.wait_dma2 semaphore(%run_scoped3A_194 : memref<!tpu.dma_semaphore, #tpu.memory_space<semaphore_mem>>) src(%arg11 : memref<128x128xf32, #tpu.memory_space<vmem>>) dst(%dma_wait3A_202 : memref<128x128xf32, #tpu.memory_space<hbm>>)
      tpu.yield
    }) : () -> ()
    %run_scoped3A_75 = arith.constant 9 : i32
    "tpu.region"() ({
      %run_scoped3A_194 = tpu.sem_alloc : memref<!tpu.dma_semaphore, #tpu.memory_space<semaphore_mem>>
      %dma_start3A_195 = tpu.memref_slice %arg7[%run_scoped3A_75, %mul3A_2] : memref<26x4096xi32, #tpu.memory_space<hbm>> -> memref<1x128xi32, #tpu.memory_space<hbm>>
      %dma_start3A_196 = tpu.memref_squeeze %dma_start3A_195 : memref<1x128xi32, #tpu.memory_space<hbm>> -> memref<128xi32, #tpu.memory_space<hbm>>
      %dma_start3A_197 = tpu.memref_slice %arg7[%run_scoped3A_75, %mul3A_2] : memref<26x4096xi32, #tpu.memory_space<hbm>> -> memref<1x128xi32, #tpu.memory_space<hbm>>
      %dma_start3A_198 = tpu.memref_squeeze %dma_start3A_197 : memref<1x128xi32, #tpu.memory_space<hbm>> -> memref<128xi32, #tpu.memory_space<hbm>>
      tpu.enqueue_dma source(%dma_start3A_198 : memref<128xi32, #tpu.memory_space<hbm>>) target(%arg9 : memref<128xi32, #tpu.memory_space<vmem>>) target_semaphore(%run_scoped3A_194 : memref<!tpu.dma_semaphore, #tpu.memory_space<semaphore_mem>>)
      %dma_wait3A_199 = tpu.memref_slice %arg7[%run_scoped3A_75, %mul3A_2] : memref<26x4096xi32, #tpu.memory_space<hbm>> -> memref<1x128xi32, #tpu.memory_space<hbm>>
      %dma_wait3A_200 = tpu.memref_squeeze %dma_wait3A_199 : memref<1x128xi32, #tpu.memory_space<hbm>> -> memref<128xi32, #tpu.memory_space<hbm>>
      %dma_wait3A_201 = tpu.memref_slice %arg7[%run_scoped3A_75, %mul3A_2] : memref<26x4096xi32, #tpu.memory_space<hbm>> -> memref<1x128xi32, #tpu.memory_space<hbm>>
      %dma_wait3A_202 = tpu.memref_squeeze %dma_wait3A_201 : memref<1x128xi32, #tpu.memory_space<hbm>> -> memref<128xi32, #tpu.memory_space<hbm>>
      tpu.wait_dma2 semaphore(%run_scoped3A_194 : memref<!tpu.dma_semaphore, #tpu.memory_space<semaphore_mem>>) src(%dma_wait3A_202 : memref<128xi32, #tpu.memory_space<hbm>>) dst(%arg9 : memref<128xi32, #tpu.memory_space<vmem>>)
      tpu.yield
    }) : () -> ()
    %dma_start3A_76 = arith.constant 0 : i32
    %dma_start3A_77 = arith.constant 0 : i32
    %dma_start3A_78 = tpu.memref_slice %arg4[%dma_start3A_76, %dma_start3A_77] : memref<260000x128xf32, #tpu.memory_space<hbm>> -> memref<260000x128xf32, #tpu.memory_space<hbm>>
    tpu.enqueue_indirect_dma source(%dma_start3A_78 : memref<260000x128xf32, #tpu.memory_space<hbm>>) target(%arg11 : memref<128x128xf32, #tpu.memory_space<vmem>>) offsets(%arg9 : memref<128xi32, #tpu.memory_space<vmem>>) semaphore(%arg12 : memref<!tpu.dma_semaphore, #tpu.memory_space<semaphore_mem>>)
    %dma_wait3A_79 = arith.constant 0 : i32
    %dma_wait3A_80 = arith.constant 0 : i32
    %dma_wait3A_81 = tpu.memref_slice %arg4[%dma_wait3A_79, %dma_wait3A_80] : memref<260000x128xf32, #tpu.memory_space<hbm>> -> memref<260000x128xf32, #tpu.memory_space<hbm>>
    tpu.wait_indirect_dma semaphore(%arg12 : memref<!tpu.dma_semaphore, #tpu.memory_space<semaphore_mem>>) src(%dma_wait3A_81 : memref<260000x128xf32, #tpu.memory_space<hbm>>) dst(%arg11 : memref<128x128xf32, #tpu.memory_space<vmem>>)
    "tpu.region"() ({
      %run_scoped3A_194 = tpu.sem_alloc : memref<!tpu.dma_semaphore, #tpu.memory_space<semaphore_mem>>
      %dma_start3A_195 = arith.constant 1408 : i32
      %dma_start3A_196 = tpu.memref_slice %arg8[%mul3A_2, %dma_start3A_195] : memref<4096x3584xf32, #tpu.memory_space<hbm>> -> memref<128x128xf32, #tpu.memory_space<hbm>>
      %dma_start3A_197 = arith.constant 1408 : i32
      %dma_start3A_198 = tpu.memref_slice %arg8[%mul3A_2, %dma_start3A_197] : memref<4096x3584xf32, #tpu.memory_space<hbm>> -> memref<128x128xf32, #tpu.memory_space<hbm>>
      tpu.enqueue_dma source(%arg11 : memref<128x128xf32, #tpu.memory_space<vmem>>) target(%dma_start3A_198 : memref<128x128xf32, #tpu.memory_space<hbm>>) target_semaphore(%run_scoped3A_194 : memref<!tpu.dma_semaphore, #tpu.memory_space<semaphore_mem>>)
      %dma_wait3A_199 = arith.constant 1408 : i32
      %dma_wait3A_200 = tpu.memref_slice %arg8[%mul3A_2, %dma_wait3A_199] : memref<4096x3584xf32, #tpu.memory_space<hbm>> -> memref<128x128xf32, #tpu.memory_space<hbm>>
      %dma_wait3A_201 = arith.constant 1408 : i32
      %dma_wait3A_202 = tpu.memref_slice %arg8[%mul3A_2, %dma_wait3A_201] : memref<4096x3584xf32, #tpu.memory_space<hbm>> -> memref<128x128xf32, #tpu.memory_space<hbm>>
      tpu.wait_dma2 semaphore(%run_scoped3A_194 : memref<!tpu.dma_semaphore, #tpu.memory_space<semaphore_mem>>) src(%arg11 : memref<128x128xf32, #tpu.memory_space<vmem>>) dst(%dma_wait3A_202 : memref<128x128xf32, #tpu.memory_space<hbm>>)
      tpu.yield
    }) : () -> ()
    %run_scoped3A_82 = arith.constant 10 : i32
    "tpu.region"() ({
      %run_scoped3A_194 = tpu.sem_alloc : memref<!tpu.dma_semaphore, #tpu.memory_space<semaphore_mem>>
      %dma_start3A_195 = tpu.memref_slice %arg7[%run_scoped3A_82, %mul3A_2] : memref<26x4096xi32, #tpu.memory_space<hbm>> -> memref<1x128xi32, #tpu.memory_space<hbm>>
      %dma_start3A_196 = tpu.memref_squeeze %dma_start3A_195 : memref<1x128xi32, #tpu.memory_space<hbm>> -> memref<128xi32, #tpu.memory_space<hbm>>
      %dma_start3A_197 = tpu.memref_slice %arg7[%run_scoped3A_82, %mul3A_2] : memref<26x4096xi32, #tpu.memory_space<hbm>> -> memref<1x128xi32, #tpu.memory_space<hbm>>
      %dma_start3A_198 = tpu.memref_squeeze %dma_start3A_197 : memref<1x128xi32, #tpu.memory_space<hbm>> -> memref<128xi32, #tpu.memory_space<hbm>>
      tpu.enqueue_dma source(%dma_start3A_198 : memref<128xi32, #tpu.memory_space<hbm>>) target(%arg9 : memref<128xi32, #tpu.memory_space<vmem>>) target_semaphore(%run_scoped3A_194 : memref<!tpu.dma_semaphore, #tpu.memory_space<semaphore_mem>>)
      %dma_wait3A_199 = tpu.memref_slice %arg7[%run_scoped3A_82, %mul3A_2] : memref<26x4096xi32, #tpu.memory_space<hbm>> -> memref<1x128xi32, #tpu.memory_space<hbm>>
      %dma_wait3A_200 = tpu.memref_squeeze %dma_wait3A_199 : memref<1x128xi32, #tpu.memory_space<hbm>> -> memref<128xi32, #tpu.memory_space<hbm>>
      %dma_wait3A_201 = tpu.memref_slice %arg7[%run_scoped3A_82, %mul3A_2] : memref<26x4096xi32, #tpu.memory_space<hbm>> -> memref<1x128xi32, #tpu.memory_space<hbm>>
      %dma_wait3A_202 = tpu.memref_squeeze %dma_wait3A_201 : memref<1x128xi32, #tpu.memory_space<hbm>> -> memref<128xi32, #tpu.memory_space<hbm>>
      tpu.wait_dma2 semaphore(%run_scoped3A_194 : memref<!tpu.dma_semaphore, #tpu.memory_space<semaphore_mem>>) src(%dma_wait3A_202 : memref<128xi32, #tpu.memory_space<hbm>>) dst(%arg9 : memref<128xi32, #tpu.memory_space<vmem>>)
      tpu.yield
    }) : () -> ()
    %dma_start3A_83 = arith.constant 0 : i32
    %dma_start3A_84 = arith.constant 0 : i32
    %dma_start3A_85 = tpu.memref_slice %arg4[%dma_start3A_83, %dma_start3A_84] : memref<260000x128xf32, #tpu.memory_space<hbm>> -> memref<260000x128xf32, #tpu.memory_space<hbm>>
    tpu.enqueue_indirect_dma source(%dma_start3A_85 : memref<260000x128xf32, #tpu.memory_space<hbm>>) target(%arg11 : memref<128x128xf32, #tpu.memory_space<vmem>>) offsets(%arg9 : memref<128xi32, #tpu.memory_space<vmem>>) semaphore(%arg12 : memref<!tpu.dma_semaphore, #tpu.memory_space<semaphore_mem>>)
    %dma_wait3A_86 = arith.constant 0 : i32
    %dma_wait3A_87 = arith.constant 0 : i32
    %dma_wait3A_88 = tpu.memref_slice %arg4[%dma_wait3A_86, %dma_wait3A_87] : memref<260000x128xf32, #tpu.memory_space<hbm>> -> memref<260000x128xf32, #tpu.memory_space<hbm>>
    tpu.wait_indirect_dma semaphore(%arg12 : memref<!tpu.dma_semaphore, #tpu.memory_space<semaphore_mem>>) src(%dma_wait3A_88 : memref<260000x128xf32, #tpu.memory_space<hbm>>) dst(%arg11 : memref<128x128xf32, #tpu.memory_space<vmem>>)
    "tpu.region"() ({
      %run_scoped3A_194 = tpu.sem_alloc : memref<!tpu.dma_semaphore, #tpu.memory_space<semaphore_mem>>
      %dma_start3A_195 = arith.constant 1536 : i32
      %dma_start3A_196 = tpu.memref_slice %arg8[%mul3A_2, %dma_start3A_195] : memref<4096x3584xf32, #tpu.memory_space<hbm>> -> memref<128x128xf32, #tpu.memory_space<hbm>>
      %dma_start3A_197 = arith.constant 1536 : i32
      %dma_start3A_198 = tpu.memref_slice %arg8[%mul3A_2, %dma_start3A_197] : memref<4096x3584xf32, #tpu.memory_space<hbm>> -> memref<128x128xf32, #tpu.memory_space<hbm>>
      tpu.enqueue_dma source(%arg11 : memref<128x128xf32, #tpu.memory_space<vmem>>) target(%dma_start3A_198 : memref<128x128xf32, #tpu.memory_space<hbm>>) target_semaphore(%run_scoped3A_194 : memref<!tpu.dma_semaphore, #tpu.memory_space<semaphore_mem>>)
      %dma_wait3A_199 = arith.constant 1536 : i32
      %dma_wait3A_200 = tpu.memref_slice %arg8[%mul3A_2, %dma_wait3A_199] : memref<4096x3584xf32, #tpu.memory_space<hbm>> -> memref<128x128xf32, #tpu.memory_space<hbm>>
      %dma_wait3A_201 = arith.constant 1536 : i32
      %dma_wait3A_202 = tpu.memref_slice %arg8[%mul3A_2, %dma_wait3A_201] : memref<4096x3584xf32, #tpu.memory_space<hbm>> -> memref<128x128xf32, #tpu.memory_space<hbm>>
      tpu.wait_dma2 semaphore(%run_scoped3A_194 : memref<!tpu.dma_semaphore, #tpu.memory_space<semaphore_mem>>) src(%arg11 : memref<128x128xf32, #tpu.memory_space<vmem>>) dst(%dma_wait3A_202 : memref<128x128xf32, #tpu.memory_space<hbm>>)
      tpu.yield
    }) : () -> ()
    %run_scoped3A_89 = arith.constant 11 : i32
    "tpu.region"() ({
      %run_scoped3A_194 = tpu.sem_alloc : memref<!tpu.dma_semaphore, #tpu.memory_space<semaphore_mem>>
      %dma_start3A_195 = tpu.memref_slice %arg7[%run_scoped3A_89, %mul3A_2] : memref<26x4096xi32, #tpu.memory_space<hbm>> -> memref<1x128xi32, #tpu.memory_space<hbm>>
      %dma_start3A_196 = tpu.memref_squeeze %dma_start3A_195 : memref<1x128xi32, #tpu.memory_space<hbm>> -> memref<128xi32, #tpu.memory_space<hbm>>
      %dma_start3A_197 = tpu.memref_slice %arg7[%run_scoped3A_89, %mul3A_2] : memref<26x4096xi32, #tpu.memory_space<hbm>> -> memref<1x128xi32, #tpu.memory_space<hbm>>
      %dma_start3A_198 = tpu.memref_squeeze %dma_start3A_197 : memref<1x128xi32, #tpu.memory_space<hbm>> -> memref<128xi32, #tpu.memory_space<hbm>>
      tpu.enqueue_dma source(%dma_start3A_198 : memref<128xi32, #tpu.memory_space<hbm>>) target(%arg9 : memref<128xi32, #tpu.memory_space<vmem>>) target_semaphore(%run_scoped3A_194 : memref<!tpu.dma_semaphore, #tpu.memory_space<semaphore_mem>>)
      %dma_wait3A_199 = tpu.memref_slice %arg7[%run_scoped3A_89, %mul3A_2] : memref<26x4096xi32, #tpu.memory_space<hbm>> -> memref<1x128xi32, #tpu.memory_space<hbm>>
      %dma_wait3A_200 = tpu.memref_squeeze %dma_wait3A_199 : memref<1x128xi32, #tpu.memory_space<hbm>> -> memref<128xi32, #tpu.memory_space<hbm>>
      %dma_wait3A_201 = tpu.memref_slice %arg7[%run_scoped3A_89, %mul3A_2] : memref<26x4096xi32, #tpu.memory_space<hbm>> -> memref<1x128xi32, #tpu.memory_space<hbm>>
      %dma_wait3A_202 = tpu.memref_squeeze %dma_wait3A_201 : memref<1x128xi32, #tpu.memory_space<hbm>> -> memref<128xi32, #tpu.memory_space<hbm>>
      tpu.wait_dma2 semaphore(%run_scoped3A_194 : memref<!tpu.dma_semaphore, #tpu.memory_space<semaphore_mem>>) src(%dma_wait3A_202 : memref<128xi32, #tpu.memory_space<hbm>>) dst(%arg9 : memref<128xi32, #tpu.memory_space<vmem>>)
      tpu.yield
    }) : () -> ()
    %dma_start3A_90 = arith.constant 0 : i32
    %dma_start3A_91 = arith.constant 0 : i32
    %dma_start3A_92 = tpu.memref_slice %arg4[%dma_start3A_90, %dma_start3A_91] : memref<260000x128xf32, #tpu.memory_space<hbm>> -> memref<260000x128xf32, #tpu.memory_space<hbm>>
    tpu.enqueue_indirect_dma source(%dma_start3A_92 : memref<260000x128xf32, #tpu.memory_space<hbm>>) target(%arg11 : memref<128x128xf32, #tpu.memory_space<vmem>>) offsets(%arg9 : memref<128xi32, #tpu.memory_space<vmem>>) semaphore(%arg12 : memref<!tpu.dma_semaphore, #tpu.memory_space<semaphore_mem>>)
    %dma_wait3A_93 = arith.constant 0 : i32
    %dma_wait3A_94 = arith.constant 0 : i32
    %dma_wait3A_95 = tpu.memref_slice %arg4[%dma_wait3A_93, %dma_wait3A_94] : memref<260000x128xf32, #tpu.memory_space<hbm>> -> memref<260000x128xf32, #tpu.memory_space<hbm>>
    tpu.wait_indirect_dma semaphore(%arg12 : memref<!tpu.dma_semaphore, #tpu.memory_space<semaphore_mem>>) src(%dma_wait3A_95 : memref<260000x128xf32, #tpu.memory_space<hbm>>) dst(%arg11 : memref<128x128xf32, #tpu.memory_space<vmem>>)
    "tpu.region"() ({
      %run_scoped3A_194 = tpu.sem_alloc : memref<!tpu.dma_semaphore, #tpu.memory_space<semaphore_mem>>
      %dma_start3A_195 = arith.constant 1664 : i32
      %dma_start3A_196 = tpu.memref_slice %arg8[%mul3A_2, %dma_start3A_195] : memref<4096x3584xf32, #tpu.memory_space<hbm>> -> memref<128x128xf32, #tpu.memory_space<hbm>>
      %dma_start3A_197 = arith.constant 1664 : i32
      %dma_start3A_198 = tpu.memref_slice %arg8[%mul3A_2, %dma_start3A_197] : memref<4096x3584xf32, #tpu.memory_space<hbm>> -> memref<128x128xf32, #tpu.memory_space<hbm>>
      tpu.enqueue_dma source(%arg11 : memref<128x128xf32, #tpu.memory_space<vmem>>) target(%dma_start3A_198 : memref<128x128xf32, #tpu.memory_space<hbm>>) target_semaphore(%run_scoped3A_194 : memref<!tpu.dma_semaphore, #tpu.memory_space<semaphore_mem>>)
      %dma_wait3A_199 = arith.constant 1664 : i32
      %dma_wait3A_200 = tpu.memref_slice %arg8[%mul3A_2, %dma_wait3A_199] : memref<4096x3584xf32, #tpu.memory_space<hbm>> -> memref<128x128xf32, #tpu.memory_space<hbm>>
      %dma_wait3A_201 = arith.constant 1664 : i32
      %dma_wait3A_202 = tpu.memref_slice %arg8[%mul3A_2, %dma_wait3A_201] : memref<4096x3584xf32, #tpu.memory_space<hbm>> -> memref<128x128xf32, #tpu.memory_space<hbm>>
      tpu.wait_dma2 semaphore(%run_scoped3A_194 : memref<!tpu.dma_semaphore, #tpu.memory_space<semaphore_mem>>) src(%arg11 : memref<128x128xf32, #tpu.memory_space<vmem>>) dst(%dma_wait3A_202 : memref<128x128xf32, #tpu.memory_space<hbm>>)
      tpu.yield
    }) : () -> ()
    %run_scoped3A_96 = arith.constant 12 : i32
    "tpu.region"() ({
      %run_scoped3A_194 = tpu.sem_alloc : memref<!tpu.dma_semaphore, #tpu.memory_space<semaphore_mem>>
      %dma_start3A_195 = tpu.memref_slice %arg7[%run_scoped3A_96, %mul3A_2] : memref<26x4096xi32, #tpu.memory_space<hbm>> -> memref<1x128xi32, #tpu.memory_space<hbm>>
      %dma_start3A_196 = tpu.memref_squeeze %dma_start3A_195 : memref<1x128xi32, #tpu.memory_space<hbm>> -> memref<128xi32, #tpu.memory_space<hbm>>
      %dma_start3A_197 = tpu.memref_slice %arg7[%run_scoped3A_96, %mul3A_2] : memref<26x4096xi32, #tpu.memory_space<hbm>> -> memref<1x128xi32, #tpu.memory_space<hbm>>
      %dma_start3A_198 = tpu.memref_squeeze %dma_start3A_197 : memref<1x128xi32, #tpu.memory_space<hbm>> -> memref<128xi32, #tpu.memory_space<hbm>>
      tpu.enqueue_dma source(%dma_start3A_198 : memref<128xi32, #tpu.memory_space<hbm>>) target(%arg9 : memref<128xi32, #tpu.memory_space<vmem>>) target_semaphore(%run_scoped3A_194 : memref<!tpu.dma_semaphore, #tpu.memory_space<semaphore_mem>>)
      %dma_wait3A_199 = tpu.memref_slice %arg7[%run_scoped3A_96, %mul3A_2] : memref<26x4096xi32, #tpu.memory_space<hbm>> -> memref<1x128xi32, #tpu.memory_space<hbm>>
      %dma_wait3A_200 = tpu.memref_squeeze %dma_wait3A_199 : memref<1x128xi32, #tpu.memory_space<hbm>> -> memref<128xi32, #tpu.memory_space<hbm>>
      %dma_wait3A_201 = tpu.memref_slice %arg7[%run_scoped3A_96, %mul3A_2] : memref<26x4096xi32, #tpu.memory_space<hbm>> -> memref<1x128xi32, #tpu.memory_space<hbm>>
      %dma_wait3A_202 = tpu.memref_squeeze %dma_wait3A_201 : memref<1x128xi32, #tpu.memory_space<hbm>> -> memref<128xi32, #tpu.memory_space<hbm>>
      tpu.wait_dma2 semaphore(%run_scoped3A_194 : memref<!tpu.dma_semaphore, #tpu.memory_space<semaphore_mem>>) src(%dma_wait3A_202 : memref<128xi32, #tpu.memory_space<hbm>>) dst(%arg9 : memref<128xi32, #tpu.memory_space<vmem>>)
      tpu.yield
    }) : () -> ()
    %dma_start3A_97 = arith.constant 0 : i32
    %dma_start3A_98 = arith.constant 0 : i32
    %dma_start3A_99 = tpu.memref_slice %arg4[%dma_start3A_97, %dma_start3A_98] : memref<260000x128xf32, #tpu.memory_space<hbm>> -> memref<260000x128xf32, #tpu.memory_space<hbm>>
    tpu.enqueue_indirect_dma source(%dma_start3A_99 : memref<260000x128xf32, #tpu.memory_space<hbm>>) target(%arg11 : memref<128x128xf32, #tpu.memory_space<vmem>>) offsets(%arg9 : memref<128xi32, #tpu.memory_space<vmem>>) semaphore(%arg12 : memref<!tpu.dma_semaphore, #tpu.memory_space<semaphore_mem>>)
    %dma_wait3A_100 = arith.constant 0 : i32
    %dma_wait3A_101 = arith.constant 0 : i32
    %dma_wait3A_102 = tpu.memref_slice %arg4[%dma_wait3A_100, %dma_wait3A_101] : memref<260000x128xf32, #tpu.memory_space<hbm>> -> memref<260000x128xf32, #tpu.memory_space<hbm>>
    tpu.wait_indirect_dma semaphore(%arg12 : memref<!tpu.dma_semaphore, #tpu.memory_space<semaphore_mem>>) src(%dma_wait3A_102 : memref<260000x128xf32, #tpu.memory_space<hbm>>) dst(%arg11 : memref<128x128xf32, #tpu.memory_space<vmem>>)
    "tpu.region"() ({
      %run_scoped3A_194 = tpu.sem_alloc : memref<!tpu.dma_semaphore, #tpu.memory_space<semaphore_mem>>
      %dma_start3A_195 = arith.constant 1792 : i32
      %dma_start3A_196 = tpu.memref_slice %arg8[%mul3A_2, %dma_start3A_195] : memref<4096x3584xf32, #tpu.memory_space<hbm>> -> memref<128x128xf32, #tpu.memory_space<hbm>>
      %dma_start3A_197 = arith.constant 1792 : i32
      %dma_start3A_198 = tpu.memref_slice %arg8[%mul3A_2, %dma_start3A_197] : memref<4096x3584xf32, #tpu.memory_space<hbm>> -> memref<128x128xf32, #tpu.memory_space<hbm>>
      tpu.enqueue_dma source(%arg11 : memref<128x128xf32, #tpu.memory_space<vmem>>) target(%dma_start3A_198 : memref<128x128xf32, #tpu.memory_space<hbm>>) target_semaphore(%run_scoped3A_194 : memref<!tpu.dma_semaphore, #tpu.memory_space<semaphore_mem>>)
      %dma_wait3A_199 = arith.constant 1792 : i32
      %dma_wait3A_200 = tpu.memref_slice %arg8[%mul3A_2, %dma_wait3A_199] : memref<4096x3584xf32, #tpu.memory_space<hbm>> -> memref<128x128xf32, #tpu.memory_space<hbm>>
      %dma_wait3A_201 = arith.constant 1792 : i32
      %dma_wait3A_202 = tpu.memref_slice %arg8[%mul3A_2, %dma_wait3A_201] : memref<4096x3584xf32, #tpu.memory_space<hbm>> -> memref<128x128xf32, #tpu.memory_space<hbm>>
      tpu.wait_dma2 semaphore(%run_scoped3A_194 : memref<!tpu.dma_semaphore, #tpu.memory_space<semaphore_mem>>) src(%arg11 : memref<128x128xf32, #tpu.memory_space<vmem>>) dst(%dma_wait3A_202 : memref<128x128xf32, #tpu.memory_space<hbm>>)
      tpu.yield
    }) : () -> ()
    %run_scoped3A_103 = arith.constant 13 : i32
    "tpu.region"() ({
      %run_scoped3A_194 = tpu.sem_alloc : memref<!tpu.dma_semaphore, #tpu.memory_space<semaphore_mem>>
      %dma_start3A_195 = tpu.memref_slice %arg7[%run_scoped3A_103, %mul3A_2] : memref<26x4096xi32, #tpu.memory_space<hbm>> -> memref<1x128xi32, #tpu.memory_space<hbm>>
      %dma_start3A_196 = tpu.memref_squeeze %dma_start3A_195 : memref<1x128xi32, #tpu.memory_space<hbm>> -> memref<128xi32, #tpu.memory_space<hbm>>
      %dma_start3A_197 = tpu.memref_slice %arg7[%run_scoped3A_103, %mul3A_2] : memref<26x4096xi32, #tpu.memory_space<hbm>> -> memref<1x128xi32, #tpu.memory_space<hbm>>
      %dma_start3A_198 = tpu.memref_squeeze %dma_start3A_197 : memref<1x128xi32, #tpu.memory_space<hbm>> -> memref<128xi32, #tpu.memory_space<hbm>>
      tpu.enqueue_dma source(%dma_start3A_198 : memref<128xi32, #tpu.memory_space<hbm>>) target(%arg9 : memref<128xi32, #tpu.memory_space<vmem>>) target_semaphore(%run_scoped3A_194 : memref<!tpu.dma_semaphore, #tpu.memory_space<semaphore_mem>>)
      %dma_wait3A_199 = tpu.memref_slice %arg7[%run_scoped3A_103, %mul3A_2] : memref<26x4096xi32, #tpu.memory_space<hbm>> -> memref<1x128xi32, #tpu.memory_space<hbm>>
      %dma_wait3A_200 = tpu.memref_squeeze %dma_wait3A_199 : memref<1x128xi32, #tpu.memory_space<hbm>> -> memref<128xi32, #tpu.memory_space<hbm>>
      %dma_wait3A_201 = tpu.memref_slice %arg7[%run_scoped3A_103, %mul3A_2] : memref<26x4096xi32, #tpu.memory_space<hbm>> -> memref<1x128xi32, #tpu.memory_space<hbm>>
      %dma_wait3A_202 = tpu.memref_squeeze %dma_wait3A_201 : memref<1x128xi32, #tpu.memory_space<hbm>> -> memref<128xi32, #tpu.memory_space<hbm>>
      tpu.wait_dma2 semaphore(%run_scoped3A_194 : memref<!tpu.dma_semaphore, #tpu.memory_space<semaphore_mem>>) src(%dma_wait3A_202 : memref<128xi32, #tpu.memory_space<hbm>>) dst(%arg9 : memref<128xi32, #tpu.memory_space<vmem>>)
      tpu.yield
    }) : () -> ()
    %dma_start3A_104 = arith.constant 0 : i32
    %dma_start3A_105 = arith.constant 0 : i32
    %dma_start3A_106 = tpu.memref_slice %arg4[%dma_start3A_104, %dma_start3A_105] : memref<260000x128xf32, #tpu.memory_space<hbm>> -> memref<260000x128xf32, #tpu.memory_space<hbm>>
    tpu.enqueue_indirect_dma source(%dma_start3A_106 : memref<260000x128xf32, #tpu.memory_space<hbm>>) target(%arg11 : memref<128x128xf32, #tpu.memory_space<vmem>>) offsets(%arg9 : memref<128xi32, #tpu.memory_space<vmem>>) semaphore(%arg12 : memref<!tpu.dma_semaphore, #tpu.memory_space<semaphore_mem>>)
    %dma_wait3A_107 = arith.constant 0 : i32
    %dma_wait3A_108 = arith.constant 0 : i32
    %dma_wait3A_109 = tpu.memref_slice %arg4[%dma_wait3A_107, %dma_wait3A_108] : memref<260000x128xf32, #tpu.memory_space<hbm>> -> memref<260000x128xf32, #tpu.memory_space<hbm>>
    tpu.wait_indirect_dma semaphore(%arg12 : memref<!tpu.dma_semaphore, #tpu.memory_space<semaphore_mem>>) src(%dma_wait3A_109 : memref<260000x128xf32, #tpu.memory_space<hbm>>) dst(%arg11 : memref<128x128xf32, #tpu.memory_space<vmem>>)
    "tpu.region"() ({
      %run_scoped3A_194 = tpu.sem_alloc : memref<!tpu.dma_semaphore, #tpu.memory_space<semaphore_mem>>
      %dma_start3A_195 = arith.constant 1920 : i32
      %dma_start3A_196 = tpu.memref_slice %arg8[%mul3A_2, %dma_start3A_195] : memref<4096x3584xf32, #tpu.memory_space<hbm>> -> memref<128x128xf32, #tpu.memory_space<hbm>>
      %dma_start3A_197 = arith.constant 1920 : i32
      %dma_start3A_198 = tpu.memref_slice %arg8[%mul3A_2, %dma_start3A_197] : memref<4096x3584xf32, #tpu.memory_space<hbm>> -> memref<128x128xf32, #tpu.memory_space<hbm>>
      tpu.enqueue_dma source(%arg11 : memref<128x128xf32, #tpu.memory_space<vmem>>) target(%dma_start3A_198 : memref<128x128xf32, #tpu.memory_space<hbm>>) target_semaphore(%run_scoped3A_194 : memref<!tpu.dma_semaphore, #tpu.memory_space<semaphore_mem>>)
      %dma_wait3A_199 = arith.constant 1920 : i32
      %dma_wait3A_200 = tpu.memref_slice %arg8[%mul3A_2, %dma_wait3A_199] : memref<4096x3584xf32, #tpu.memory_space<hbm>> -> memref<128x128xf32, #tpu.memory_space<hbm>>
      %dma_wait3A_201 = arith.constant 1920 : i32
      %dma_wait3A_202 = tpu.memref_slice %arg8[%mul3A_2, %dma_wait3A_201] : memref<4096x3584xf32, #tpu.memory_space<hbm>> -> memref<128x128xf32, #tpu.memory_space<hbm>>
      tpu.wait_dma2 semaphore(%run_scoped3A_194 : memref<!tpu.dma_semaphore, #tpu.memory_space<semaphore_mem>>) src(%arg11 : memref<128x128xf32, #tpu.memory_space<vmem>>) dst(%dma_wait3A_202 : memref<128x128xf32, #tpu.memory_space<hbm>>)
      tpu.yield
    }) : () -> ()
    %run_scoped3A_110 = arith.constant 14 : i32
    "tpu.region"() ({
      %run_scoped3A_194 = tpu.sem_alloc : memref<!tpu.dma_semaphore, #tpu.memory_space<semaphore_mem>>
      %dma_start3A_195 = tpu.memref_slice %arg7[%run_scoped3A_110, %mul3A_2] : memref<26x4096xi32, #tpu.memory_space<hbm>> -> memref<1x128xi32, #tpu.memory_space<hbm>>
      %dma_start3A_196 = tpu.memref_squeeze %dma_start3A_195 : memref<1x128xi32, #tpu.memory_space<hbm>> -> memref<128xi32, #tpu.memory_space<hbm>>
      %dma_start3A_197 = tpu.memref_slice %arg7[%run_scoped3A_110, %mul3A_2] : memref<26x4096xi32, #tpu.memory_space<hbm>> -> memref<1x128xi32, #tpu.memory_space<hbm>>
      %dma_start3A_198 = tpu.memref_squeeze %dma_start3A_197 : memref<1x128xi32, #tpu.memory_space<hbm>> -> memref<128xi32, #tpu.memory_space<hbm>>
      tpu.enqueue_dma source(%dma_start3A_198 : memref<128xi32, #tpu.memory_space<hbm>>) target(%arg9 : memref<128xi32, #tpu.memory_space<vmem>>) target_semaphore(%run_scoped3A_194 : memref<!tpu.dma_semaphore, #tpu.memory_space<semaphore_mem>>)
      %dma_wait3A_199 = tpu.memref_slice %arg7[%run_scoped3A_110, %mul3A_2] : memref<26x4096xi32, #tpu.memory_space<hbm>> -> memref<1x128xi32, #tpu.memory_space<hbm>>
      %dma_wait3A_200 = tpu.memref_squeeze %dma_wait3A_199 : memref<1x128xi32, #tpu.memory_space<hbm>> -> memref<128xi32, #tpu.memory_space<hbm>>
      %dma_wait3A_201 = tpu.memref_slice %arg7[%run_scoped3A_110, %mul3A_2] : memref<26x4096xi32, #tpu.memory_space<hbm>> -> memref<1x128xi32, #tpu.memory_space<hbm>>
      %dma_wait3A_202 = tpu.memref_squeeze %dma_wait3A_201 : memref<1x128xi32, #tpu.memory_space<hbm>> -> memref<128xi32, #tpu.memory_space<hbm>>
      tpu.wait_dma2 semaphore(%run_scoped3A_194 : memref<!tpu.dma_semaphore, #tpu.memory_space<semaphore_mem>>) src(%dma_wait3A_202 : memref<128xi32, #tpu.memory_space<hbm>>) dst(%arg9 : memref<128xi32, #tpu.memory_space<vmem>>)
      tpu.yield
    }) : () -> ()
    %dma_start3A_111 = arith.constant 0 : i32
    %dma_start3A_112 = arith.constant 0 : i32
    %dma_start3A_113 = tpu.memref_slice %arg4[%dma_start3A_111, %dma_start3A_112] : memref<260000x128xf32, #tpu.memory_space<hbm>> -> memref<260000x128xf32, #tpu.memory_space<hbm>>
    tpu.enqueue_indirect_dma source(%dma_start3A_113 : memref<260000x128xf32, #tpu.memory_space<hbm>>) target(%arg11 : memref<128x128xf32, #tpu.memory_space<vmem>>) offsets(%arg9 : memref<128xi32, #tpu.memory_space<vmem>>) semaphore(%arg12 : memref<!tpu.dma_semaphore, #tpu.memory_space<semaphore_mem>>)
    %dma_wait3A_114 = arith.constant 0 : i32
    %dma_wait3A_115 = arith.constant 0 : i32
    %dma_wait3A_116 = tpu.memref_slice %arg4[%dma_wait3A_114, %dma_wait3A_115] : memref<260000x128xf32, #tpu.memory_space<hbm>> -> memref<260000x128xf32, #tpu.memory_space<hbm>>
    tpu.wait_indirect_dma semaphore(%arg12 : memref<!tpu.dma_semaphore, #tpu.memory_space<semaphore_mem>>) src(%dma_wait3A_116 : memref<260000x128xf32, #tpu.memory_space<hbm>>) dst(%arg11 : memref<128x128xf32, #tpu.memory_space<vmem>>)
    "tpu.region"() ({
      %run_scoped3A_194 = tpu.sem_alloc : memref<!tpu.dma_semaphore, #tpu.memory_space<semaphore_mem>>
      %dma_start3A_195 = arith.constant 2048 : i32
      %dma_start3A_196 = tpu.memref_slice %arg8[%mul3A_2, %dma_start3A_195] : memref<4096x3584xf32, #tpu.memory_space<hbm>> -> memref<128x128xf32, #tpu.memory_space<hbm>>
      %dma_start3A_197 = arith.constant 2048 : i32
      %dma_start3A_198 = tpu.memref_slice %arg8[%mul3A_2, %dma_start3A_197] : memref<4096x3584xf32, #tpu.memory_space<hbm>> -> memref<128x128xf32, #tpu.memory_space<hbm>>
      tpu.enqueue_dma source(%arg11 : memref<128x128xf32, #tpu.memory_space<vmem>>) target(%dma_start3A_198 : memref<128x128xf32, #tpu.memory_space<hbm>>) target_semaphore(%run_scoped3A_194 : memref<!tpu.dma_semaphore, #tpu.memory_space<semaphore_mem>>)
      %dma_wait3A_199 = arith.constant 2048 : i32
      %dma_wait3A_200 = tpu.memref_slice %arg8[%mul3A_2, %dma_wait3A_199] : memref<4096x3584xf32, #tpu.memory_space<hbm>> -> memref<128x128xf32, #tpu.memory_space<hbm>>
      %dma_wait3A_201 = arith.constant 2048 : i32
      %dma_wait3A_202 = tpu.memref_slice %arg8[%mul3A_2, %dma_wait3A_201] : memref<4096x3584xf32, #tpu.memory_space<hbm>> -> memref<128x128xf32, #tpu.memory_space<hbm>>
      tpu.wait_dma2 semaphore(%run_scoped3A_194 : memref<!tpu.dma_semaphore, #tpu.memory_space<semaphore_mem>>) src(%arg11 : memref<128x128xf32, #tpu.memory_space<vmem>>) dst(%dma_wait3A_202 : memref<128x128xf32, #tpu.memory_space<hbm>>)
      tpu.yield
    }) : () -> ()
    %run_scoped3A_117 = arith.constant 15 : i32
    "tpu.region"() ({
      %run_scoped3A_194 = tpu.sem_alloc : memref<!tpu.dma_semaphore, #tpu.memory_space<semaphore_mem>>
      %dma_start3A_195 = tpu.memref_slice %arg7[%run_scoped3A_117, %mul3A_2] : memref<26x4096xi32, #tpu.memory_space<hbm>> -> memref<1x128xi32, #tpu.memory_space<hbm>>
      %dma_start3A_196 = tpu.memref_squeeze %dma_start3A_195 : memref<1x128xi32, #tpu.memory_space<hbm>> -> memref<128xi32, #tpu.memory_space<hbm>>
      %dma_start3A_197 = tpu.memref_slice %arg7[%run_scoped3A_117, %mul3A_2] : memref<26x4096xi32, #tpu.memory_space<hbm>> -> memref<1x128xi32, #tpu.memory_space<hbm>>
      %dma_start3A_198 = tpu.memref_squeeze %dma_start3A_197 : memref<1x128xi32, #tpu.memory_space<hbm>> -> memref<128xi32, #tpu.memory_space<hbm>>
      tpu.enqueue_dma source(%dma_start3A_198 : memref<128xi32, #tpu.memory_space<hbm>>) target(%arg9 : memref<128xi32, #tpu.memory_space<vmem>>) target_semaphore(%run_scoped3A_194 : memref<!tpu.dma_semaphore, #tpu.memory_space<semaphore_mem>>)
      %dma_wait3A_199 = tpu.memref_slice %arg7[%run_scoped3A_117, %mul3A_2] : memref<26x4096xi32, #tpu.memory_space<hbm>> -> memref<1x128xi32, #tpu.memory_space<hbm>>
      %dma_wait3A_200 = tpu.memref_squeeze %dma_wait3A_199 : memref<1x128xi32, #tpu.memory_space<hbm>> -> memref<128xi32, #tpu.memory_space<hbm>>
      %dma_wait3A_201 = tpu.memref_slice %arg7[%run_scoped3A_117, %mul3A_2] : memref<26x4096xi32, #tpu.memory_space<hbm>> -> memref<1x128xi32, #tpu.memory_space<hbm>>
      %dma_wait3A_202 = tpu.memref_squeeze %dma_wait3A_201 : memref<1x128xi32, #tpu.memory_space<hbm>> -> memref<128xi32, #tpu.memory_space<hbm>>
      tpu.wait_dma2 semaphore(%run_scoped3A_194 : memref<!tpu.dma_semaphore, #tpu.memory_space<semaphore_mem>>) src(%dma_wait3A_202 : memref<128xi32, #tpu.memory_space<hbm>>) dst(%arg9 : memref<128xi32, #tpu.memory_space<vmem>>)
      tpu.yield
    }) : () -> ()
    %dma_start3A_118 = arith.constant 0 : i32
    %dma_start3A_119 = arith.constant 0 : i32
    %dma_start3A_120 = tpu.memref_slice %arg4[%dma_start3A_118, %dma_start3A_119] : memref<260000x128xf32, #tpu.memory_space<hbm>> -> memref<260000x128xf32, #tpu.memory_space<hbm>>
    tpu.enqueue_indirect_dma source(%dma_start3A_120 : memref<260000x128xf32, #tpu.memory_space<hbm>>) target(%arg11 : memref<128x128xf32, #tpu.memory_space<vmem>>) offsets(%arg9 : memref<128xi32, #tpu.memory_space<vmem>>) semaphore(%arg12 : memref<!tpu.dma_semaphore, #tpu.memory_space<semaphore_mem>>)
    %dma_wait3A_121 = arith.constant 0 : i32
    %dma_wait3A_122 = arith.constant 0 : i32
    %dma_wait3A_123 = tpu.memref_slice %arg4[%dma_wait3A_121, %dma_wait3A_122] : memref<260000x128xf32, #tpu.memory_space<hbm>> -> memref<260000x128xf32, #tpu.memory_space<hbm>>
    tpu.wait_indirect_dma semaphore(%arg12 : memref<!tpu.dma_semaphore, #tpu.memory_space<semaphore_mem>>) src(%dma_wait3A_123 : memref<260000x128xf32, #tpu.memory_space<hbm>>) dst(%arg11 : memref<128x128xf32, #tpu.memory_space<vmem>>)
    "tpu.region"() ({
      %run_scoped3A_194 = tpu.sem_alloc : memref<!tpu.dma_semaphore, #tpu.memory_space<semaphore_mem>>
      %dma_start3A_195 = arith.constant 2176 : i32
      %dma_start3A_196 = tpu.memref_slice %arg8[%mul3A_2, %dma_start3A_195] : memref<4096x3584xf32, #tpu.memory_space<hbm>> -> memref<128x128xf32, #tpu.memory_space<hbm>>
      %dma_start3A_197 = arith.constant 2176 : i32
      %dma_start3A_198 = tpu.memref_slice %arg8[%mul3A_2, %dma_start3A_197] : memref<4096x3584xf32, #tpu.memory_space<hbm>> -> memref<128x128xf32, #tpu.memory_space<hbm>>
      tpu.enqueue_dma source(%arg11 : memref<128x128xf32, #tpu.memory_space<vmem>>) target(%dma_start3A_198 : memref<128x128xf32, #tpu.memory_space<hbm>>) target_semaphore(%run_scoped3A_194 : memref<!tpu.dma_semaphore, #tpu.memory_space<semaphore_mem>>)
      %dma_wait3A_199 = arith.constant 2176 : i32
      %dma_wait3A_200 = tpu.memref_slice %arg8[%mul3A_2, %dma_wait3A_199] : memref<4096x3584xf32, #tpu.memory_space<hbm>> -> memref<128x128xf32, #tpu.memory_space<hbm>>
      %dma_wait3A_201 = arith.constant 2176 : i32
      %dma_wait3A_202 = tpu.memref_slice %arg8[%mul3A_2, %dma_wait3A_201] : memref<4096x3584xf32, #tpu.memory_space<hbm>> -> memref<128x128xf32, #tpu.memory_space<hbm>>
      tpu.wait_dma2 semaphore(%run_scoped3A_194 : memref<!tpu.dma_semaphore, #tpu.memory_space<semaphore_mem>>) src(%arg11 : memref<128x128xf32, #tpu.memory_space<vmem>>) dst(%dma_wait3A_202 : memref<128x128xf32, #tpu.memory_space<hbm>>)
      tpu.yield
    }) : () -> ()
    %run_scoped3A_124 = arith.constant 16 : i32
    "tpu.region"() ({
      %run_scoped3A_194 = tpu.sem_alloc : memref<!tpu.dma_semaphore, #tpu.memory_space<semaphore_mem>>
      %dma_start3A_195 = tpu.memref_slice %arg7[%run_scoped3A_124, %mul3A_2] : memref<26x4096xi32, #tpu.memory_space<hbm>> -> memref<1x128xi32, #tpu.memory_space<hbm>>
      %dma_start3A_196 = tpu.memref_squeeze %dma_start3A_195 : memref<1x128xi32, #tpu.memory_space<hbm>> -> memref<128xi32, #tpu.memory_space<hbm>>
      %dma_start3A_197 = tpu.memref_slice %arg7[%run_scoped3A_124, %mul3A_2] : memref<26x4096xi32, #tpu.memory_space<hbm>> -> memref<1x128xi32, #tpu.memory_space<hbm>>
      %dma_start3A_198 = tpu.memref_squeeze %dma_start3A_197 : memref<1x128xi32, #tpu.memory_space<hbm>> -> memref<128xi32, #tpu.memory_space<hbm>>
      tpu.enqueue_dma source(%dma_start3A_198 : memref<128xi32, #tpu.memory_space<hbm>>) target(%arg9 : memref<128xi32, #tpu.memory_space<vmem>>) target_semaphore(%run_scoped3A_194 : memref<!tpu.dma_semaphore, #tpu.memory_space<semaphore_mem>>)
      %dma_wait3A_199 = tpu.memref_slice %arg7[%run_scoped3A_124, %mul3A_2] : memref<26x4096xi32, #tpu.memory_space<hbm>> -> memref<1x128xi32, #tpu.memory_space<hbm>>
      %dma_wait3A_200 = tpu.memref_squeeze %dma_wait3A_199 : memref<1x128xi32, #tpu.memory_space<hbm>> -> memref<128xi32, #tpu.memory_space<hbm>>
      %dma_wait3A_201 = tpu.memref_slice %arg7[%run_scoped3A_124, %mul3A_2] : memref<26x4096xi32, #tpu.memory_space<hbm>> -> memref<1x128xi32, #tpu.memory_space<hbm>>
      %dma_wait3A_202 = tpu.memref_squeeze %dma_wait3A_201 : memref<1x128xi32, #tpu.memory_space<hbm>> -> memref<128xi32, #tpu.memory_space<hbm>>
      tpu.wait_dma2 semaphore(%run_scoped3A_194 : memref<!tpu.dma_semaphore, #tpu.memory_space<semaphore_mem>>) src(%dma_wait3A_202 : memref<128xi32, #tpu.memory_space<hbm>>) dst(%arg9 : memref<128xi32, #tpu.memory_space<vmem>>)
      tpu.yield
    }) : () -> ()
    %dma_start3A_125 = arith.constant 0 : i32
    %dma_start3A_126 = arith.constant 0 : i32
    %dma_start3A_127 = tpu.memref_slice %arg4[%dma_start3A_125, %dma_start3A_126] : memref<260000x128xf32, #tpu.memory_space<hbm>> -> memref<260000x128xf32, #tpu.memory_space<hbm>>
    tpu.enqueue_indirect_dma source(%dma_start3A_127 : memref<260000x128xf32, #tpu.memory_space<hbm>>) target(%arg11 : memref<128x128xf32, #tpu.memory_space<vmem>>) offsets(%arg9 : memref<128xi32, #tpu.memory_space<vmem>>) semaphore(%arg12 : memref<!tpu.dma_semaphore, #tpu.memory_space<semaphore_mem>>)
    %dma_wait3A_128 = arith.constant 0 : i32
    %dma_wait3A_129 = arith.constant 0 : i32
    %dma_wait3A_130 = tpu.memref_slice %arg4[%dma_wait3A_128, %dma_wait3A_129] : memref<260000x128xf32, #tpu.memory_space<hbm>> -> memref<260000x128xf32, #tpu.memory_space<hbm>>
    tpu.wait_indirect_dma semaphore(%arg12 : memref<!tpu.dma_semaphore, #tpu.memory_space<semaphore_mem>>) src(%dma_wait3A_130 : memref<260000x128xf32, #tpu.memory_space<hbm>>) dst(%arg11 : memref<128x128xf32, #tpu.memory_space<vmem>>)
    "tpu.region"() ({
      %run_scoped3A_194 = tpu.sem_alloc : memref<!tpu.dma_semaphore, #tpu.memory_space<semaphore_mem>>
      %dma_start3A_195 = arith.constant 2304 : i32
      %dma_start3A_196 = tpu.memref_slice %arg8[%mul3A_2, %dma_start3A_195] : memref<4096x3584xf32, #tpu.memory_space<hbm>> -> memref<128x128xf32, #tpu.memory_space<hbm>>
      %dma_start3A_197 = arith.constant 2304 : i32
      %dma_start3A_198 = tpu.memref_slice %arg8[%mul3A_2, %dma_start3A_197] : memref<4096x3584xf32, #tpu.memory_space<hbm>> -> memref<128x128xf32, #tpu.memory_space<hbm>>
      tpu.enqueue_dma source(%arg11 : memref<128x128xf32, #tpu.memory_space<vmem>>) target(%dma_start3A_198 : memref<128x128xf32, #tpu.memory_space<hbm>>) target_semaphore(%run_scoped3A_194 : memref<!tpu.dma_semaphore, #tpu.memory_space<semaphore_mem>>)
      %dma_wait3A_199 = arith.constant 2304 : i32
      %dma_wait3A_200 = tpu.memref_slice %arg8[%mul3A_2, %dma_wait3A_199] : memref<4096x3584xf32, #tpu.memory_space<hbm>> -> memref<128x128xf32, #tpu.memory_space<hbm>>
      %dma_wait3A_201 = arith.constant 2304 : i32
      %dma_wait3A_202 = tpu.memref_slice %arg8[%mul3A_2, %dma_wait3A_201] : memref<4096x3584xf32, #tpu.memory_space<hbm>> -> memref<128x128xf32, #tpu.memory_space<hbm>>
      tpu.wait_dma2 semaphore(%run_scoped3A_194 : memref<!tpu.dma_semaphore, #tpu.memory_space<semaphore_mem>>) src(%arg11 : memref<128x128xf32, #tpu.memory_space<vmem>>) dst(%dma_wait3A_202 : memref<128x128xf32, #tpu.memory_space<hbm>>)
      tpu.yield
    }) : () -> ()
    %run_scoped3A_131 = arith.constant 17 : i32
    "tpu.region"() ({
      %run_scoped3A_194 = tpu.sem_alloc : memref<!tpu.dma_semaphore, #tpu.memory_space<semaphore_mem>>
      %dma_start3A_195 = tpu.memref_slice %arg7[%run_scoped3A_131, %mul3A_2] : memref<26x4096xi32, #tpu.memory_space<hbm>> -> memref<1x128xi32, #tpu.memory_space<hbm>>
      %dma_start3A_196 = tpu.memref_squeeze %dma_start3A_195 : memref<1x128xi32, #tpu.memory_space<hbm>> -> memref<128xi32, #tpu.memory_space<hbm>>
      %dma_start3A_197 = tpu.memref_slice %arg7[%run_scoped3A_131, %mul3A_2] : memref<26x4096xi32, #tpu.memory_space<hbm>> -> memref<1x128xi32, #tpu.memory_space<hbm>>
      %dma_start3A_198 = tpu.memref_squeeze %dma_start3A_197 : memref<1x128xi32, #tpu.memory_space<hbm>> -> memref<128xi32, #tpu.memory_space<hbm>>
      tpu.enqueue_dma source(%dma_start3A_198 : memref<128xi32, #tpu.memory_space<hbm>>) target(%arg9 : memref<128xi32, #tpu.memory_space<vmem>>) target_semaphore(%run_scoped3A_194 : memref<!tpu.dma_semaphore, #tpu.memory_space<semaphore_mem>>)
      %dma_wait3A_199 = tpu.memref_slice %arg7[%run_scoped3A_131, %mul3A_2] : memref<26x4096xi32, #tpu.memory_space<hbm>> -> memref<1x128xi32, #tpu.memory_space<hbm>>
      %dma_wait3A_200 = tpu.memref_squeeze %dma_wait3A_199 : memref<1x128xi32, #tpu.memory_space<hbm>> -> memref<128xi32, #tpu.memory_space<hbm>>
      %dma_wait3A_201 = tpu.memref_slice %arg7[%run_scoped3A_131, %mul3A_2] : memref<26x4096xi32, #tpu.memory_space<hbm>> -> memref<1x128xi32, #tpu.memory_space<hbm>>
      %dma_wait3A_202 = tpu.memref_squeeze %dma_wait3A_201 : memref<1x128xi32, #tpu.memory_space<hbm>> -> memref<128xi32, #tpu.memory_space<hbm>>
      tpu.wait_dma2 semaphore(%run_scoped3A_194 : memref<!tpu.dma_semaphore, #tpu.memory_space<semaphore_mem>>) src(%dma_wait3A_202 : memref<128xi32, #tpu.memory_space<hbm>>) dst(%arg9 : memref<128xi32, #tpu.memory_space<vmem>>)
      tpu.yield
    }) : () -> ()
    %dma_start3A_132 = arith.constant 0 : i32
    %dma_start3A_133 = arith.constant 0 : i32
    %dma_start3A_134 = tpu.memref_slice %arg4[%dma_start3A_132, %dma_start3A_133] : memref<260000x128xf32, #tpu.memory_space<hbm>> -> memref<260000x128xf32, #tpu.memory_space<hbm>>
    tpu.enqueue_indirect_dma source(%dma_start3A_134 : memref<260000x128xf32, #tpu.memory_space<hbm>>) target(%arg11 : memref<128x128xf32, #tpu.memory_space<vmem>>) offsets(%arg9 : memref<128xi32, #tpu.memory_space<vmem>>) semaphore(%arg12 : memref<!tpu.dma_semaphore, #tpu.memory_space<semaphore_mem>>)
    %dma_wait3A_135 = arith.constant 0 : i32
    %dma_wait3A_136 = arith.constant 0 : i32
    %dma_wait3A_137 = tpu.memref_slice %arg4[%dma_wait3A_135, %dma_wait3A_136] : memref<260000x128xf32, #tpu.memory_space<hbm>> -> memref<260000x128xf32, #tpu.memory_space<hbm>>
    tpu.wait_indirect_dma semaphore(%arg12 : memref<!tpu.dma_semaphore, #tpu.memory_space<semaphore_mem>>) src(%dma_wait3A_137 : memref<260000x128xf32, #tpu.memory_space<hbm>>) dst(%arg11 : memref<128x128xf32, #tpu.memory_space<vmem>>)
    "tpu.region"() ({
      %run_scoped3A_194 = tpu.sem_alloc : memref<!tpu.dma_semaphore, #tpu.memory_space<semaphore_mem>>
      %dma_start3A_195 = arith.constant 2432 : i32
      %dma_start3A_196 = tpu.memref_slice %arg8[%mul3A_2, %dma_start3A_195] : memref<4096x3584xf32, #tpu.memory_space<hbm>> -> memref<128x128xf32, #tpu.memory_space<hbm>>
      %dma_start3A_197 = arith.constant 2432 : i32
      %dma_start3A_198 = tpu.memref_slice %arg8[%mul3A_2, %dma_start3A_197] : memref<4096x3584xf32, #tpu.memory_space<hbm>> -> memref<128x128xf32, #tpu.memory_space<hbm>>
      tpu.enqueue_dma source(%arg11 : memref<128x128xf32, #tpu.memory_space<vmem>>) target(%dma_start3A_198 : memref<128x128xf32, #tpu.memory_space<hbm>>) target_semaphore(%run_scoped3A_194 : memref<!tpu.dma_semaphore, #tpu.memory_space<semaphore_mem>>)
      %dma_wait3A_199 = arith.constant 2432 : i32
      %dma_wait3A_200 = tpu.memref_slice %arg8[%mul3A_2, %dma_wait3A_199] : memref<4096x3584xf32, #tpu.memory_space<hbm>> -> memref<128x128xf32, #tpu.memory_space<hbm>>
      %dma_wait3A_201 = arith.constant 2432 : i32
      %dma_wait3A_202 = tpu.memref_slice %arg8[%mul3A_2, %dma_wait3A_201] : memref<4096x3584xf32, #tpu.memory_space<hbm>> -> memref<128x128xf32, #tpu.memory_space<hbm>>
      tpu.wait_dma2 semaphore(%run_scoped3A_194 : memref<!tpu.dma_semaphore, #tpu.memory_space<semaphore_mem>>) src(%arg11 : memref<128x128xf32, #tpu.memory_space<vmem>>) dst(%dma_wait3A_202 : memref<128x128xf32, #tpu.memory_space<hbm>>)
      tpu.yield
    }) : () -> ()
    %run_scoped3A_138 = arith.constant 18 : i32
    "tpu.region"() ({
      %run_scoped3A_194 = tpu.sem_alloc : memref<!tpu.dma_semaphore, #tpu.memory_space<semaphore_mem>>
      %dma_start3A_195 = tpu.memref_slice %arg7[%run_scoped3A_138, %mul3A_2] : memref<26x4096xi32, #tpu.memory_space<hbm>> -> memref<1x128xi32, #tpu.memory_space<hbm>>
      %dma_start3A_196 = tpu.memref_squeeze %dma_start3A_195 : memref<1x128xi32, #tpu.memory_space<hbm>> -> memref<128xi32, #tpu.memory_space<hbm>>
      %dma_start3A_197 = tpu.memref_slice %arg7[%run_scoped3A_138, %mul3A_2] : memref<26x4096xi32, #tpu.memory_space<hbm>> -> memref<1x128xi32, #tpu.memory_space<hbm>>
      %dma_start3A_198 = tpu.memref_squeeze %dma_start3A_197 : memref<1x128xi32, #tpu.memory_space<hbm>> -> memref<128xi32, #tpu.memory_space<hbm>>
      tpu.enqueue_dma source(%dma_start3A_198 : memref<128xi32, #tpu.memory_space<hbm>>) target(%arg9 : memref<128xi32, #tpu.memory_space<vmem>>) target_semaphore(%run_scoped3A_194 : memref<!tpu.dma_semaphore, #tpu.memory_space<semaphore_mem>>)
      %dma_wait3A_199 = tpu.memref_slice %arg7[%run_scoped3A_138, %mul3A_2] : memref<26x4096xi32, #tpu.memory_space<hbm>> -> memref<1x128xi32, #tpu.memory_space<hbm>>
      %dma_wait3A_200 = tpu.memref_squeeze %dma_wait3A_199 : memref<1x128xi32, #tpu.memory_space<hbm>> -> memref<128xi32, #tpu.memory_space<hbm>>
      %dma_wait3A_201 = tpu.memref_slice %arg7[%run_scoped3A_138, %mul3A_2] : memref<26x4096xi32, #tpu.memory_space<hbm>> -> memref<1x128xi32, #tpu.memory_space<hbm>>
      %dma_wait3A_202 = tpu.memref_squeeze %dma_wait3A_201 : memref<1x128xi32, #tpu.memory_space<hbm>> -> memref<128xi32, #tpu.memory_space<hbm>>
      tpu.wait_dma2 semaphore(%run_scoped3A_194 : memref<!tpu.dma_semaphore, #tpu.memory_space<semaphore_mem>>) src(%dma_wait3A_202 : memref<128xi32, #tpu.memory_space<hbm>>) dst(%arg9 : memref<128xi32, #tpu.memory_space<vmem>>)
      tpu.yield
    }) : () -> ()
    %dma_start3A_139 = arith.constant 0 : i32
    %dma_start3A_140 = arith.constant 0 : i32
    %dma_start3A_141 = tpu.memref_slice %arg4[%dma_start3A_139, %dma_start3A_140] : memref<260000x128xf32, #tpu.memory_space<hbm>> -> memref<260000x128xf32, #tpu.memory_space<hbm>>
    tpu.enqueue_indirect_dma source(%dma_start3A_141 : memref<260000x128xf32, #tpu.memory_space<hbm>>) target(%arg11 : memref<128x128xf32, #tpu.memory_space<vmem>>) offsets(%arg9 : memref<128xi32, #tpu.memory_space<vmem>>) semaphore(%arg12 : memref<!tpu.dma_semaphore, #tpu.memory_space<semaphore_mem>>)
    %dma_wait3A_142 = arith.constant 0 : i32
    %dma_wait3A_143 = arith.constant 0 : i32
    %dma_wait3A_144 = tpu.memref_slice %arg4[%dma_wait3A_142, %dma_wait3A_143] : memref<260000x128xf32, #tpu.memory_space<hbm>> -> memref<260000x128xf32, #tpu.memory_space<hbm>>
    tpu.wait_indirect_dma semaphore(%arg12 : memref<!tpu.dma_semaphore, #tpu.memory_space<semaphore_mem>>) src(%dma_wait3A_144 : memref<260000x128xf32, #tpu.memory_space<hbm>>) dst(%arg11 : memref<128x128xf32, #tpu.memory_space<vmem>>)
    "tpu.region"() ({
      %run_scoped3A_194 = tpu.sem_alloc : memref<!tpu.dma_semaphore, #tpu.memory_space<semaphore_mem>>
      %dma_start3A_195 = arith.constant 2560 : i32
      %dma_start3A_196 = tpu.memref_slice %arg8[%mul3A_2, %dma_start3A_195] : memref<4096x3584xf32, #tpu.memory_space<hbm>> -> memref<128x128xf32, #tpu.memory_space<hbm>>
      %dma_start3A_197 = arith.constant 2560 : i32
      %dma_start3A_198 = tpu.memref_slice %arg8[%mul3A_2, %dma_start3A_197] : memref<4096x3584xf32, #tpu.memory_space<hbm>> -> memref<128x128xf32, #tpu.memory_space<hbm>>
      tpu.enqueue_dma source(%arg11 : memref<128x128xf32, #tpu.memory_space<vmem>>) target(%dma_start3A_198 : memref<128x128xf32, #tpu.memory_space<hbm>>) target_semaphore(%run_scoped3A_194 : memref<!tpu.dma_semaphore, #tpu.memory_space<semaphore_mem>>)
      %dma_wait3A_199 = arith.constant 2560 : i32
      %dma_wait3A_200 = tpu.memref_slice %arg8[%mul3A_2, %dma_wait3A_199] : memref<4096x3584xf32, #tpu.memory_space<hbm>> -> memref<128x128xf32, #tpu.memory_space<hbm>>
      %dma_wait3A_201 = arith.constant 2560 : i32
      %dma_wait3A_202 = tpu.memref_slice %arg8[%mul3A_2, %dma_wait3A_201] : memref<4096x3584xf32, #tpu.memory_space<hbm>> -> memref<128x128xf32, #tpu.memory_space<hbm>>
      tpu.wait_dma2 semaphore(%run_scoped3A_194 : memref<!tpu.dma_semaphore, #tpu.memory_space<semaphore_mem>>) src(%arg11 : memref<128x128xf32, #tpu.memory_space<vmem>>) dst(%dma_wait3A_202 : memref<128x128xf32, #tpu.memory_space<hbm>>)
      tpu.yield
    }) : () -> ()
    %run_scoped3A_145 = arith.constant 19 : i32
    "tpu.region"() ({
      %run_scoped3A_194 = tpu.sem_alloc : memref<!tpu.dma_semaphore, #tpu.memory_space<semaphore_mem>>
      %dma_start3A_195 = tpu.memref_slice %arg7[%run_scoped3A_145, %mul3A_2] : memref<26x4096xi32, #tpu.memory_space<hbm>> -> memref<1x128xi32, #tpu.memory_space<hbm>>
      %dma_start3A_196 = tpu.memref_squeeze %dma_start3A_195 : memref<1x128xi32, #tpu.memory_space<hbm>> -> memref<128xi32, #tpu.memory_space<hbm>>
      %dma_start3A_197 = tpu.memref_slice %arg7[%run_scoped3A_145, %mul3A_2] : memref<26x4096xi32, #tpu.memory_space<hbm>> -> memref<1x128xi32, #tpu.memory_space<hbm>>
      %dma_start3A_198 = tpu.memref_squeeze %dma_start3A_197 : memref<1x128xi32, #tpu.memory_space<hbm>> -> memref<128xi32, #tpu.memory_space<hbm>>
      tpu.enqueue_dma source(%dma_start3A_198 : memref<128xi32, #tpu.memory_space<hbm>>) target(%arg9 : memref<128xi32, #tpu.memory_space<vmem>>) target_semaphore(%run_scoped3A_194 : memref<!tpu.dma_semaphore, #tpu.memory_space<semaphore_mem>>)
      %dma_wait3A_199 = tpu.memref_slice %arg7[%run_scoped3A_145, %mul3A_2] : memref<26x4096xi32, #tpu.memory_space<hbm>> -> memref<1x128xi32, #tpu.memory_space<hbm>>
      %dma_wait3A_200 = tpu.memref_squeeze %dma_wait3A_199 : memref<1x128xi32, #tpu.memory_space<hbm>> -> memref<128xi32, #tpu.memory_space<hbm>>
      %dma_wait3A_201 = tpu.memref_slice %arg7[%run_scoped3A_145, %mul3A_2] : memref<26x4096xi32, #tpu.memory_space<hbm>> -> memref<1x128xi32, #tpu.memory_space<hbm>>
      %dma_wait3A_202 = tpu.memref_squeeze %dma_wait3A_201 : memref<1x128xi32, #tpu.memory_space<hbm>> -> memref<128xi32, #tpu.memory_space<hbm>>
      tpu.wait_dma2 semaphore(%run_scoped3A_194 : memref<!tpu.dma_semaphore, #tpu.memory_space<semaphore_mem>>) src(%dma_wait3A_202 : memref<128xi32, #tpu.memory_space<hbm>>) dst(%arg9 : memref<128xi32, #tpu.memory_space<vmem>>)
      tpu.yield
    }) : () -> ()
    %dma_start3A_146 = arith.constant 0 : i32
    %dma_start3A_147 = arith.constant 0 : i32
    %dma_start3A_148 = tpu.memref_slice %arg4[%dma_start3A_146, %dma_start3A_147] : memref<260000x128xf32, #tpu.memory_space<hbm>> -> memref<260000x128xf32, #tpu.memory_space<hbm>>
    tpu.enqueue_indirect_dma source(%dma_start3A_148 : memref<260000x128xf32, #tpu.memory_space<hbm>>) target(%arg11 : memref<128x128xf32, #tpu.memory_space<vmem>>) offsets(%arg9 : memref<128xi32, #tpu.memory_space<vmem>>) semaphore(%arg12 : memref<!tpu.dma_semaphore, #tpu.memory_space<semaphore_mem>>)
    %dma_wait3A_149 = arith.constant 0 : i32
    %dma_wait3A_150 = arith.constant 0 : i32
    %dma_wait3A_151 = tpu.memref_slice %arg4[%dma_wait3A_149, %dma_wait3A_150] : memref<260000x128xf32, #tpu.memory_space<hbm>> -> memref<260000x128xf32, #tpu.memory_space<hbm>>
    tpu.wait_indirect_dma semaphore(%arg12 : memref<!tpu.dma_semaphore, #tpu.memory_space<semaphore_mem>>) src(%dma_wait3A_151 : memref<260000x128xf32, #tpu.memory_space<hbm>>) dst(%arg11 : memref<128x128xf32, #tpu.memory_space<vmem>>)
    "tpu.region"() ({
      %run_scoped3A_194 = tpu.sem_alloc : memref<!tpu.dma_semaphore, #tpu.memory_space<semaphore_mem>>
      %dma_start3A_195 = arith.constant 2688 : i32
      %dma_start3A_196 = tpu.memref_slice %arg8[%mul3A_2, %dma_start3A_195] : memref<4096x3584xf32, #tpu.memory_space<hbm>> -> memref<128x128xf32, #tpu.memory_space<hbm>>
      %dma_start3A_197 = arith.constant 2688 : i32
      %dma_start3A_198 = tpu.memref_slice %arg8[%mul3A_2, %dma_start3A_197] : memref<4096x3584xf32, #tpu.memory_space<hbm>> -> memref<128x128xf32, #tpu.memory_space<hbm>>
      tpu.enqueue_dma source(%arg11 : memref<128x128xf32, #tpu.memory_space<vmem>>) target(%dma_start3A_198 : memref<128x128xf32, #tpu.memory_space<hbm>>) target_semaphore(%run_scoped3A_194 : memref<!tpu.dma_semaphore, #tpu.memory_space<semaphore_mem>>)
      %dma_wait3A_199 = arith.constant 2688 : i32
      %dma_wait3A_200 = tpu.memref_slice %arg8[%mul3A_2, %dma_wait3A_199] : memref<4096x3584xf32, #tpu.memory_space<hbm>> -> memref<128x128xf32, #tpu.memory_space<hbm>>
      %dma_wait3A_201 = arith.constant 2688 : i32
      %dma_wait3A_202 = tpu.memref_slice %arg8[%mul3A_2, %dma_wait3A_201] : memref<4096x3584xf32, #tpu.memory_space<hbm>> -> memref<128x128xf32, #tpu.memory_space<hbm>>
      tpu.wait_dma2 semaphore(%run_scoped3A_194 : memref<!tpu.dma_semaphore, #tpu.memory_space<semaphore_mem>>) src(%arg11 : memref<128x128xf32, #tpu.memory_space<vmem>>) dst(%dma_wait3A_202 : memref<128x128xf32, #tpu.memory_space<hbm>>)
      tpu.yield
    }) : () -> ()
    %run_scoped3A_152 = arith.constant 20 : i32
    "tpu.region"() ({
      %run_scoped3A_194 = tpu.sem_alloc : memref<!tpu.dma_semaphore, #tpu.memory_space<semaphore_mem>>
      %dma_start3A_195 = tpu.memref_slice %arg7[%run_scoped3A_152, %mul3A_2] : memref<26x4096xi32, #tpu.memory_space<hbm>> -> memref<1x128xi32, #tpu.memory_space<hbm>>
      %dma_start3A_196 = tpu.memref_squeeze %dma_start3A_195 : memref<1x128xi32, #tpu.memory_space<hbm>> -> memref<128xi32, #tpu.memory_space<hbm>>
      %dma_start3A_197 = tpu.memref_slice %arg7[%run_scoped3A_152, %mul3A_2] : memref<26x4096xi32, #tpu.memory_space<hbm>> -> memref<1x128xi32, #tpu.memory_space<hbm>>
      %dma_start3A_198 = tpu.memref_squeeze %dma_start3A_197 : memref<1x128xi32, #tpu.memory_space<hbm>> -> memref<128xi32, #tpu.memory_space<hbm>>
      tpu.enqueue_dma source(%dma_start3A_198 : memref<128xi32, #tpu.memory_space<hbm>>) target(%arg9 : memref<128xi32, #tpu.memory_space<vmem>>) target_semaphore(%run_scoped3A_194 : memref<!tpu.dma_semaphore, #tpu.memory_space<semaphore_mem>>)
      %dma_wait3A_199 = tpu.memref_slice %arg7[%run_scoped3A_152, %mul3A_2] : memref<26x4096xi32, #tpu.memory_space<hbm>> -> memref<1x128xi32, #tpu.memory_space<hbm>>
      %dma_wait3A_200 = tpu.memref_squeeze %dma_wait3A_199 : memref<1x128xi32, #tpu.memory_space<hbm>> -> memref<128xi32, #tpu.memory_space<hbm>>
      %dma_wait3A_201 = tpu.memref_slice %arg7[%run_scoped3A_152, %mul3A_2] : memref<26x4096xi32, #tpu.memory_space<hbm>> -> memref<1x128xi32, #tpu.memory_space<hbm>>
      %dma_wait3A_202 = tpu.memref_squeeze %dma_wait3A_201 : memref<1x128xi32, #tpu.memory_space<hbm>> -> memref<128xi32, #tpu.memory_space<hbm>>
      tpu.wait_dma2 semaphore(%run_scoped3A_194 : memref<!tpu.dma_semaphore, #tpu.memory_space<semaphore_mem>>) src(%dma_wait3A_202 : memref<128xi32, #tpu.memory_space<hbm>>) dst(%arg9 : memref<128xi32, #tpu.memory_space<vmem>>)
      tpu.yield
    }) : () -> ()
    %dma_start3A_153 = arith.constant 0 : i32
    %dma_start3A_154 = arith.constant 0 : i32
    %dma_start3A_155 = tpu.memref_slice %arg4[%dma_start3A_153, %dma_start3A_154] : memref<260000x128xf32, #tpu.memory_space<hbm>> -> memref<260000x128xf32, #tpu.memory_space<hbm>>
    tpu.enqueue_indirect_dma source(%dma_start3A_155 : memref<260000x128xf32, #tpu.memory_space<hbm>>) target(%arg11 : memref<128x128xf32, #tpu.memory_space<vmem>>) offsets(%arg9 : memref<128xi32, #tpu.memory_space<vmem>>) semaphore(%arg12 : memref<!tpu.dma_semaphore, #tpu.memory_space<semaphore_mem>>)
    %dma_wait3A_156 = arith.constant 0 : i32
    %dma_wait3A_157 = arith.constant 0 : i32
    %dma_wait3A_158 = tpu.memref_slice %arg4[%dma_wait3A_156, %dma_wait3A_157] : memref<260000x128xf32, #tpu.memory_space<hbm>> -> memref<260000x128xf32, #tpu.memory_space<hbm>>
    tpu.wait_indirect_dma semaphore(%arg12 : memref<!tpu.dma_semaphore, #tpu.memory_space<semaphore_mem>>) src(%dma_wait3A_158 : memref<260000x128xf32, #tpu.memory_space<hbm>>) dst(%arg11 : memref<128x128xf32, #tpu.memory_space<vmem>>)
    "tpu.region"() ({
      %run_scoped3A_194 = tpu.sem_alloc : memref<!tpu.dma_semaphore, #tpu.memory_space<semaphore_mem>>
      %dma_start3A_195 = arith.constant 2816 : i32
      %dma_start3A_196 = tpu.memref_slice %arg8[%mul3A_2, %dma_start3A_195] : memref<4096x3584xf32, #tpu.memory_space<hbm>> -> memref<128x128xf32, #tpu.memory_space<hbm>>
      %dma_start3A_197 = arith.constant 2816 : i32
      %dma_start3A_198 = tpu.memref_slice %arg8[%mul3A_2, %dma_start3A_197] : memref<4096x3584xf32, #tpu.memory_space<hbm>> -> memref<128x128xf32, #tpu.memory_space<hbm>>
      tpu.enqueue_dma source(%arg11 : memref<128x128xf32, #tpu.memory_space<vmem>>) target(%dma_start3A_198 : memref<128x128xf32, #tpu.memory_space<hbm>>) target_semaphore(%run_scoped3A_194 : memref<!tpu.dma_semaphore, #tpu.memory_space<semaphore_mem>>)
      %dma_wait3A_199 = arith.constant 2816 : i32
      %dma_wait3A_200 = tpu.memref_slice %arg8[%mul3A_2, %dma_wait3A_199] : memref<4096x3584xf32, #tpu.memory_space<hbm>> -> memref<128x128xf32, #tpu.memory_space<hbm>>
      %dma_wait3A_201 = arith.constant 2816 : i32
      %dma_wait3A_202 = tpu.memref_slice %arg8[%mul3A_2, %dma_wait3A_201] : memref<4096x3584xf32, #tpu.memory_space<hbm>> -> memref<128x128xf32, #tpu.memory_space<hbm>>
      tpu.wait_dma2 semaphore(%run_scoped3A_194 : memref<!tpu.dma_semaphore, #tpu.memory_space<semaphore_mem>>) src(%arg11 : memref<128x128xf32, #tpu.memory_space<vmem>>) dst(%dma_wait3A_202 : memref<128x128xf32, #tpu.memory_space<hbm>>)
      tpu.yield
    }) : () -> ()
    %run_scoped3A_159 = arith.constant 21 : i32
    "tpu.region"() ({
      %run_scoped3A_194 = tpu.sem_alloc : memref<!tpu.dma_semaphore, #tpu.memory_space<semaphore_mem>>
      %dma_start3A_195 = tpu.memref_slice %arg7[%run_scoped3A_159, %mul3A_2] : memref<26x4096xi32, #tpu.memory_space<hbm>> -> memref<1x128xi32, #tpu.memory_space<hbm>>
      %dma_start3A_196 = tpu.memref_squeeze %dma_start3A_195 : memref<1x128xi32, #tpu.memory_space<hbm>> -> memref<128xi32, #tpu.memory_space<hbm>>
      %dma_start3A_197 = tpu.memref_slice %arg7[%run_scoped3A_159, %mul3A_2] : memref<26x4096xi32, #tpu.memory_space<hbm>> -> memref<1x128xi32, #tpu.memory_space<hbm>>
      %dma_start3A_198 = tpu.memref_squeeze %dma_start3A_197 : memref<1x128xi32, #tpu.memory_space<hbm>> -> memref<128xi32, #tpu.memory_space<hbm>>
      tpu.enqueue_dma source(%dma_start3A_198 : memref<128xi32, #tpu.memory_space<hbm>>) target(%arg9 : memref<128xi32, #tpu.memory_space<vmem>>) target_semaphore(%run_scoped3A_194 : memref<!tpu.dma_semaphore, #tpu.memory_space<semaphore_mem>>)
      %dma_wait3A_199 = tpu.memref_slice %arg7[%run_scoped3A_159, %mul3A_2] : memref<26x4096xi32, #tpu.memory_space<hbm>> -> memref<1x128xi32, #tpu.memory_space<hbm>>
      %dma_wait3A_200 = tpu.memref_squeeze %dma_wait3A_199 : memref<1x128xi32, #tpu.memory_space<hbm>> -> memref<128xi32, #tpu.memory_space<hbm>>
      %dma_wait3A_201 = tpu.memref_slice %arg7[%run_scoped3A_159, %mul3A_2] : memref<26x4096xi32, #tpu.memory_space<hbm>> -> memref<1x128xi32, #tpu.memory_space<hbm>>
      %dma_wait3A_202 = tpu.memref_squeeze %dma_wait3A_201 : memref<1x128xi32, #tpu.memory_space<hbm>> -> memref<128xi32, #tpu.memory_space<hbm>>
      tpu.wait_dma2 semaphore(%run_scoped3A_194 : memref<!tpu.dma_semaphore, #tpu.memory_space<semaphore_mem>>) src(%dma_wait3A_202 : memref<128xi32, #tpu.memory_space<hbm>>) dst(%arg9 : memref<128xi32, #tpu.memory_space<vmem>>)
      tpu.yield
    }) : () -> ()
    %dma_start3A_160 = arith.constant 0 : i32
    %dma_start3A_161 = arith.constant 0 : i32
    %dma_start3A_162 = tpu.memref_slice %arg4[%dma_start3A_160, %dma_start3A_161] : memref<260000x128xf32, #tpu.memory_space<hbm>> -> memref<260000x128xf32, #tpu.memory_space<hbm>>
    tpu.enqueue_indirect_dma source(%dma_start3A_162 : memref<260000x128xf32, #tpu.memory_space<hbm>>) target(%arg11 : memref<128x128xf32, #tpu.memory_space<vmem>>) offsets(%arg9 : memref<128xi32, #tpu.memory_space<vmem>>) semaphore(%arg12 : memref<!tpu.dma_semaphore, #tpu.memory_space<semaphore_mem>>)
    %dma_wait3A_163 = arith.constant 0 : i32
    %dma_wait3A_164 = arith.constant 0 : i32
    %dma_wait3A_165 = tpu.memref_slice %arg4[%dma_wait3A_163, %dma_wait3A_164] : memref<260000x128xf32, #tpu.memory_space<hbm>> -> memref<260000x128xf32, #tpu.memory_space<hbm>>
    tpu.wait_indirect_dma semaphore(%arg12 : memref<!tpu.dma_semaphore, #tpu.memory_space<semaphore_mem>>) src(%dma_wait3A_165 : memref<260000x128xf32, #tpu.memory_space<hbm>>) dst(%arg11 : memref<128x128xf32, #tpu.memory_space<vmem>>)
    "tpu.region"() ({
      %run_scoped3A_194 = tpu.sem_alloc : memref<!tpu.dma_semaphore, #tpu.memory_space<semaphore_mem>>
      %dma_start3A_195 = arith.constant 2944 : i32
      %dma_start3A_196 = tpu.memref_slice %arg8[%mul3A_2, %dma_start3A_195] : memref<4096x3584xf32, #tpu.memory_space<hbm>> -> memref<128x128xf32, #tpu.memory_space<hbm>>
      %dma_start3A_197 = arith.constant 2944 : i32
      %dma_start3A_198 = tpu.memref_slice %arg8[%mul3A_2, %dma_start3A_197] : memref<4096x3584xf32, #tpu.memory_space<hbm>> -> memref<128x128xf32, #tpu.memory_space<hbm>>
      tpu.enqueue_dma source(%arg11 : memref<128x128xf32, #tpu.memory_space<vmem>>) target(%dma_start3A_198 : memref<128x128xf32, #tpu.memory_space<hbm>>) target_semaphore(%run_scoped3A_194 : memref<!tpu.dma_semaphore, #tpu.memory_space<semaphore_mem>>)
      %dma_wait3A_199 = arith.constant 2944 : i32
      %dma_wait3A_200 = tpu.memref_slice %arg8[%mul3A_2, %dma_wait3A_199] : memref<4096x3584xf32, #tpu.memory_space<hbm>> -> memref<128x128xf32, #tpu.memory_space<hbm>>
      %dma_wait3A_201 = arith.constant 2944 : i32
      %dma_wait3A_202 = tpu.memref_slice %arg8[%mul3A_2, %dma_wait3A_201] : memref<4096x3584xf32, #tpu.memory_space<hbm>> -> memref<128x128xf32, #tpu.memory_space<hbm>>
      tpu.wait_dma2 semaphore(%run_scoped3A_194 : memref<!tpu.dma_semaphore, #tpu.memory_space<semaphore_mem>>) src(%arg11 : memref<128x128xf32, #tpu.memory_space<vmem>>) dst(%dma_wait3A_202 : memref<128x128xf32, #tpu.memory_space<hbm>>)
      tpu.yield
    }) : () -> ()
    %run_scoped3A_166 = arith.constant 22 : i32
    "tpu.region"() ({
      %run_scoped3A_194 = tpu.sem_alloc : memref<!tpu.dma_semaphore, #tpu.memory_space<semaphore_mem>>
      %dma_start3A_195 = tpu.memref_slice %arg7[%run_scoped3A_166, %mul3A_2] : memref<26x4096xi32, #tpu.memory_space<hbm>> -> memref<1x128xi32, #tpu.memory_space<hbm>>
      %dma_start3A_196 = tpu.memref_squeeze %dma_start3A_195 : memref<1x128xi32, #tpu.memory_space<hbm>> -> memref<128xi32, #tpu.memory_space<hbm>>
      %dma_start3A_197 = tpu.memref_slice %arg7[%run_scoped3A_166, %mul3A_2] : memref<26x4096xi32, #tpu.memory_space<hbm>> -> memref<1x128xi32, #tpu.memory_space<hbm>>
      %dma_start3A_198 = tpu.memref_squeeze %dma_start3A_197 : memref<1x128xi32, #tpu.memory_space<hbm>> -> memref<128xi32, #tpu.memory_space<hbm>>
      tpu.enqueue_dma source(%dma_start3A_198 : memref<128xi32, #tpu.memory_space<hbm>>) target(%arg9 : memref<128xi32, #tpu.memory_space<vmem>>) target_semaphore(%run_scoped3A_194 : memref<!tpu.dma_semaphore, #tpu.memory_space<semaphore_mem>>)
      %dma_wait3A_199 = tpu.memref_slice %arg7[%run_scoped3A_166, %mul3A_2] : memref<26x4096xi32, #tpu.memory_space<hbm>> -> memref<1x128xi32, #tpu.memory_space<hbm>>
      %dma_wait3A_200 = tpu.memref_squeeze %dma_wait3A_199 : memref<1x128xi32, #tpu.memory_space<hbm>> -> memref<128xi32, #tpu.memory_space<hbm>>
      %dma_wait3A_201 = tpu.memref_slice %arg7[%run_scoped3A_166, %mul3A_2] : memref<26x4096xi32, #tpu.memory_space<hbm>> -> memref<1x128xi32, #tpu.memory_space<hbm>>
      %dma_wait3A_202 = tpu.memref_squeeze %dma_wait3A_201 : memref<1x128xi32, #tpu.memory_space<hbm>> -> memref<128xi32, #tpu.memory_space<hbm>>
      tpu.wait_dma2 semaphore(%run_scoped3A_194 : memref<!tpu.dma_semaphore, #tpu.memory_space<semaphore_mem>>) src(%dma_wait3A_202 : memref<128xi32, #tpu.memory_space<hbm>>) dst(%arg9 : memref<128xi32, #tpu.memory_space<vmem>>)
      tpu.yield
    }) : () -> ()
    %dma_start3A_167 = arith.constant 0 : i32
    %dma_start3A_168 = arith.constant 0 : i32
    %dma_start3A_169 = tpu.memref_slice %arg4[%dma_start3A_167, %dma_start3A_168] : memref<260000x128xf32, #tpu.memory_space<hbm>> -> memref<260000x128xf32, #tpu.memory_space<hbm>>
    tpu.enqueue_indirect_dma source(%dma_start3A_169 : memref<260000x128xf32, #tpu.memory_space<hbm>>) target(%arg11 : memref<128x128xf32, #tpu.memory_space<vmem>>) offsets(%arg9 : memref<128xi32, #tpu.memory_space<vmem>>) semaphore(%arg12 : memref<!tpu.dma_semaphore, #tpu.memory_space<semaphore_mem>>)
    %dma_wait3A_170 = arith.constant 0 : i32
    %dma_wait3A_171 = arith.constant 0 : i32
    %dma_wait3A_172 = tpu.memref_slice %arg4[%dma_wait3A_170, %dma_wait3A_171] : memref<260000x128xf32, #tpu.memory_space<hbm>> -> memref<260000x128xf32, #tpu.memory_space<hbm>>
    tpu.wait_indirect_dma semaphore(%arg12 : memref<!tpu.dma_semaphore, #tpu.memory_space<semaphore_mem>>) src(%dma_wait3A_172 : memref<260000x128xf32, #tpu.memory_space<hbm>>) dst(%arg11 : memref<128x128xf32, #tpu.memory_space<vmem>>)
    "tpu.region"() ({
      %run_scoped3A_194 = tpu.sem_alloc : memref<!tpu.dma_semaphore, #tpu.memory_space<semaphore_mem>>
      %dma_start3A_195 = arith.constant 3072 : i32
      %dma_start3A_196 = tpu.memref_slice %arg8[%mul3A_2, %dma_start3A_195] : memref<4096x3584xf32, #tpu.memory_space<hbm>> -> memref<128x128xf32, #tpu.memory_space<hbm>>
      %dma_start3A_197 = arith.constant 3072 : i32
      %dma_start3A_198 = tpu.memref_slice %arg8[%mul3A_2, %dma_start3A_197] : memref<4096x3584xf32, #tpu.memory_space<hbm>> -> memref<128x128xf32, #tpu.memory_space<hbm>>
      tpu.enqueue_dma source(%arg11 : memref<128x128xf32, #tpu.memory_space<vmem>>) target(%dma_start3A_198 : memref<128x128xf32, #tpu.memory_space<hbm>>) target_semaphore(%run_scoped3A_194 : memref<!tpu.dma_semaphore, #tpu.memory_space<semaphore_mem>>)
      %dma_wait3A_199 = arith.constant 3072 : i32
      %dma_wait3A_200 = tpu.memref_slice %arg8[%mul3A_2, %dma_wait3A_199] : memref<4096x3584xf32, #tpu.memory_space<hbm>> -> memref<128x128xf32, #tpu.memory_space<hbm>>
      %dma_wait3A_201 = arith.constant 3072 : i32
      %dma_wait3A_202 = tpu.memref_slice %arg8[%mul3A_2, %dma_wait3A_201] : memref<4096x3584xf32, #tpu.memory_space<hbm>> -> memref<128x128xf32, #tpu.memory_space<hbm>>
      tpu.wait_dma2 semaphore(%run_scoped3A_194 : memref<!tpu.dma_semaphore, #tpu.memory_space<semaphore_mem>>) src(%arg11 : memref<128x128xf32, #tpu.memory_space<vmem>>) dst(%dma_wait3A_202 : memref<128x128xf32, #tpu.memory_space<hbm>>)
      tpu.yield
    }) : () -> ()
    %run_scoped3A_173 = arith.constant 23 : i32
    "tpu.region"() ({
      %run_scoped3A_194 = tpu.sem_alloc : memref<!tpu.dma_semaphore, #tpu.memory_space<semaphore_mem>>
      %dma_start3A_195 = tpu.memref_slice %arg7[%run_scoped3A_173, %mul3A_2] : memref<26x4096xi32, #tpu.memory_space<hbm>> -> memref<1x128xi32, #tpu.memory_space<hbm>>
      %dma_start3A_196 = tpu.memref_squeeze %dma_start3A_195 : memref<1x128xi32, #tpu.memory_space<hbm>> -> memref<128xi32, #tpu.memory_space<hbm>>
      %dma_start3A_197 = tpu.memref_slice %arg7[%run_scoped3A_173, %mul3A_2] : memref<26x4096xi32, #tpu.memory_space<hbm>> -> memref<1x128xi32, #tpu.memory_space<hbm>>
      %dma_start3A_198 = tpu.memref_squeeze %dma_start3A_197 : memref<1x128xi32, #tpu.memory_space<hbm>> -> memref<128xi32, #tpu.memory_space<hbm>>
      tpu.enqueue_dma source(%dma_start3A_198 : memref<128xi32, #tpu.memory_space<hbm>>) target(%arg9 : memref<128xi32, #tpu.memory_space<vmem>>) target_semaphore(%run_scoped3A_194 : memref<!tpu.dma_semaphore, #tpu.memory_space<semaphore_mem>>)
      %dma_wait3A_199 = tpu.memref_slice %arg7[%run_scoped3A_173, %mul3A_2] : memref<26x4096xi32, #tpu.memory_space<hbm>> -> memref<1x128xi32, #tpu.memory_space<hbm>>
      %dma_wait3A_200 = tpu.memref_squeeze %dma_wait3A_199 : memref<1x128xi32, #tpu.memory_space<hbm>> -> memref<128xi32, #tpu.memory_space<hbm>>
      %dma_wait3A_201 = tpu.memref_slice %arg7[%run_scoped3A_173, %mul3A_2] : memref<26x4096xi32, #tpu.memory_space<hbm>> -> memref<1x128xi32, #tpu.memory_space<hbm>>
      %dma_wait3A_202 = tpu.memref_squeeze %dma_wait3A_201 : memref<1x128xi32, #tpu.memory_space<hbm>> -> memref<128xi32, #tpu.memory_space<hbm>>
      tpu.wait_dma2 semaphore(%run_scoped3A_194 : memref<!tpu.dma_semaphore, #tpu.memory_space<semaphore_mem>>) src(%dma_wait3A_202 : memref<128xi32, #tpu.memory_space<hbm>>) dst(%arg9 : memref<128xi32, #tpu.memory_space<vmem>>)
      tpu.yield
    }) : () -> ()
    %dma_start3A_174 = arith.constant 0 : i32
    %dma_start3A_175 = arith.constant 0 : i32
    %dma_start3A_176 = tpu.memref_slice %arg4[%dma_start3A_174, %dma_start3A_175] : memref<260000x128xf32, #tpu.memory_space<hbm>> -> memref<260000x128xf32, #tpu.memory_space<hbm>>
    tpu.enqueue_indirect_dma source(%dma_start3A_176 : memref<260000x128xf32, #tpu.memory_space<hbm>>) target(%arg11 : memref<128x128xf32, #tpu.memory_space<vmem>>) offsets(%arg9 : memref<128xi32, #tpu.memory_space<vmem>>) semaphore(%arg12 : memref<!tpu.dma_semaphore, #tpu.memory_space<semaphore_mem>>)
    %dma_wait3A_177 = arith.constant 0 : i32
    %dma_wait3A_178 = arith.constant 0 : i32
    %dma_wait3A_179 = tpu.memref_slice %arg4[%dma_wait3A_177, %dma_wait3A_178] : memref<260000x128xf32, #tpu.memory_space<hbm>> -> memref<260000x128xf32, #tpu.memory_space<hbm>>
    tpu.wait_indirect_dma semaphore(%arg12 : memref<!tpu.dma_semaphore, #tpu.memory_space<semaphore_mem>>) src(%dma_wait3A_179 : memref<260000x128xf32, #tpu.memory_space<hbm>>) dst(%arg11 : memref<128x128xf32, #tpu.memory_space<vmem>>)
    "tpu.region"() ({
      %run_scoped3A_194 = tpu.sem_alloc : memref<!tpu.dma_semaphore, #tpu.memory_space<semaphore_mem>>
      %dma_start3A_195 = arith.constant 3200 : i32
      %dma_start3A_196 = tpu.memref_slice %arg8[%mul3A_2, %dma_start3A_195] : memref<4096x3584xf32, #tpu.memory_space<hbm>> -> memref<128x128xf32, #tpu.memory_space<hbm>>
      %dma_start3A_197 = arith.constant 3200 : i32
      %dma_start3A_198 = tpu.memref_slice %arg8[%mul3A_2, %dma_start3A_197] : memref<4096x3584xf32, #tpu.memory_space<hbm>> -> memref<128x128xf32, #tpu.memory_space<hbm>>
      tpu.enqueue_dma source(%arg11 : memref<128x128xf32, #tpu.memory_space<vmem>>) target(%dma_start3A_198 : memref<128x128xf32, #tpu.memory_space<hbm>>) target_semaphore(%run_scoped3A_194 : memref<!tpu.dma_semaphore, #tpu.memory_space<semaphore_mem>>)
      %dma_wait3A_199 = arith.constant 3200 : i32
      %dma_wait3A_200 = tpu.memref_slice %arg8[%mul3A_2, %dma_wait3A_199] : memref<4096x3584xf32, #tpu.memory_space<hbm>> -> memref<128x128xf32, #tpu.memory_space<hbm>>
      %dma_wait3A_201 = arith.constant 3200 : i32
      %dma_wait3A_202 = tpu.memref_slice %arg8[%mul3A_2, %dma_wait3A_201] : memref<4096x3584xf32, #tpu.memory_space<hbm>> -> memref<128x128xf32, #tpu.memory_space<hbm>>
      tpu.wait_dma2 semaphore(%run_scoped3A_194 : memref<!tpu.dma_semaphore, #tpu.memory_space<semaphore_mem>>) src(%arg11 : memref<128x128xf32, #tpu.memory_space<vmem>>) dst(%dma_wait3A_202 : memref<128x128xf32, #tpu.memory_space<hbm>>)
      tpu.yield
    }) : () -> ()
    %run_scoped3A_180 = arith.constant 24 : i32
    "tpu.region"() ({
      %run_scoped3A_194 = tpu.sem_alloc : memref<!tpu.dma_semaphore, #tpu.memory_space<semaphore_mem>>
      %dma_start3A_195 = tpu.memref_slice %arg7[%run_scoped3A_180, %mul3A_2] : memref<26x4096xi32, #tpu.memory_space<hbm>> -> memref<1x128xi32, #tpu.memory_space<hbm>>
      %dma_start3A_196 = tpu.memref_squeeze %dma_start3A_195 : memref<1x128xi32, #tpu.memory_space<hbm>> -> memref<128xi32, #tpu.memory_space<hbm>>
      %dma_start3A_197 = tpu.memref_slice %arg7[%run_scoped3A_180, %mul3A_2] : memref<26x4096xi32, #tpu.memory_space<hbm>> -> memref<1x128xi32, #tpu.memory_space<hbm>>
      %dma_start3A_198 = tpu.memref_squeeze %dma_start3A_197 : memref<1x128xi32, #tpu.memory_space<hbm>> -> memref<128xi32, #tpu.memory_space<hbm>>
      tpu.enqueue_dma source(%dma_start3A_198 : memref<128xi32, #tpu.memory_space<hbm>>) target(%arg9 : memref<128xi32, #tpu.memory_space<vmem>>) target_semaphore(%run_scoped3A_194 : memref<!tpu.dma_semaphore, #tpu.memory_space<semaphore_mem>>)
      %dma_wait3A_199 = tpu.memref_slice %arg7[%run_scoped3A_180, %mul3A_2] : memref<26x4096xi32, #tpu.memory_space<hbm>> -> memref<1x128xi32, #tpu.memory_space<hbm>>
      %dma_wait3A_200 = tpu.memref_squeeze %dma_wait3A_199 : memref<1x128xi32, #tpu.memory_space<hbm>> -> memref<128xi32, #tpu.memory_space<hbm>>
      %dma_wait3A_201 = tpu.memref_slice %arg7[%run_scoped3A_180, %mul3A_2] : memref<26x4096xi32, #tpu.memory_space<hbm>> -> memref<1x128xi32, #tpu.memory_space<hbm>>
      %dma_wait3A_202 = tpu.memref_squeeze %dma_wait3A_201 : memref<1x128xi32, #tpu.memory_space<hbm>> -> memref<128xi32, #tpu.memory_space<hbm>>
      tpu.wait_dma2 semaphore(%run_scoped3A_194 : memref<!tpu.dma_semaphore, #tpu.memory_space<semaphore_mem>>) src(%dma_wait3A_202 : memref<128xi32, #tpu.memory_space<hbm>>) dst(%arg9 : memref<128xi32, #tpu.memory_space<vmem>>)
      tpu.yield
    }) : () -> ()
    %dma_start3A_181 = arith.constant 0 : i32
    %dma_start3A_182 = arith.constant 0 : i32
    %dma_start3A_183 = tpu.memref_slice %arg4[%dma_start3A_181, %dma_start3A_182] : memref<260000x128xf32, #tpu.memory_space<hbm>> -> memref<260000x128xf32, #tpu.memory_space<hbm>>
    tpu.enqueue_indirect_dma source(%dma_start3A_183 : memref<260000x128xf32, #tpu.memory_space<hbm>>) target(%arg11 : memref<128x128xf32, #tpu.memory_space<vmem>>) offsets(%arg9 : memref<128xi32, #tpu.memory_space<vmem>>) semaphore(%arg12 : memref<!tpu.dma_semaphore, #tpu.memory_space<semaphore_mem>>)
    %dma_wait3A_184 = arith.constant 0 : i32
    %dma_wait3A_185 = arith.constant 0 : i32
    %dma_wait3A_186 = tpu.memref_slice %arg4[%dma_wait3A_184, %dma_wait3A_185] : memref<260000x128xf32, #tpu.memory_space<hbm>> -> memref<260000x128xf32, #tpu.memory_space<hbm>>
    tpu.wait_indirect_dma semaphore(%arg12 : memref<!tpu.dma_semaphore, #tpu.memory_space<semaphore_mem>>) src(%dma_wait3A_186 : memref<260000x128xf32, #tpu.memory_space<hbm>>) dst(%arg11 : memref<128x128xf32, #tpu.memory_space<vmem>>)
    "tpu.region"() ({
      %run_scoped3A_194 = tpu.sem_alloc : memref<!tpu.dma_semaphore, #tpu.memory_space<semaphore_mem>>
      %dma_start3A_195 = arith.constant 3328 : i32
      %dma_start3A_196 = tpu.memref_slice %arg8[%mul3A_2, %dma_start3A_195] : memref<4096x3584xf32, #tpu.memory_space<hbm>> -> memref<128x128xf32, #tpu.memory_space<hbm>>
      %dma_start3A_197 = arith.constant 3328 : i32
      %dma_start3A_198 = tpu.memref_slice %arg8[%mul3A_2, %dma_start3A_197] : memref<4096x3584xf32, #tpu.memory_space<hbm>> -> memref<128x128xf32, #tpu.memory_space<hbm>>
      tpu.enqueue_dma source(%arg11 : memref<128x128xf32, #tpu.memory_space<vmem>>) target(%dma_start3A_198 : memref<128x128xf32, #tpu.memory_space<hbm>>) target_semaphore(%run_scoped3A_194 : memref<!tpu.dma_semaphore, #tpu.memory_space<semaphore_mem>>)
      %dma_wait3A_199 = arith.constant 3328 : i32
      %dma_wait3A_200 = tpu.memref_slice %arg8[%mul3A_2, %dma_wait3A_199] : memref<4096x3584xf32, #tpu.memory_space<hbm>> -> memref<128x128xf32, #tpu.memory_space<hbm>>
      %dma_wait3A_201 = arith.constant 3328 : i32
      %dma_wait3A_202 = tpu.memref_slice %arg8[%mul3A_2, %dma_wait3A_201] : memref<4096x3584xf32, #tpu.memory_space<hbm>> -> memref<128x128xf32, #tpu.memory_space<hbm>>
      tpu.wait_dma2 semaphore(%run_scoped3A_194 : memref<!tpu.dma_semaphore, #tpu.memory_space<semaphore_mem>>) src(%arg11 : memref<128x128xf32, #tpu.memory_space<vmem>>) dst(%dma_wait3A_202 : memref<128x128xf32, #tpu.memory_space<hbm>>)
      tpu.yield
    }) : () -> ()
    %run_scoped3A_187 = arith.constant 25 : i32
    "tpu.region"() ({
      %run_scoped3A_194 = tpu.sem_alloc : memref<!tpu.dma_semaphore, #tpu.memory_space<semaphore_mem>>
      %dma_start3A_195 = tpu.memref_slice %arg7[%run_scoped3A_187, %mul3A_2] : memref<26x4096xi32, #tpu.memory_space<hbm>> -> memref<1x128xi32, #tpu.memory_space<hbm>>
      %dma_start3A_196 = tpu.memref_squeeze %dma_start3A_195 : memref<1x128xi32, #tpu.memory_space<hbm>> -> memref<128xi32, #tpu.memory_space<hbm>>
      %dma_start3A_197 = tpu.memref_slice %arg7[%run_scoped3A_187, %mul3A_2] : memref<26x4096xi32, #tpu.memory_space<hbm>> -> memref<1x128xi32, #tpu.memory_space<hbm>>
      %dma_start3A_198 = tpu.memref_squeeze %dma_start3A_197 : memref<1x128xi32, #tpu.memory_space<hbm>> -> memref<128xi32, #tpu.memory_space<hbm>>
      tpu.enqueue_dma source(%dma_start3A_198 : memref<128xi32, #tpu.memory_space<hbm>>) target(%arg9 : memref<128xi32, #tpu.memory_space<vmem>>) target_semaphore(%run_scoped3A_194 : memref<!tpu.dma_semaphore, #tpu.memory_space<semaphore_mem>>)
      %dma_wait3A_199 = tpu.memref_slice %arg7[%run_scoped3A_187, %mul3A_2] : memref<26x4096xi32, #tpu.memory_space<hbm>> -> memref<1x128xi32, #tpu.memory_space<hbm>>
      %dma_wait3A_200 = tpu.memref_squeeze %dma_wait3A_199 : memref<1x128xi32, #tpu.memory_space<hbm>> -> memref<128xi32, #tpu.memory_space<hbm>>
      %dma_wait3A_201 = tpu.memref_slice %arg7[%run_scoped3A_187, %mul3A_2] : memref<26x4096xi32, #tpu.memory_space<hbm>> -> memref<1x128xi32, #tpu.memory_space<hbm>>
      %dma_wait3A_202 = tpu.memref_squeeze %dma_wait3A_201 : memref<1x128xi32, #tpu.memory_space<hbm>> -> memref<128xi32, #tpu.memory_space<hbm>>
      tpu.wait_dma2 semaphore(%run_scoped3A_194 : memref<!tpu.dma_semaphore, #tpu.memory_space<semaphore_mem>>) src(%dma_wait3A_202 : memref<128xi32, #tpu.memory_space<hbm>>) dst(%arg9 : memref<128xi32, #tpu.memory_space<vmem>>)
      tpu.yield
    }) : () -> ()
    %dma_start3A_188 = arith.constant 0 : i32
    %dma_start3A_189 = arith.constant 0 : i32
    %dma_start3A_190 = tpu.memref_slice %arg4[%dma_start3A_188, %dma_start3A_189] : memref<260000x128xf32, #tpu.memory_space<hbm>> -> memref<260000x128xf32, #tpu.memory_space<hbm>>
    tpu.enqueue_indirect_dma source(%dma_start3A_190 : memref<260000x128xf32, #tpu.memory_space<hbm>>) target(%arg11 : memref<128x128xf32, #tpu.memory_space<vmem>>) offsets(%arg9 : memref<128xi32, #tpu.memory_space<vmem>>) semaphore(%arg12 : memref<!tpu.dma_semaphore, #tpu.memory_space<semaphore_mem>>)
    %dma_wait3A_191 = arith.constant 0 : i32
    %dma_wait3A_192 = arith.constant 0 : i32
    %dma_wait3A_193 = tpu.memref_slice %arg4[%dma_wait3A_191, %dma_wait3A_192] : memref<260000x128xf32, #tpu.memory_space<hbm>> -> memref<260000x128xf32, #tpu.memory_space<hbm>>
    tpu.wait_indirect_dma semaphore(%arg12 : memref<!tpu.dma_semaphore, #tpu.memory_space<semaphore_mem>>) src(%dma_wait3A_193 : memref<260000x128xf32, #tpu.memory_space<hbm>>) dst(%arg11 : memref<128x128xf32, #tpu.memory_space<vmem>>)
    "tpu.region"() ({
      %run_scoped3A_194 = tpu.sem_alloc : memref<!tpu.dma_semaphore, #tpu.memory_space<semaphore_mem>>
      %dma_start3A_195 = arith.constant 3456 : i32
      %dma_start3A_196 = tpu.memref_slice %arg8[%mul3A_2, %dma_start3A_195] : memref<4096x3584xf32, #tpu.memory_space<hbm>> -> memref<128x128xf32, #tpu.memory_space<hbm>>
      %dma_start3A_197 = arith.constant 3456 : i32
      %dma_start3A_198 = tpu.memref_slice %arg8[%mul3A_2, %dma_start3A_197] : memref<4096x3584xf32, #tpu.memory_space<hbm>> -> memref<128x128xf32, #tpu.memory_space<hbm>>
      tpu.enqueue_dma source(%arg11 : memref<128x128xf32, #tpu.memory_space<vmem>>) target(%dma_start3A_198 : memref<128x128xf32, #tpu.memory_space<hbm>>) target_semaphore(%run_scoped3A_194 : memref<!tpu.dma_semaphore, #tpu.memory_space<semaphore_mem>>)
      %dma_wait3A_199 = arith.constant 3456 : i32
      %dma_wait3A_200 = tpu.memref_slice %arg8[%mul3A_2, %dma_wait3A_199] : memref<4096x3584xf32, #tpu.memory_space<hbm>> -> memref<128x128xf32, #tpu.memory_space<hbm>>
      %dma_wait3A_201 = arith.constant 3456 : i32
      %dma_wait3A_202 = tpu.memref_slice %arg8[%mul3A_2, %dma_wait3A_201] : memref<4096x3584xf32, #tpu.memory_space<hbm>> -> memref<128x128xf32, #tpu.memory_space<hbm>>
      tpu.wait_dma2 semaphore(%run_scoped3A_194 : memref<!tpu.dma_semaphore, #tpu.memory_space<semaphore_mem>>) src(%arg11 : memref<128x128xf32, #tpu.memory_space<vmem>>) dst(%dma_wait3A_202 : memref<128x128xf32, #tpu.memory_space<hbm>>)
      tpu.yield
    }) : () -> ()
    return
  }
}

module attributes {stable_mosaic.version = 14 : i64} {
  func.func @_stage_a(%arg0: i32, %arg1: memref<256x3584xf32, #tpu.memory_space<vmem>>, %arg2: memref<256x13xf32, #tpu.memory_space<vmem>>, %arg3: memref<3584x1028xbf16, #tpu.memory_space<vmem>>, %arg4: memref<13x1028xbf16, #tpu.memory_space<vmem>>, %arg5: memref<1x1024xf32, #tpu.memory_space<vmem>>, %arg6: memref<1024x1024xbf16, #tpu.memory_space<vmem>>, %arg7: memref<1x1024xf32, #tpu.memory_space<vmem>>, %arg8: memref<1x1024xf32, #tpu.memory_space<vmem>>, %arg9: memref<1x1024xf32, #tpu.memory_space<vmem>>, %arg10: memref<1x8xf32, #tpu.memory_space<vmem>>, %arg11: memref<256x1024xf32, #tpu.memory_space<vmem>>, %arg12: memref<256x1024xf32, #tpu.memory_space<vmem>>, %arg13: memref<8x1024xf32, #tpu.memory_space<vmem>>, %arg14: memref<256x1xf32, #tpu.memory_space<vmem>>, %arg15: memref<1x1024xf32, #tpu.memory_space<vmem>>, %arg16: memref<1x1024xf32, #tpu.memory_space<vmem>>) attributes {dimension_semantics = [#tpu.dimension_semantics<arbitrary>], iteration_bounds = array<i64: 16>, scalar_prefetch = 0 : i64, scratch_operands = 2 : i64, tpu.core_type = #tpu.core_type<tc>, window_params = [{transform_indices = @transform_0, window_bounds = array<i64: 256, 3584>}, {transform_indices = @transform_1, window_bounds = array<i64: 256, 13>}, {pipeline_mode = #tpu.pipeline_mode<synchronous>, transform_indices = @transform_2, window_bounds = array<i64: 3584, 1028>}, {pipeline_mode = #tpu.pipeline_mode<synchronous>, transform_indices = @transform_3, window_bounds = array<i64: 13, 1028>}, {pipeline_mode = #tpu.pipeline_mode<synchronous>, transform_indices = @transform_4, window_bounds = array<i64: 1, 1024>}, {pipeline_mode = #tpu.pipeline_mode<synchronous>, transform_indices = @transform_5, window_bounds = array<i64: 1024, 1024>}, {pipeline_mode = #tpu.pipeline_mode<synchronous>, transform_indices = @transform_6, window_bounds = array<i64: 1, 1024>}, {pipeline_mode = #tpu.pipeline_mode<synchronous>, transform_indices = @transform_7, window_bounds = array<i64: 1, 1024>}, {pipeline_mode = #tpu.pipeline_mode<synchronous>, transform_indices = @transform_8, window_bounds = array<i64: 1, 1024>}, {pipeline_mode = #tpu.pipeline_mode<synchronous>, transform_indices = @transform_9, window_bounds = array<i64: 1, 8>}, {transform_indices = @transform_10, window_bounds = array<i64: 256, 1024>}, {transform_indices = @transform_11, window_bounds = array<i64: 256, 1024>}, {pipeline_mode = #tpu.pipeline_mode<synchronous>, transform_indices = @transform_12, window_bounds = array<i64: 8, 1024>}, {transform_indices = @transform_13, window_bounds = array<i64: 256, 1>}]} {
    %eq3A = arith.constant 0 : i32
    %eq3A_0 = arith.cmpi eq, %arg0, %eq3A : i32
    %convert_element_type3A = arith.extui %eq3A_0 : i1 to i32
    %cond3A = arith.constant 0 : i32
    %cond3A_1 = arith.cmpi ne, %convert_element_type3A, %cond3A : i32
    scf.if %cond3A_1 {
      %broadcast_in_dim3A_124 = arith.constant 0.000000e+00 : f32
      %broadcast_in_dim3A_125 = vector.broadcast %broadcast_in_dim3A_124 : f32 to vector<1x1024xf32>
      %swap3A_126 = arith.constant 0 : index
      %swap3A_127 = arith.constant 0 : index
      %swap3A_128 = vector.load %arg15[%swap3A_126, %swap3A_127] : memref<1x1024xf32, #tpu.memory_space<vmem>>, vector<1x1024xf32>
      tpu.vector_store %arg15[%swap3A_126, %swap3A_127], %broadcast_in_dim3A_125 {strides = array<i32>} : memref<1x1024xf32, #tpu.memory_space<vmem>>, vector<1x1024xf32>,
      %broadcast_in_dim3A_129 = arith.constant 0.000000e+00 : f32
      %broadcast_in_dim3A_130 = vector.broadcast %broadcast_in_dim3A_129 : f32 to vector<1x1024xf32>
      %swap3A_131 = arith.constant 0 : index
      %swap3A_132 = arith.constant 0 : index
      %swap3A_133 = vector.load %arg16[%swap3A_131, %swap3A_132] : memref<1x1024xf32, #tpu.memory_space<vmem>>, vector<1x1024xf32>
      tpu.vector_store %arg16[%swap3A_131, %swap3A_132], %broadcast_in_dim3A_130 {strides = array<i32>} : memref<1x1024xf32, #tpu.memory_space<vmem>>, vector<1x1024xf32>,
    } else {
    }
    %get3A = arith.constant 0 : index
    %get3A_2 = arith.constant 0 : index
    %get3A_3 = vector.load %arg1[%get3A, %get3A_2] : memref<256x3584xf32, #tpu.memory_space<vmem>>, vector<256x3584xf32>
    %convert_element_type3A_4 = arith.truncf %get3A_3 : vector<256x3584xf32> to vector<256x3584xbf16>
    %get3A_5 = arith.constant 0 : index
    %get3A_6 = arith.constant 0 : index
    %get3A_7 = vector.load %arg3[%get3A_5, %get3A_6] : memref<3584x1028xbf16, #tpu.memory_space<vmem>>, vector<3584x1028xbf16>
    %dot_general3A = arith.constant dense<0.000000e+00> : vector<256x1028xf32>
    %dot_general3A_8 = tpu.matmul %convert_element_type3A_4, %get3A_7, %dot_general3A {dimension_numbers = #tpu.dot_dimension_numbers<[1], [0], [0], [1], [0, 0, 1, 1], [], []>, transpose_lhs_hint = false} : vector<256x3584xbf16>, vector<3584x1028xbf16>, vector<256x1028xf32> -> vector<256x1028xf32>
    %get3A_9 = arith.constant 0 : index
    %get3A_10 = arith.constant 0 : index
    %get3A_11 = vector.load %arg2[%get3A_9, %get3A_10] : memref<256x13xf32, #tpu.memory_space<vmem>>, vector<256x13xf32>
    %convert_element_type3A_12 = arith.truncf %get3A_11 : vector<256x13xf32> to vector<256x13xbf16>
    %get3A_13 = arith.constant 0 : index
    %get3A_14 = arith.constant 0 : index
    %get3A_15 = vector.load %arg4[%get3A_13, %get3A_14] : memref<13x1028xbf16, #tpu.memory_space<vmem>>, vector<13x1028xbf16>
    %dot_general3A_16 = arith.constant dense<0.000000e+00> : vector<256x1028xf32>
    %dot_general3A_17 = tpu.matmul %convert_element_type3A_12, %get3A_15, %dot_general3A_16 {dimension_numbers = #tpu.dot_dimension_numbers<[1], [0], [0], [1], [0, 0, 1, 1], [], []>, transpose_lhs_hint = false} : vector<256x13xbf16>, vector<13x1028xbf16>, vector<256x1028xf32> -> vector<256x1028xf32>
    %add3A = arith.addf %dot_general3A_8, %dot_general3A_17 : vector<256x1028xf32>
    %slice3A = vector.extract_strided_slice %add3A {offsets = [0, 0], sizes = [256, 1024], strides = [1, 1]} : vector<256x1028xf32> to vector<256x1024xf32>
    %get3A_18 = arith.constant 0 : index
    %get3A_19 = arith.constant 0 : index
    %get3A_20 = vector.load %arg5[%get3A_18, %get3A_19] : memref<1x1024xf32, #tpu.memory_space<vmem>>, vector<1x1024xf32>
    %add3A_21 = vector.broadcast %get3A_20 : vector<1x1024xf32> to vector<256x1024xf32>
    %add3A_22 = arith.addf %slice3A, %add3A_21 : vector<256x1024xf32>
    %swap3A = arith.constant 0 : index
    %swap3A_23 = arith.constant 0 : index
    %swap3A_24 = vector.load %arg11[%swap3A, %swap3A_23] : memref<256x1024xf32, #tpu.memory_space<vmem>>, vector<256x1024xf32>
    tpu.vector_store %arg11[%swap3A, %swap3A_23], %add3A_22 {strides = array<i32>} : memref<256x1024xf32, #tpu.memory_space<vmem>>, vector<256x1024xf32>,
    %slice3A_25 = vector.extract_strided_slice %add3A {offsets = [0, 1024], sizes = [256, 1], strides = [1, 1]} : vector<256x1028xf32> to vector<256x1xf32>
    %slice3A_26 = vector.extract_strided_slice %add3A {offsets = [0, 1025], sizes = [256, 1], strides = [1, 1]} : vector<256x1028xf32> to vector<256x1xf32>
    %slice3A_27 = vector.extract_strided_slice %add3A {offsets = [0, 1026], sizes = [256, 1], strides = [1, 1]} : vector<256x1028xf32> to vector<256x1xf32>
    %slice3A_28 = vector.extract_strided_slice %add3A {offsets = [0, 1027], sizes = [256, 1], strides = [1, 1]} : vector<256x1028xf32> to vector<256x1xf32>
    %get3A_29 = arith.constant 0 : index
    %get3A_30 = arith.constant 0 : index
    %get3A_31 = vector.load %arg10[%get3A_29, %get3A_30] : memref<1x8xf32, #tpu.memory_space<vmem>>, vector<1x1xf32>
    %get3A_32 = vector.extract %get3A_31[0, 0] : f32 from vector<1x1xf32>
    %get3A_33 = arith.constant 0 : index
    %get3A_34 = arith.constant 1 : index
    %get3A_35 = vector.load %arg10[%get3A_33, %get3A_34] : memref<1x8xf32, #tpu.memory_space<vmem>>, vector<1x1xf32>
    %get3A_36 = vector.extract %get3A_35[0, 0] : f32 from vector<1x1xf32>
    %get3A_37 = arith.constant 0 : index
    %get3A_38 = arith.constant 2 : index
    %get3A_39 = vector.load %arg10[%get3A_37, %get3A_38] : memref<1x8xf32, #tpu.memory_space<vmem>>, vector<1x1xf32>
    %get3A_40 = vector.extract %get3A_39[0, 0] : f32 from vector<1x1xf32>
    %get3A_41 = arith.constant 0 : index
    %get3A_42 = arith.constant 3 : index
    %get3A_43 = vector.load %arg10[%get3A_41, %get3A_42] : memref<1x8xf32, #tpu.memory_space<vmem>>, vector<1x1xf32>
    %get3A_44 = vector.extract %get3A_43[0, 0] : f32 from vector<1x1xf32>
    %get3A_45 = arith.constant 0 : index
    %get3A_46 = arith.constant 4 : index
    %get3A_47 = vector.load %arg10[%get3A_45, %get3A_46] : memref<1x8xf32, #tpu.memory_space<vmem>>, vector<1x1xf32>
    %get3A_48 = vector.extract %get3A_47[0, 0] : f32 from vector<1x1xf32>
    %get3A_49 = arith.constant 0 : index
    %get3A_50 = arith.constant 5 : index
    %get3A_51 = vector.load %arg10[%get3A_49, %get3A_50] : memref<1x8xf32, #tpu.memory_space<vmem>>, vector<1x1xf32>
    %get3A_52 = vector.extract %get3A_51[0, 0] : f32 from vector<1x1xf32>
    %add3A_53 = arith.constant 1.000000e+00 : f32
    %add3A_54 = vector.broadcast %add3A_53 : f32 to vector<256x1xf32>
    %add3A_55 = arith.addf %add3A_54, %slice3A_25 : vector<256x1xf32>
    %mul3A = arith.mulf %add3A_55, %slice3A_26 : vector<256x1xf32>
    %add3A_56 = vector.broadcast %get3A_32 : f32 to vector<256x1xf32>
    %add3A_57 = arith.addf %mul3A, %add3A_56 : vector<256x1xf32>
    %add3A_58 = arith.constant 1.000000e+00 : f32
    %add3A_59 = vector.broadcast %add3A_58 : f32 to vector<256x1xf32>
    %add3A_60 = arith.addf %add3A_59, %add3A_57 : vector<256x1xf32>
    %mul3A_61 = arith.mulf %add3A_55, %add3A_60 : vector<256x1xf32>
    %mul3A_62 = arith.mulf %mul3A_61, %slice3A_27 : vector<256x1xf32>
    %mul3A_63 = vector.broadcast %get3A_36 : f32 to vector<256x1xf32>
    %mul3A_64 = arith.mulf %add3A_60, %mul3A_63 : vector<256x1xf32>
    %add3A_65 = arith.addf %mul3A_62, %mul3A_64 : vector<256x1xf32>
    %add3A_66 = vector.broadcast %get3A_40 : f32 to vector<256x1xf32>
    %add3A_67 = arith.addf %add3A_65, %add3A_66 : vector<256x1xf32>
    %add3A_68 = arith.constant 1.000000e+00 : f32
    %add3A_69 = vector.broadcast %add3A_68 : f32 to vector<256x1xf32>
    %add3A_70 = arith.addf %add3A_69, %add3A_67 : vector<256x1xf32>
    %mul3A_71 = arith.mulf %add3A_55, %add3A_60 : vector<256x1xf32>
    %mul3A_72 = arith.mulf %mul3A_71, %add3A_70 : vector<256x1xf32>
    %mul3A_73 = arith.mulf %mul3A_72, %slice3A_28 : vector<256x1xf32>
    %mul3A_74 = arith.mulf %add3A_60, %add3A_70 : vector<256x1xf32>
    %mul3A_75 = vector.broadcast %get3A_44 : f32 to vector<256x1xf32>
    %mul3A_76 = arith.mulf %mul3A_74, %mul3A_75 : vector<256x1xf32>
    %add3A_77 = arith.addf %mul3A_73, %mul3A_76 : vector<256x1xf32>
    %mul3A_78 = vector.broadcast %get3A_48 : f32 to vector<256x1xf32>
    %mul3A_79 = arith.mulf %add3A_70, %mul3A_78 : vector<256x1xf32>
    %add3A_80 = arith.addf %add3A_77, %mul3A_79 : vector<256x1xf32>
    %add3A_81 = vector.broadcast %get3A_52 : f32 to vector<256x1xf32>
    %add3A_82 = arith.addf %add3A_80, %add3A_81 : vector<256x1xf32>
    %swap3A_83 = arith.constant 0 : index
    %swap3A_84 = arith.constant 0 : index
    %swap3A_85 = vector.load %arg14[%swap3A_83, %swap3A_84] : memref<256x1xf32, #tpu.memory_space<vmem>>, vector<256x1xf32>
    tpu.vector_store %arg14[%swap3A_83, %swap3A_84], %add3A_82 {strides = array<i32>} : memref<256x1xf32, #tpu.memory_space<vmem>>, vector<256x1xf32>,
    %convert_element_type3A_86 = arith.truncf %add3A_22 : vector<256x1024xf32> to vector<256x1024xbf16>
    %get3A_87 = arith.constant 0 : index
    %get3A_88 = arith.constant 0 : index
    %get3A_89 = vector.load %arg6[%get3A_87, %get3A_88] : memref<1024x1024xbf16, #tpu.memory_space<vmem>>, vector<1024x1024xbf16>
    %dot_general3A_90 = arith.constant dense<0.000000e+00> : vector<256x1024xf32>
    %dot_general3A_91 = tpu.matmul %convert_element_type3A_86, %get3A_89, %dot_general3A_90 {dimension_numbers = #tpu.dot_dimension_numbers<[1], [0], [0], [1], [0, 0, 1, 1], [], []>, transpose_lhs_hint = false} : vector<256x1024xbf16>, vector<1024x1024xbf16>, vector<256x1024xf32> -> vector<256x1024xf32>
    %get3A_92 = arith.constant 0 : index
    %get3A_93 = arith.constant 0 : index
    %get3A_94 = vector.load %arg7[%get3A_92, %get3A_93] : memref<1x1024xf32, #tpu.memory_space<vmem>>, vector<1x1024xf32>
    %add3A_95 = vector.broadcast %get3A_94 : vector<1x1024xf32> to vector<256x1024xf32>
    %add3A_96 = arith.addf %dot_general3A_91, %add3A_95 : vector<256x1024xf32>
    %swap3A_97 = arith.constant 0 : index
    %swap3A_98 = arith.constant 0 : index
    %swap3A_99 = vector.load %arg12[%swap3A_97, %swap3A_98] : memref<256x1024xf32, #tpu.memory_space<vmem>>, vector<256x1024xf32>
    tpu.vector_store %arg12[%swap3A_97, %swap3A_98], %add3A_96 {strides = array<i32>} : memref<256x1024xf32, #tpu.memory_space<vmem>>, vector<256x1024xf32>,
    %get3A_100 = arith.constant 0 : index
    %get3A_101 = arith.constant 0 : index
    %get3A_102 = vector.load %arg15[%get3A_100, %get3A_101] : memref<1x1024xf32, #tpu.memory_space<vmem>>, vector<1x1024xf32>
    %reduce_sum3A = arith.constant dense<0.000000e+00> : vector<1024xf32>
    %reduce_sum3A_103 = vector.multi_reduction <add>, %add3A_96, %reduce_sum3A [0] : vector<256x1024xf32> to vector<1024xf32>
    %broadcast_in_dim3A = vector.shape_cast %reduce_sum3A_103 : vector<1024xf32> to vector<1x1024xf32>
    %add3A_104 = arith.addf %get3A_102, %broadcast_in_dim3A : vector<1x1024xf32>
    %swap3A_105 = arith.constant 0 : index
    %swap3A_106 = arith.constant 0 : index
    %swap3A_107 = vector.load %arg15[%swap3A_105, %swap3A_106] : memref<1x1024xf32, #tpu.memory_space<vmem>>, vector<1x1024xf32>
    tpu.vector_store %arg15[%swap3A_105, %swap3A_106], %add3A_104 {strides = array<i32>} : memref<1x1024xf32, #tpu.memory_space<vmem>>, vector<1x1024xf32>,
    %get3A_108 = arith.constant 0 : index
    %get3A_109 = arith.constant 0 : index
    %get3A_110 = vector.load %arg16[%get3A_108, %get3A_109] : memref<1x1024xf32, #tpu.memory_space<vmem>>, vector<1x1024xf32>
    %mul3A_111 = arith.mulf %add3A_96, %add3A_96 : vector<256x1024xf32>
    %reduce_sum3A_112 = arith.constant dense<0.000000e+00> : vector<1024xf32>
    %reduce_sum3A_113 = vector.multi_reduction <add>, %mul3A_111, %reduce_sum3A_112 [0] : vector<256x1024xf32> to vector<1024xf32>
    %broadcast_in_dim3A_114 = vector.shape_cast %reduce_sum3A_113 : vector<1024xf32> to vector<1x1024xf32>
    %add3A_115 = arith.addf %get3A_110, %broadcast_in_dim3A_114 : vector<1x1024xf32>
    %swap3A_116 = arith.constant 0 : index
    %swap3A_117 = arith.constant 0 : index
    %swap3A_118 = vector.load %arg16[%swap3A_116, %swap3A_117] : memref<1x1024xf32, #tpu.memory_space<vmem>>, vector<1x1024xf32>
    tpu.vector_store %arg16[%swap3A_116, %swap3A_117], %add3A_115 {strides = array<i32>} : memref<1x1024xf32, #tpu.memory_space<vmem>>, vector<1x1024xf32>,
    %eq3A_119 = arith.constant 15 : i32
    %eq3A_120 = arith.cmpi eq, %arg0, %eq3A_119 : i32
    %convert_element_type3A_121 = arith.extui %eq3A_120 : i1 to i32
    %cond3A_122 = arith.constant 0 : i32
    %cond3A_123 = arith.cmpi ne, %convert_element_type3A_121, %cond3A_122 : i32
    scf.if %cond3A_123 {
      %get3A_124 = arith.constant 0 : index
      %get3A_125 = arith.constant 0 : index
      %get3A_126 = vector.load %arg15[%get3A_124, %get3A_125] : memref<1x1024xf32, #tpu.memory_space<vmem>>, vector<1x1024xf32>
      %get3A_127 = arith.constant 0 : index
      %get3A_128 = arith.constant 0 : index
      %get3A_129 = vector.load %arg16[%get3A_127, %get3A_128] : memref<1x1024xf32, #tpu.memory_space<vmem>>, vector<1x1024xf32>
      %get3A_130 = arith.constant 0 : index
      %get3A_131 = arith.constant 0 : index
      %get3A_132 = vector.load %arg8[%get3A_130, %get3A_131] : memref<1x1024xf32, #tpu.memory_space<vmem>>, vector<1x1024xf32>
      %get3A_133 = arith.constant 0 : index
      %get3A_134 = arith.constant 0 : index
      %get3A_135 = vector.load %arg9[%get3A_133, %get3A_134] : memref<1x1024xf32, #tpu.memory_space<vmem>>, vector<1x1024xf32>
      %mul3A_136 = arith.constant 2.44140625E-4 : f32
      %mul3A_137 = vector.broadcast %mul3A_136 : f32 to vector<1x1024xf32>
      %mul3A_138 = arith.mulf %get3A_126, %mul3A_137 : vector<1x1024xf32>
      %mul3A_139 = arith.constant 2.44140625E-4 : f32
      %mul3A_140 = vector.broadcast %mul3A_139 : f32 to vector<1x1024xf32>
      %mul3A_141 = arith.mulf %get3A_129, %mul3A_140 : vector<1x1024xf32>
      %mul3A_142 = arith.mulf %mul3A_138, %mul3A_138 : vector<1x1024xf32>
      %sub3A = arith.subf %mul3A_141, %mul3A_142 : vector<1x1024xf32>
      %add3A_143 = arith.constant 9.99999974E-6 : f32
      %add3A_144 = vector.broadcast %add3A_143 : f32 to vector<1x1024xf32>
      %add3A_145 = arith.addf %sub3A, %add3A_144 : vector<1x1024xf32>
      %rsqrt3A = math.rsqrt %add3A_145 : vector<1x1024xf32>
      %mul3A_146 = arith.mulf %get3A_132, %rsqrt3A : vector<1x1024xf32>
      %mul3A_147 = arith.mulf %mul3A_146, %mul3A_138 : vector<1x1024xf32>
      %sub3A_148 = arith.subf %get3A_135, %mul3A_147 : vector<1x1024xf32>
      %swap3A_149 = arith.constant 0 : index
      %swap3A_150 = arith.constant 0 : index
      %swap3A_151 = vector.load %arg13[%swap3A_149, %swap3A_150] : memref<8x1024xf32, #tpu.memory_space<vmem>>, vector<1x1024xf32>
      tpu.vector_store %arg13[%swap3A_149, %swap3A_150], %mul3A_146 {strides = array<i32>} : memref<8x1024xf32, #tpu.memory_space<vmem>>, vector<1x1024xf32>,
      %swap3A_152 = arith.constant 1 : index
      %swap3A_153 = arith.constant 0 : index
      %swap3A_154 = vector.load %arg13[%swap3A_152, %swap3A_153] : memref<8x1024xf32, #tpu.memory_space<vmem>>, vector<1x1024xf32>
      tpu.vector_store %arg13[%swap3A_152, %swap3A_153], %sub3A_148 {strides = array<i32>} : memref<8x1024xf32, #tpu.memory_space<vmem>>, vector<1x1024xf32>,
    } else {
    }
    return
  }
  func.func @transform_0(%arg0: i32) -> (i32, i32) {
    %c0_i32 = arith.constant 0 : i32
    %c0_i32_0 = arith.constant 0 : i32
    return %arg0, %c0_i32 : i32, i32
  }
  func.func @transform_1(%arg0: i32) -> (i32, i32) {
    %c0_i32 = arith.constant 0 : i32
    %c0_i32_0 = arith.constant 0 : i32
    return %arg0, %c0_i32 : i32, i32
  }
  func.func @transform_2(%arg0: i32) -> (i32, i32) {
    %c0_i32 = arith.constant 0 : i32
    %c0_i32_0 = arith.constant 0 : i32
    %c0_i32_1 = arith.constant 0 : i32
    return %c0_i32, %c0_i32_0 : i32, i32
  }
  func.func @transform_3(%arg0: i32) -> (i32, i32) {
    %c0_i32 = arith.constant 0 : i32
    %c0_i32_0 = arith.constant 0 : i32
    %c0_i32_1 = arith.constant 0 : i32
    return %c0_i32, %c0_i32_0 : i32, i32
  }
  func.func @transform_4(%arg0: i32) -> (i32, i32) {
    %c0_i32 = arith.constant 0 : i32
    %c0_i32_0 = arith.constant 0 : i32
    %c0_i32_1 = arith.constant 0 : i32
    return %c0_i32, %c0_i32_0 : i32, i32
  }
  func.func @transform_5(%arg0: i32) -> (i32, i32) {
    %c0_i32 = arith.constant 0 : i32
    %c0_i32_0 = arith.constant 0 : i32
    %c0_i32_1 = arith.constant 0 : i32
    return %c0_i32, %c0_i32_0 : i32, i32
  }
  func.func @transform_6(%arg0: i32) -> (i32, i32) {
    %c0_i32 = arith.constant 0 : i32
    %c0_i32_0 = arith.constant 0 : i32
    %c0_i32_1 = arith.constant 0 : i32
    return %c0_i32, %c0_i32_0 : i32, i32
  }
  func.func @transform_7(%arg0: i32) -> (i32, i32) {
    %c0_i32 = arith.constant 0 : i32
    %c0_i32_0 = arith.constant 0 : i32
    %c0_i32_1 = arith.constant 0 : i32
    return %c0_i32, %c0_i32_0 : i32, i32
  }
  func.func @transform_8(%arg0: i32) -> (i32, i32) {
    %c0_i32 = arith.constant 0 : i32
    %c0_i32_0 = arith.constant 0 : i32
    %c0_i32_1 = arith.constant 0 : i32
    return %c0_i32, %c0_i32_0 : i32, i32
  }
  func.func @transform_9(%arg0: i32) -> (i32, i32) {
    %c0_i32 = arith.constant 0 : i32
    %c0_i32_0 = arith.constant 0 : i32
    %c0_i32_1 = arith.constant 0 : i32
    return %c0_i32, %c0_i32_0 : i32, i32
  }
  func.func @transform_10(%arg0: i32) -> (i32, i32) {
    %c0_i32 = arith.constant 0 : i32
    %c0_i32_0 = arith.constant 0 : i32
    return %arg0, %c0_i32 : i32, i32
  }
  func.func @transform_11(%arg0: i32) -> (i32, i32) {
    %c0_i32 = arith.constant 0 : i32
    %c0_i32_0 = arith.constant 0 : i32
    return %arg0, %c0_i32 : i32, i32
  }
  func.func @transform_12(%arg0: i32) -> (i32, i32) {
    %c0_i32 = arith.constant 0 : i32
    %c0_i32_0 = arith.constant 0 : i32
    %c0_i32_1 = arith.constant 0 : i32
    return %c0_i32, %c0_i32_0 : i32, i32
  }
  func.func @transform_13(%arg0: i32) -> (i32, i32) {
    %c0_i32 = arith.constant 0 : i32
    %c0_i32_0 = arith.constant 0 : i32
    return %arg0, %c0_i32 : i32, i32
  }
}

module attributes {stable_mosaic.version = 14 : i64} {
  func.func @_stage_mid(%arg0: i32, %arg1: memref<256x1024xf32, #tpu.memory_space<vmem>>, %arg2: memref<8x1024xf32, #tpu.memory_space<vmem>>, %arg3: memref<1024x1024xbf16, #tpu.memory_space<vmem>>, %arg4: memref<1x1024xf32, #tpu.memory_space<vmem>>, %arg5: memref<1x1024xf32, #tpu.memory_space<vmem>>, %arg6: memref<1x1024xf32, #tpu.memory_space<vmem>>, %arg7: memref<256x1024xf32, #tpu.memory_space<vmem>>, %arg8: memref<256x1024xf32, #tpu.memory_space<vmem>>, %arg9: memref<8x1024xf32, #tpu.memory_space<vmem>>, %arg10: memref<256x1024xf32, #tpu.memory_space<vmem>>, %arg11: memref<1x1024xf32, #tpu.memory_space<vmem>>, %arg12: memref<1x1024xf32, #tpu.memory_space<vmem>>) attributes {dimension_semantics = [#tpu.dimension_semantics<arbitrary>], iteration_bounds = array<i64: 16>, scalar_prefetch = 0 : i64, scratch_operands = 2 : i64, tpu.core_type = #tpu.core_type<tc>, window_params = [{transform_indices = @transform_0, window_bounds = array<i64: 256, 1024>}, {pipeline_mode = #tpu.pipeline_mode<synchronous>, transform_indices = @transform_1, window_bounds = array<i64: 8, 1024>}, {pipeline_mode = #tpu.pipeline_mode<synchronous>, transform_indices = @transform_2, window_bounds = array<i64: 1024, 1024>}, {pipeline_mode = #tpu.pipeline_mode<synchronous>, transform_indices = @transform_3, window_bounds = array<i64: 1, 1024>}, {pipeline_mode = #tpu.pipeline_mode<synchronous>, transform_indices = @transform_4, window_bounds = array<i64: 1, 1024>}, {pipeline_mode = #tpu.pipeline_mode<synchronous>, transform_indices = @transform_5, window_bounds = array<i64: 1, 1024>}, {transform_indices = @transform_6, window_bounds = array<i64: 256, 1024>}, {transform_indices = @transform_7, window_bounds = array<i64: 256, 1024>}, {pipeline_mode = #tpu.pipeline_mode<synchronous>, transform_indices = @transform_8, window_bounds = array<i64: 8, 1024>}, {transform_indices = @transform_9, window_bounds = array<i64: 256, 1024>}]} {
    %eq3A = arith.constant 0 : i32
    %eq3A_0 = arith.cmpi eq, %arg0, %eq3A : i32
    %convert_element_type3A = arith.extui %eq3A_0 : i1 to i32
    %cond3A = arith.constant 0 : i32
    %cond3A_1 = arith.cmpi ne, %convert_element_type3A, %cond3A : i32
    scf.if %cond3A_1 {
      %broadcast_in_dim3A_50 = arith.constant 0.000000e+00 : f32
      %broadcast_in_dim3A_51 = vector.broadcast %broadcast_in_dim3A_50 : f32 to vector<1x1024xf32>
      %swap3A_52 = arith.constant 0 : index
      %swap3A_53 = arith.constant 0 : index
      %swap3A_54 = vector.load %arg11[%swap3A_52, %swap3A_53] : memref<1x1024xf32, #tpu.memory_space<vmem>>, vector<1x1024xf32>
      tpu.vector_store %arg11[%swap3A_52, %swap3A_53], %broadcast_in_dim3A_51 {strides = array<i32>} : memref<1x1024xf32, #tpu.memory_space<vmem>>, vector<1x1024xf32>,
      %broadcast_in_dim3A_55 = arith.constant 0.000000e+00 : f32
      %broadcast_in_dim3A_56 = vector.broadcast %broadcast_in_dim3A_55 : f32 to vector<1x1024xf32>
      %swap3A_57 = arith.constant 0 : index
      %swap3A_58 = arith.constant 0 : index
      %swap3A_59 = vector.load %arg12[%swap3A_57, %swap3A_58] : memref<1x1024xf32, #tpu.memory_space<vmem>>, vector<1x1024xf32>
      tpu.vector_store %arg12[%swap3A_57, %swap3A_58], %broadcast_in_dim3A_56 {strides = array<i32>} : memref<1x1024xf32, #tpu.memory_space<vmem>>, vector<1x1024xf32>,
    } else {
    }
    %get3A = arith.constant 0 : index
    %get3A_2 = arith.constant 0 : index
    %get3A_3 = vector.load %arg2[%get3A, %get3A_2] : memref<8x1024xf32, #tpu.memory_space<vmem>>, vector<1x1024xf32>
    %get3A_4 = arith.constant 0 : index
    %get3A_5 = arith.constant 0 : index
    %get3A_6 = vector.load %arg1[%get3A_4, %get3A_5] : memref<256x1024xf32, #tpu.memory_space<vmem>>, vector<256x1024xf32>
    %mul3A = vector.broadcast %get3A_3 : vector<1x1024xf32> to vector<256x1024xf32>
    %mul3A_7 = arith.mulf %mul3A, %get3A_6 : vector<256x1024xf32>
    %get3A_8 = arith.constant 1 : index
    %get3A_9 = arith.constant 0 : index
    %get3A_10 = vector.load %arg2[%get3A_8, %get3A_9] : memref<8x1024xf32, #tpu.memory_space<vmem>>, vector<1x1024xf32>
    %add3A = vector.broadcast %get3A_10 : vector<1x1024xf32> to vector<256x1024xf32>
    %add3A_11 = arith.addf %mul3A_7, %add3A : vector<256x1024xf32>
    %max3A = arith.constant 0.000000e+00 : f32
    %max3A_12 = vector.broadcast %max3A : f32 to vector<256x1024xf32>
    %max3A_13 = arith.maximumf %add3A_11, %max3A_12 : vector<256x1024xf32>
    %convert_element_type3A_14 = arith.truncf %max3A_13 : vector<256x1024xf32> to vector<256x1024xbf16>
    %get3A_15 = arith.constant 0 : index
    %get3A_16 = arith.constant 0 : index
    %get3A_17 = vector.load %arg3[%get3A_15, %get3A_16] : memref<1024x1024xbf16, #tpu.memory_space<vmem>>, vector<1024x1024xbf16>
    %dot_general3A = arith.constant dense<0.000000e+00> : vector<256x1024xf32>
    %dot_general3A_18 = tpu.matmul %convert_element_type3A_14, %get3A_17, %dot_general3A {dimension_numbers = #tpu.dot_dimension_numbers<[1], [0], [0], [1], [0, 0, 1, 1], [], []>, transpose_lhs_hint = false} : vector<256x1024xbf16>, vector<1024x1024xbf16>, vector<256x1024xf32> -> vector<256x1024xf32>
    %get3A_19 = arith.constant 0 : index
    %get3A_20 = arith.constant 0 : index
    %get3A_21 = vector.load %arg4[%get3A_19, %get3A_20] : memref<1x1024xf32, #tpu.memory_space<vmem>>, vector<1x1024xf32>
    %add3A_22 = vector.broadcast %get3A_21 : vector<1x1024xf32> to vector<256x1024xf32>
    %add3A_23 = arith.addf %dot_general3A_18, %add3A_22 : vector<256x1024xf32>
    %swap3A = arith.constant 0 : index
    %swap3A_24 = arith.constant 0 : index
    %swap3A_25 = vector.load %arg8[%swap3A, %swap3A_24] : memref<256x1024xf32, #tpu.memory_space<vmem>>, vector<256x1024xf32>
    tpu.vector_store %arg8[%swap3A, %swap3A_24], %add3A_23 {strides = array<i32>} : memref<256x1024xf32, #tpu.memory_space<vmem>>, vector<256x1024xf32>,
    %get3A_26 = arith.constant 0 : index
    %get3A_27 = arith.constant 0 : index
    %get3A_28 = vector.load %arg11[%get3A_26, %get3A_27] : memref<1x1024xf32, #tpu.memory_space<vmem>>, vector<1x1024xf32>
    %reduce_sum3A = arith.constant dense<0.000000e+00> : vector<1024xf32>
    %reduce_sum3A_29 = vector.multi_reduction <add>, %add3A_23, %reduce_sum3A [0] : vector<256x1024xf32> to vector<1024xf32>
    %broadcast_in_dim3A = vector.shape_cast %reduce_sum3A_29 : vector<1024xf32> to vector<1x1024xf32>
    %add3A_30 = arith.addf %get3A_28, %broadcast_in_dim3A : vector<1x1024xf32>
    %swap3A_31 = arith.constant 0 : index
    %swap3A_32 = arith.constant 0 : index
    %swap3A_33 = vector.load %arg11[%swap3A_31, %swap3A_32] : memref<1x1024xf32, #tpu.memory_space<vmem>>, vector<1x1024xf32>
    tpu.vector_store %arg11[%swap3A_31, %swap3A_32], %add3A_30 {strides = array<i32>} : memref<1x1024xf32, #tpu.memory_space<vmem>>, vector<1x1024xf32>,
    %get3A_34 = arith.constant 0 : index
    %get3A_35 = arith.constant 0 : index
    %get3A_36 = vector.load %arg12[%get3A_34, %get3A_35] : memref<1x1024xf32, #tpu.memory_space<vmem>>, vector<1x1024xf32>
    %mul3A_37 = arith.mulf %add3A_23, %add3A_23 : vector<256x1024xf32>
    %reduce_sum3A_38 = arith.constant dense<0.000000e+00> : vector<1024xf32>
    %reduce_sum3A_39 = vector.multi_reduction <add>, %mul3A_37, %reduce_sum3A_38 [0] : vector<256x1024xf32> to vector<1024xf32>
    %broadcast_in_dim3A_40 = vector.shape_cast %reduce_sum3A_39 : vector<1024xf32> to vector<1x1024xf32>
    %add3A_41 = arith.addf %get3A_36, %broadcast_in_dim3A_40 : vector<1x1024xf32>
    %swap3A_42 = arith.constant 0 : index
    %swap3A_43 = arith.constant 0 : index
    %swap3A_44 = vector.load %arg12[%swap3A_42, %swap3A_43] : memref<1x1024xf32, #tpu.memory_space<vmem>>, vector<1x1024xf32>
    tpu.vector_store %arg12[%swap3A_42, %swap3A_43], %add3A_41 {strides = array<i32>} : memref<1x1024xf32, #tpu.memory_space<vmem>>, vector<1x1024xf32>,
    %eq3A_45 = arith.constant 15 : i32
    %eq3A_46 = arith.cmpi eq, %arg0, %eq3A_45 : i32
    %convert_element_type3A_47 = arith.extui %eq3A_46 : i1 to i32
    %cond3A_48 = arith.constant 0 : i32
    %cond3A_49 = arith.cmpi ne, %convert_element_type3A_47, %cond3A_48 : i32
    scf.if %cond3A_49 {
      %get3A_50 = arith.constant 0 : index
      %get3A_51 = arith.constant 0 : index
      %get3A_52 = vector.load %arg11[%get3A_50, %get3A_51] : memref<1x1024xf32, #tpu.memory_space<vmem>>, vector<1x1024xf32>
      %get3A_53 = arith.constant 0 : index
      %get3A_54 = arith.constant 0 : index
      %get3A_55 = vector.load %arg12[%get3A_53, %get3A_54] : memref<1x1024xf32, #tpu.memory_space<vmem>>, vector<1x1024xf32>
      %get3A_56 = arith.constant 0 : index
      %get3A_57 = arith.constant 0 : index
      %get3A_58 = vector.load %arg5[%get3A_56, %get3A_57] : memref<1x1024xf32, #tpu.memory_space<vmem>>, vector<1x1024xf32>
      %get3A_59 = arith.constant 0 : index
      %get3A_60 = arith.constant 0 : index
      %get3A_61 = vector.load %arg6[%get3A_59, %get3A_60] : memref<1x1024xf32, #tpu.memory_space<vmem>>, vector<1x1024xf32>
      %mul3A_62 = arith.constant 2.44140625E-4 : f32
      %mul3A_63 = vector.broadcast %mul3A_62 : f32 to vector<1x1024xf32>
      %mul3A_64 = arith.mulf %get3A_52, %mul3A_63 : vector<1x1024xf32>
      %mul3A_65 = arith.constant 2.44140625E-4 : f32
      %mul3A_66 = vector.broadcast %mul3A_65 : f32 to vector<1x1024xf32>
      %mul3A_67 = arith.mulf %get3A_55, %mul3A_66 : vector<1x1024xf32>
      %mul3A_68 = arith.mulf %mul3A_64, %mul3A_64 : vector<1x1024xf32>
      %sub3A = arith.subf %mul3A_67, %mul3A_68 : vector<1x1024xf32>
      %add3A_69 = arith.constant 9.99999974E-6 : f32
      %add3A_70 = vector.broadcast %add3A_69 : f32 to vector<1x1024xf32>
      %add3A_71 = arith.addf %sub3A, %add3A_70 : vector<1x1024xf32>
      %rsqrt3A = math.rsqrt %add3A_71 : vector<1x1024xf32>
      %mul3A_72 = arith.mulf %get3A_58, %rsqrt3A : vector<1x1024xf32>
      %mul3A_73 = arith.mulf %mul3A_72, %mul3A_64 : vector<1x1024xf32>
      %sub3A_74 = arith.subf %get3A_61, %mul3A_73 : vector<1x1024xf32>
      %swap3A_75 = arith.constant 0 : index
      %swap3A_76 = arith.constant 0 : index
      %swap3A_77 = vector.load %arg9[%swap3A_75, %swap3A_76] : memref<8x1024xf32, #tpu.memory_space<vmem>>, vector<1x1024xf32>
      tpu.vector_store %arg9[%swap3A_75, %swap3A_76], %mul3A_72 {strides = array<i32>} : memref<8x1024xf32, #tpu.memory_space<vmem>>, vector<1x1024xf32>,
      %swap3A_78 = arith.constant 1 : index
      %swap3A_79 = arith.constant 0 : index
      %swap3A_80 = vector.load %arg9[%swap3A_78, %swap3A_79] : memref<8x1024xf32, #tpu.memory_space<vmem>>, vector<1x1024xf32>
      tpu.vector_store %arg9[%swap3A_78, %swap3A_79], %sub3A_74 {strides = array<i32>} : memref<8x1024xf32, #tpu.memory_space<vmem>>, vector<1x1024xf32>,
    } else {
    }
    return
  }
  func.func @transform_0(%arg0: i32) -> (i32, i32) {
    %c0_i32 = arith.constant 0 : i32
    %c0_i32_0 = arith.constant 0 : i32
    return %arg0, %c0_i32 : i32, i32
  }
  func.func @transform_1(%arg0: i32) -> (i32, i32) {
    %c0_i32 = arith.constant 0 : i32
    %c0_i32_0 = arith.constant 0 : i32
    %c0_i32_1 = arith.constant 0 : i32
    return %c0_i32, %c0_i32_0 : i32, i32
  }
  func.func @transform_2(%arg0: i32) -> (i32, i32) {
    %c0_i32 = arith.constant 0 : i32
    %c0_i32_0 = arith.constant 0 : i32
    %c0_i32_1 = arith.constant 0 : i32
    return %c0_i32, %c0_i32_0 : i32, i32
  }
  func.func @transform_3(%arg0: i32) -> (i32, i32) {
    %c0_i32 = arith.constant 0 : i32
    %c0_i32_0 = arith.constant 0 : i32
    %c0_i32_1 = arith.constant 0 : i32
    return %c0_i32, %c0_i32_0 : i32, i32
  }
  func.func @transform_4(%arg0: i32) -> (i32, i32) {
    %c0_i32 = arith.constant 0 : i32
    %c0_i32_0 = arith.constant 0 : i32
    %c0_i32_1 = arith.constant 0 : i32
    return %c0_i32, %c0_i32_0 : i32, i32
  }
  func.func @transform_5(%arg0: i32) -> (i32, i32) {
    %c0_i32 = arith.constant 0 : i32
    %c0_i32_0 = arith.constant 0 : i32
    %c0_i32_1 = arith.constant 0 : i32
    return %c0_i32, %c0_i32_0 : i32, i32
  }
  func.func @transform_6(%arg0: i32) -> (i32, i32) {
    %c0_i32 = arith.constant 0 : i32
    %c0_i32_0 = arith.constant 0 : i32
    return %arg0, %c0_i32 : i32, i32
  }
  func.func @transform_7(%arg0: i32) -> (i32, i32) {
    %c0_i32 = arith.constant 0 : i32
    %c0_i32_0 = arith.constant 0 : i32
    return %arg0, %c0_i32 : i32, i32
  }
  func.func @transform_8(%arg0: i32) -> (i32, i32) {
    %c0_i32 = arith.constant 0 : i32
    %c0_i32_0 = arith.constant 0 : i32
    %c0_i32_1 = arith.constant 0 : i32
    return %c0_i32, %c0_i32_0 : i32, i32
  }
  func.func @transform_9(%arg0: i32) -> (i32, i32) {
    %c0_i32 = arith.constant 0 : i32
    %c0_i32_0 = arith.constant 0 : i32
    return %arg0, %c0_i32 : i32, i32
  }
}

module attributes {stable_mosaic.version = 14 : i64} {
  func.func @_stage_mid(%arg0: i32, %arg1: memref<256x1024xf32, #tpu.memory_space<vmem>>, %arg2: memref<8x1024xf32, #tpu.memory_space<vmem>>, %arg3: memref<1024x1024xbf16, #tpu.memory_space<vmem>>, %arg4: memref<1x1024xf32, #tpu.memory_space<vmem>>, %arg5: memref<1x1024xf32, #tpu.memory_space<vmem>>, %arg6: memref<1x1024xf32, #tpu.memory_space<vmem>>, %arg7: memref<256x1024xf32, #tpu.memory_space<vmem>>, %arg8: memref<256x1024xf32, #tpu.memory_space<vmem>>, %arg9: memref<8x1024xf32, #tpu.memory_space<vmem>>, %arg10: memref<256x1024xf32, #tpu.memory_space<vmem>>, %arg11: memref<1x1024xf32, #tpu.memory_space<vmem>>, %arg12: memref<1x1024xf32, #tpu.memory_space<vmem>>) attributes {dimension_semantics = [#tpu.dimension_semantics<arbitrary>], iteration_bounds = array<i64: 16>, scalar_prefetch = 0 : i64, scratch_operands = 2 : i64, tpu.core_type = #tpu.core_type<tc>, window_params = [{transform_indices = @transform_0, window_bounds = array<i64: 256, 1024>}, {pipeline_mode = #tpu.pipeline_mode<synchronous>, transform_indices = @transform_1, window_bounds = array<i64: 8, 1024>}, {pipeline_mode = #tpu.pipeline_mode<synchronous>, transform_indices = @transform_2, window_bounds = array<i64: 1024, 1024>}, {pipeline_mode = #tpu.pipeline_mode<synchronous>, transform_indices = @transform_3, window_bounds = array<i64: 1, 1024>}, {pipeline_mode = #tpu.pipeline_mode<synchronous>, transform_indices = @transform_4, window_bounds = array<i64: 1, 1024>}, {pipeline_mode = #tpu.pipeline_mode<synchronous>, transform_indices = @transform_5, window_bounds = array<i64: 1, 1024>}, {transform_indices = @transform_6, window_bounds = array<i64: 256, 1024>}, {transform_indices = @transform_7, window_bounds = array<i64: 256, 1024>}, {pipeline_mode = #tpu.pipeline_mode<synchronous>, transform_indices = @transform_8, window_bounds = array<i64: 8, 1024>}, {transform_indices = @transform_9, window_bounds = array<i64: 256, 1024>}]} {
    %eq3A = arith.constant 0 : i32
    %eq3A_0 = arith.cmpi eq, %arg0, %eq3A : i32
    %convert_element_type3A = arith.extui %eq3A_0 : i1 to i32
    %cond3A = arith.constant 0 : i32
    %cond3A_1 = arith.cmpi ne, %convert_element_type3A, %cond3A : i32
    scf.if %cond3A_1 {
      %broadcast_in_dim3A_57 = arith.constant 0.000000e+00 : f32
      %broadcast_in_dim3A_58 = vector.broadcast %broadcast_in_dim3A_57 : f32 to vector<1x1024xf32>
      %swap3A_59 = arith.constant 0 : index
      %swap3A_60 = arith.constant 0 : index
      %swap3A_61 = vector.load %arg11[%swap3A_59, %swap3A_60] : memref<1x1024xf32, #tpu.memory_space<vmem>>, vector<1x1024xf32>
      tpu.vector_store %arg11[%swap3A_59, %swap3A_60], %broadcast_in_dim3A_58 {strides = array<i32>} : memref<1x1024xf32, #tpu.memory_space<vmem>>, vector<1x1024xf32>,
      %broadcast_in_dim3A_62 = arith.constant 0.000000e+00 : f32
      %broadcast_in_dim3A_63 = vector.broadcast %broadcast_in_dim3A_62 : f32 to vector<1x1024xf32>
      %swap3A_64 = arith.constant 0 : index
      %swap3A_65 = arith.constant 0 : index
      %swap3A_66 = vector.load %arg12[%swap3A_64, %swap3A_65] : memref<1x1024xf32, #tpu.memory_space<vmem>>, vector<1x1024xf32>
      tpu.vector_store %arg12[%swap3A_64, %swap3A_65], %broadcast_in_dim3A_63 {strides = array<i32>} : memref<1x1024xf32, #tpu.memory_space<vmem>>, vector<1x1024xf32>,
    } else {
    }
    %get3A = arith.constant 0 : index
    %get3A_2 = arith.constant 0 : index
    %get3A_3 = vector.load %arg2[%get3A, %get3A_2] : memref<8x1024xf32, #tpu.memory_space<vmem>>, vector<1x1024xf32>
    %get3A_4 = arith.constant 0 : index
    %get3A_5 = arith.constant 0 : index
    %get3A_6 = vector.load %arg1[%get3A_4, %get3A_5] : memref<256x1024xf32, #tpu.memory_space<vmem>>, vector<256x1024xf32>
    %mul3A = vector.broadcast %get3A_3 : vector<1x1024xf32> to vector<256x1024xf32>
    %mul3A_7 = arith.mulf %mul3A, %get3A_6 : vector<256x1024xf32>
    %get3A_8 = arith.constant 1 : index
    %get3A_9 = arith.constant 0 : index
    %get3A_10 = vector.load %arg2[%get3A_8, %get3A_9] : memref<8x1024xf32, #tpu.memory_space<vmem>>, vector<1x1024xf32>
    %add3A = vector.broadcast %get3A_10 : vector<1x1024xf32> to vector<256x1024xf32>
    %add3A_11 = arith.addf %mul3A_7, %add3A : vector<256x1024xf32>
    %get3A_12 = arith.constant 0 : index
    %get3A_13 = arith.constant 0 : index
    %get3A_14 = vector.load %arg7[%get3A_12, %get3A_13] : memref<256x1024xf32, #tpu.memory_space<vmem>>, vector<256x1024xf32>
    %add3A_15 = arith.addf %add3A_11, %get3A_14 : vector<256x1024xf32>
    %max3A = arith.constant 0.000000e+00 : f32
    %max3A_16 = vector.broadcast %max3A : f32 to vector<256x1024xf32>
    %max3A_17 = arith.maximumf %add3A_15, %max3A_16 : vector<256x1024xf32>
    %swap3A = arith.constant 0 : index
    %swap3A_18 = arith.constant 0 : index
    %swap3A_19 = vector.load %arg10[%swap3A, %swap3A_18] : memref<256x1024xf32, #tpu.memory_space<vmem>>, vector<256x1024xf32>
    tpu.vector_store %arg10[%swap3A, %swap3A_18], %max3A_17 {strides = array<i32>} : memref<256x1024xf32, #tpu.memory_space<vmem>>, vector<256x1024xf32>,
    %convert_element_type3A_20 = arith.truncf %max3A_17 : vector<256x1024xf32> to vector<256x1024xbf16>
    %get3A_21 = arith.constant 0 : index
    %get3A_22 = arith.constant 0 : index
    %get3A_23 = vector.load %arg3[%get3A_21, %get3A_22] : memref<1024x1024xbf16, #tpu.memory_space<vmem>>, vector<1024x1024xbf16>
    %dot_general3A = arith.constant dense<0.000000e+00> : vector<256x1024xf32>
    %dot_general3A_24 = tpu.matmul %convert_element_type3A_20, %get3A_23, %dot_general3A {dimension_numbers = #tpu.dot_dimension_numbers<[1], [0], [0], [1], [0, 0, 1, 1], [], []>, transpose_lhs_hint = false} : vector<256x1024xbf16>, vector<1024x1024xbf16>, vector<256x1024xf32> -> vector<256x1024xf32>
    %get3A_25 = arith.constant 0 : index
    %get3A_26 = arith.constant 0 : index
    %get3A_27 = vector.load %arg4[%get3A_25, %get3A_26] : memref<1x1024xf32, #tpu.memory_space<vmem>>, vector<1x1024xf32>
    %add3A_28 = vector.broadcast %get3A_27 : vector<1x1024xf32> to vector<256x1024xf32>
    %add3A_29 = arith.addf %dot_general3A_24, %add3A_28 : vector<256x1024xf32>
    %swap3A_30 = arith.constant 0 : index
    %swap3A_31 = arith.constant 0 : index
    %swap3A_32 = vector.load %arg8[%swap3A_30, %swap3A_31] : memref<256x1024xf32, #tpu.memory_space<vmem>>, vector<256x1024xf32>
    tpu.vector_store %arg8[%swap3A_30, %swap3A_31], %add3A_29 {strides = array<i32>} : memref<256x1024xf32, #tpu.memory_space<vmem>>, vector<256x1024xf32>,
    %get3A_33 = arith.constant 0 : index
    %get3A_34 = arith.constant 0 : index
    %get3A_35 = vector.load %arg11[%get3A_33, %get3A_34] : memref<1x1024xf32, #tpu.memory_space<vmem>>, vector<1x1024xf32>
    %reduce_sum3A = arith.constant dense<0.000000e+00> : vector<1024xf32>
    %reduce_sum3A_36 = vector.multi_reduction <add>, %add3A_29, %reduce_sum3A [0] : vector<256x1024xf32> to vector<1024xf32>
    %broadcast_in_dim3A = vector.shape_cast %reduce_sum3A_36 : vector<1024xf32> to vector<1x1024xf32>
    %add3A_37 = arith.addf %get3A_35, %broadcast_in_dim3A : vector<1x1024xf32>
    %swap3A_38 = arith.constant 0 : index
    %swap3A_39 = arith.constant 0 : index
    %swap3A_40 = vector.load %arg11[%swap3A_38, %swap3A_39] : memref<1x1024xf32, #tpu.memory_space<vmem>>, vector<1x1024xf32>
    tpu.vector_store %arg11[%swap3A_38, %swap3A_39], %add3A_37 {strides = array<i32>} : memref<1x1024xf32, #tpu.memory_space<vmem>>, vector<1x1024xf32>,
    %get3A_41 = arith.constant 0 : index
    %get3A_42 = arith.constant 0 : index
    %get3A_43 = vector.load %arg12[%get3A_41, %get3A_42] : memref<1x1024xf32, #tpu.memory_space<vmem>>, vector<1x1024xf32>
    %mul3A_44 = arith.mulf %add3A_29, %add3A_29 : vector<256x1024xf32>
    %reduce_sum3A_45 = arith.constant dense<0.000000e+00> : vector<1024xf32>
    %reduce_sum3A_46 = vector.multi_reduction <add>, %mul3A_44, %reduce_sum3A_45 [0] : vector<256x1024xf32> to vector<1024xf32>
    %broadcast_in_dim3A_47 = vector.shape_cast %reduce_sum3A_46 : vector<1024xf32> to vector<1x1024xf32>
    %add3A_48 = arith.addf %get3A_43, %broadcast_in_dim3A_47 : vector<1x1024xf32>
    %swap3A_49 = arith.constant 0 : index
    %swap3A_50 = arith.constant 0 : index
    %swap3A_51 = vector.load %arg12[%swap3A_49, %swap3A_50] : memref<1x1024xf32, #tpu.memory_space<vmem>>, vector<1x1024xf32>
    tpu.vector_store %arg12[%swap3A_49, %swap3A_50], %add3A_48 {strides = array<i32>} : memref<1x1024xf32, #tpu.memory_space<vmem>>, vector<1x1024xf32>,
    %eq3A_52 = arith.constant 15 : i32
    %eq3A_53 = arith.cmpi eq, %arg0, %eq3A_52 : i32
    %convert_element_type3A_54 = arith.extui %eq3A_53 : i1 to i32
    %cond3A_55 = arith.constant 0 : i32
    %cond3A_56 = arith.cmpi ne, %convert_element_type3A_54, %cond3A_55 : i32
    scf.if %cond3A_56 {
      %get3A_57 = arith.constant 0 : index
      %get3A_58 = arith.constant 0 : index
      %get3A_59 = vector.load %arg11[%get3A_57, %get3A_58] : memref<1x1024xf32, #tpu.memory_space<vmem>>, vector<1x1024xf32>
      %get3A_60 = arith.constant 0 : index
      %get3A_61 = arith.constant 0 : index
      %get3A_62 = vector.load %arg12[%get3A_60, %get3A_61] : memref<1x1024xf32, #tpu.memory_space<vmem>>, vector<1x1024xf32>
      %get3A_63 = arith.constant 0 : index
      %get3A_64 = arith.constant 0 : index
      %get3A_65 = vector.load %arg5[%get3A_63, %get3A_64] : memref<1x1024xf32, #tpu.memory_space<vmem>>, vector<1x1024xf32>
      %get3A_66 = arith.constant 0 : index
      %get3A_67 = arith.constant 0 : index
      %get3A_68 = vector.load %arg6[%get3A_66, %get3A_67] : memref<1x1024xf32, #tpu.memory_space<vmem>>, vector<1x1024xf32>
      %mul3A_69 = arith.constant 2.44140625E-4 : f32
      %mul3A_70 = vector.broadcast %mul3A_69 : f32 to vector<1x1024xf32>
      %mul3A_71 = arith.mulf %get3A_59, %mul3A_70 : vector<1x1024xf32>
      %mul3A_72 = arith.constant 2.44140625E-4 : f32
      %mul3A_73 = vector.broadcast %mul3A_72 : f32 to vector<1x1024xf32>
      %mul3A_74 = arith.mulf %get3A_62, %mul3A_73 : vector<1x1024xf32>
      %mul3A_75 = arith.mulf %mul3A_71, %mul3A_71 : vector<1x1024xf32>
      %sub3A = arith.subf %mul3A_74, %mul3A_75 : vector<1x1024xf32>
      %add3A_76 = arith.constant 9.99999974E-6 : f32
      %add3A_77 = vector.broadcast %add3A_76 : f32 to vector<1x1024xf32>
      %add3A_78 = arith.addf %sub3A, %add3A_77 : vector<1x1024xf32>
      %rsqrt3A = math.rsqrt %add3A_78 : vector<1x1024xf32>
      %mul3A_79 = arith.mulf %get3A_65, %rsqrt3A : vector<1x1024xf32>
      %mul3A_80 = arith.mulf %mul3A_79, %mul3A_71 : vector<1x1024xf32>
      %sub3A_81 = arith.subf %get3A_68, %mul3A_80 : vector<1x1024xf32>
      %swap3A_82 = arith.constant 0 : index
      %swap3A_83 = arith.constant 0 : index
      %swap3A_84 = vector.load %arg9[%swap3A_82, %swap3A_83] : memref<8x1024xf32, #tpu.memory_space<vmem>>, vector<1x1024xf32>
      tpu.vector_store %arg9[%swap3A_82, %swap3A_83], %mul3A_79 {strides = array<i32>} : memref<8x1024xf32, #tpu.memory_space<vmem>>, vector<1x1024xf32>,
      %swap3A_85 = arith.constant 1 : index
      %swap3A_86 = arith.constant 0 : index
      %swap3A_87 = vector.load %arg9[%swap3A_85, %swap3A_86] : memref<8x1024xf32, #tpu.memory_space<vmem>>, vector<1x1024xf32>
      tpu.vector_store %arg9[%swap3A_85, %swap3A_86], %sub3A_81 {strides = array<i32>} : memref<8x1024xf32, #tpu.memory_space<vmem>>, vector<1x1024xf32>,
    } else {
    }
    return
  }
  func.func @transform_0(%arg0: i32) -> (i32, i32) {
    %c0_i32 = arith.constant 0 : i32
    %c0_i32_0 = arith.constant 0 : i32
    return %arg0, %c0_i32 : i32, i32
  }
  func.func @transform_1(%arg0: i32) -> (i32, i32) {
    %c0_i32 = arith.constant 0 : i32
    %c0_i32_0 = arith.constant 0 : i32
    %c0_i32_1 = arith.constant 0 : i32
    return %c0_i32, %c0_i32_0 : i32, i32
  }
  func.func @transform_2(%arg0: i32) -> (i32, i32) {
    %c0_i32 = arith.constant 0 : i32
    %c0_i32_0 = arith.constant 0 : i32
    %c0_i32_1 = arith.constant 0 : i32
    return %c0_i32, %c0_i32_0 : i32, i32
  }
  func.func @transform_3(%arg0: i32) -> (i32, i32) {
    %c0_i32 = arith.constant 0 : i32
    %c0_i32_0 = arith.constant 0 : i32
    %c0_i32_1 = arith.constant 0 : i32
    return %c0_i32, %c0_i32_0 : i32, i32
  }
  func.func @transform_4(%arg0: i32) -> (i32, i32) {
    %c0_i32 = arith.constant 0 : i32
    %c0_i32_0 = arith.constant 0 : i32
    %c0_i32_1 = arith.constant 0 : i32
    return %c0_i32, %c0_i32_0 : i32, i32
  }
  func.func @transform_5(%arg0: i32) -> (i32, i32) {
    %c0_i32 = arith.constant 0 : i32
    %c0_i32_0 = arith.constant 0 : i32
    %c0_i32_1 = arith.constant 0 : i32
    return %c0_i32, %c0_i32_0 : i32, i32
  }
  func.func @transform_6(%arg0: i32) -> (i32, i32) {
    %c0_i32 = arith.constant 0 : i32
    %c0_i32_0 = arith.constant 0 : i32
    return %arg0, %c0_i32 : i32, i32
  }
  func.func @transform_7(%arg0: i32) -> (i32, i32) {
    %c0_i32 = arith.constant 0 : i32
    %c0_i32_0 = arith.constant 0 : i32
    return %arg0, %c0_i32 : i32, i32
  }
  func.func @transform_8(%arg0: i32) -> (i32, i32) {
    %c0_i32 = arith.constant 0 : i32
    %c0_i32_0 = arith.constant 0 : i32
    %c0_i32_1 = arith.constant 0 : i32
    return %c0_i32, %c0_i32_0 : i32, i32
  }
  func.func @transform_9(%arg0: i32) -> (i32, i32) {
    %c0_i32 = arith.constant 0 : i32
    %c0_i32_0 = arith.constant 0 : i32
    return %arg0, %c0_i32 : i32, i32
  }
}

module attributes {stable_mosaic.version = 14 : i64} {
  func.func @_stage_e(%arg0: i32, %arg1: memref<256x1024xf32, #tpu.memory_space<vmem>>, %arg2: memref<8x1024xf32, #tpu.memory_space<vmem>>, %arg3: memref<256x1024xf32, #tpu.memory_space<vmem>>, %arg4: memref<256x1xf32, #tpu.memory_space<vmem>>, %arg5: memref<1x1024xf32, #tpu.memory_space<vmem>>, %arg6: memref<1x8xf32, #tpu.memory_space<vmem>>, %arg7: memref<256x1xf32, #tpu.memory_space<vmem>>) attributes {dimension_semantics = [#tpu.dimension_semantics<arbitrary>], iteration_bounds = array<i64: 16>, scalar_prefetch = 0 : i64, scratch_operands = 0 : i64, tpu.core_type = #tpu.core_type<tc>, window_params = [{transform_indices = @transform_0, window_bounds = array<i64: 256, 1024>}, {pipeline_mode = #tpu.pipeline_mode<synchronous>, transform_indices = @transform_1, window_bounds = array<i64: 8, 1024>}, {transform_indices = @transform_2, window_bounds = array<i64: 256, 1024>}, {transform_indices = @transform_3, window_bounds = array<i64: 256, 1>}, {pipeline_mode = #tpu.pipeline_mode<synchronous>, transform_indices = @transform_4, window_bounds = array<i64: 1, 1024>}, {pipeline_mode = #tpu.pipeline_mode<synchronous>, transform_indices = @transform_5, window_bounds = array<i64: 1, 8>}, {transform_indices = @transform_6, window_bounds = array<i64: 256, 1>}]} {
    %get3A = arith.constant 0 : index
    %get3A_0 = arith.constant 0 : index
    %get3A_1 = vector.load %arg2[%get3A, %get3A_0] : memref<8x1024xf32, #tpu.memory_space<vmem>>, vector<1x1024xf32>
    %get3A_2 = arith.constant 0 : index
    %get3A_3 = arith.constant 0 : index
    %get3A_4 = vector.load %arg1[%get3A_2, %get3A_3] : memref<256x1024xf32, #tpu.memory_space<vmem>>, vector<256x1024xf32>
    %mul3A = vector.broadcast %get3A_1 : vector<1x1024xf32> to vector<256x1024xf32>
    %mul3A_5 = arith.mulf %mul3A, %get3A_4 : vector<256x1024xf32>
    %get3A_6 = arith.constant 1 : index
    %get3A_7 = arith.constant 0 : index
    %get3A_8 = vector.load %arg2[%get3A_6, %get3A_7] : memref<8x1024xf32, #tpu.memory_space<vmem>>, vector<1x1024xf32>
    %add3A = vector.broadcast %get3A_8 : vector<1x1024xf32> to vector<256x1024xf32>
    %add3A_9 = arith.addf %mul3A_5, %add3A : vector<256x1024xf32>
    %get3A_10 = arith.constant 0 : index
    %get3A_11 = arith.constant 0 : index
    %get3A_12 = vector.load %arg3[%get3A_10, %get3A_11] : memref<256x1024xf32, #tpu.memory_space<vmem>>, vector<256x1024xf32>
    %add3A_13 = arith.addf %add3A_9, %get3A_12 : vector<256x1024xf32>
    %max3A = arith.constant 0.000000e+00 : f32
    %max3A_14 = vector.broadcast %max3A : f32 to vector<256x1024xf32>
    %max3A_15 = arith.maximumf %add3A_13, %max3A_14 : vector<256x1024xf32>
    %get3A_16 = arith.constant 0 : index
    %get3A_17 = arith.constant 0 : index
    %get3A_18 = vector.load %arg5[%get3A_16, %get3A_17] : memref<1x1024xf32, #tpu.memory_space<vmem>>, vector<1x1024xf32>
    %mul3A_19 = vector.broadcast %get3A_18 : vector<1x1024xf32> to vector<256x1024xf32>
    %mul3A_20 = arith.mulf %max3A_15, %mul3A_19 : vector<256x1024xf32>
    %reduce_sum3A = arith.constant dense<0.000000e+00> : vector<256xf32>
    %reduce_sum3A_21 = vector.multi_reduction <add>, %mul3A_20, %reduce_sum3A [1] : vector<256x1024xf32> to vector<256xf32>
    %broadcast_in_dim3A = vector.shape_cast %reduce_sum3A_21 : vector<256xf32> to vector<256x1xf32>
    %get3A_22 = arith.constant 0 : index
    %get3A_23 = arith.constant 0 : index
    %get3A_24 = vector.load %arg4[%get3A_22, %get3A_23] : memref<256x1xf32, #tpu.memory_space<vmem>>, vector<256x1xf32>
    %add3A_25 = arith.addf %broadcast_in_dim3A, %get3A_24 : vector<256x1xf32>
    %get3A_26 = arith.constant 0 : index
    %get3A_27 = arith.constant 0 : index
    %get3A_28 = vector.load %arg6[%get3A_26, %get3A_27] : memref<1x8xf32, #tpu.memory_space<vmem>>, vector<1x1xf32>
    %get3A_29 = vector.extract %get3A_28[0, 0] : f32 from vector<1x1xf32>
    %add3A_30 = vector.broadcast %get3A_29 : f32 to vector<256x1xf32>
    %add3A_31 = arith.addf %add3A_25, %add3A_30 : vector<256x1xf32>
    %swap3A = arith.constant 0 : index
    %swap3A_32 = arith.constant 0 : index
    %swap3A_33 = vector.load %arg7[%swap3A, %swap3A_32] : memref<256x1xf32, #tpu.memory_space<vmem>>, vector<256x1xf32>
    tpu.vector_store %arg7[%swap3A, %swap3A_32], %add3A_31 {strides = array<i32>} : memref<256x1xf32, #tpu.memory_space<vmem>>, vector<256x1xf32>,
    return
  }
  func.func @transform_0(%arg0: i32) -> (i32, i32) {
    %c0_i32 = arith.constant 0 : i32
    %c0_i32_0 = arith.constant 0 : i32
    return %arg0, %c0_i32 : i32, i32
  }
  func.func @transform_1(%arg0: i32) -> (i32, i32) {
    %c0_i32 = arith.constant 0 : i32
    %c0_i32_0 = arith.constant 0 : i32
    %c0_i32_1 = arith.constant 0 : i32
    return %c0_i32, %c0_i32_0 : i32, i32
  }
  func.func @transform_2(%arg0: i32) -> (i32, i32) {
    %c0_i32 = arith.constant 0 : i32
    %c0_i32_0 = arith.constant 0 : i32
    return %arg0, %c0_i32 : i32, i32
  }
  func.func @transform_3(%arg0: i32) -> (i32, i32) {
    %c0_i32 = arith.constant 0 : i32
    %c0_i32_0 = arith.constant 0 : i32
    return %arg0, %c0_i32 : i32, i32
  }
  func.func @transform_4(%arg0: i32) -> (i32, i32) {
    %c0_i32 = arith.constant 0 : i32
    %c0_i32_0 = arith.constant 0 : i32
    %c0_i32_1 = arith.constant 0 : i32
    return %c0_i32, %c0_i32_0 : i32, i32
  }
  func.func @transform_5(%arg0: i32) -> (i32, i32) {
    %c0_i32 = arith.constant 0 : i32
    %c0_i32_0 = arith.constant 0 : i32
    %c0_i32_1 = arith.constant 0 : i32
    return %c0_i32, %c0_i32_0 : i32, i32
  }
  func.func @transform_6(%arg0: i32) -> (i32, i32) {
    %c0_i32 = arith.constant 0 : i32
    %c0_i32_0 = arith.constant 0 : i32
    return %arg0, %c0_i32 : i32, i32
  }
}

</mosaic_0001>

<sc_bundles>
// kernel: kernel.8.cloned.1.call-start
scs
__scs_entry_jumppad:
0x0: {  	(pc) =	sbr.rel $0x88, $3  }
0x1: {  	(tag) =	ssettag $0x0;
	lr =	simm.s32 $0x1  }
0x2: {  	[smem:$0x3F80] =	sst lr;
	_ =	strace $0xD0000000  }
0x3: {  	_ = 	snop  }
0x4: {  	_ = 	snop  }
0x5: {  	_ = 	snop  }
0x6: {  	_ = 	snop  }
0x7: {  	_ = 	snop  }
__scs_overlays_trampoline_lowered:
0x8: {  	[smem:$0x3F8F] =	sst s0  }
0x9: {  	[smem:$0x3F90] =	sst s1  }
0xa: {  	[smem:$0x3F91] =	sst s2  }
0xb: {  	[smem:$0x3F92] =	sst s3  }
0xc: {  	[smem:$0x3F93] =	sst s4  }
0xd: {  	[smem:$0x3F94] =	sst s5  }
0xe: {  	[smem:$0x3F95] =	sst s6  }
0xf: {  	[smem:$0x3F96] =	sst s7  }
0x10: {  	[smem:$0x3F97] =	sst s8  }
0x11: {  	[smem:$0x3F98] =	sst s9;
	s0 =	simm.s32 @!p0 $0x0  }
0x12: {  	s1 =	sld [smem:$0x3F7E];
	s0 =	simm.s32 @p0 $0x1  }
0x13: {  	[smem:$0x3F99] =	sst s0;
	s0 =	simm.s32 @!p1 $0x0  }
0x14: {  	s2 =	sld [smem:$0x3F7D];
	s0 =	simm.s32 @p1 $0x1  }
0x15: {  	[smem:$0x3F9A] =	sst s0;
	s0 =	simm.s32 @!p2 $0x0  }
0x16: {  	s3 =	sld [smem:$0x3FDB];
	s0 =	simm.s32 @p2 $0x1  }
0x17: {  	s4 =	simm.s32 $0x1BF5;
	[smem:$0x3F9C] =	sst s0  }
0x18: {  	s0 =	sld [smem:$0x3F7F];
	_ =	swait.ge [sflag:s4], $0x0  }
0x19: {  	s7 =	sld [smem:$0x3F80]  }
0x1a: {  	s8 =	sadd.s32 $0xFFFFE003, lr  }
0x1b: {  	s9 =	sadd.s32 $0xFFFFFEF7, lr;
	s5 =	simm.s32 $0xFFFFFFFF;
	p2 =	slt.u32 s8, $0xFFFFF086  }
0x1c: {  	p1 =	slt.u32 s9, $0xF7A;
	s5 =	simm.s32 @!p2 $0x0  }
0x1d: {  	s5 =	simm.s32 @p1 $0x1;
	p0 =	seq.s32 s7, s2  }
0x1e: {  	s7 =	smul.u32 @!p0 $0xF7A, s2;
	p2 =	seq.s32 @!p0 s5, $0x0  }
0x1f: {  	s9 =	smul.u32 $0xF7A, s1;
	s8 =	simm.s32 @!p0 $0x1BF5;
	p2 =	por !p2, p0  }
0x20: {  	[sflag:s8] =	ssyncset.s32 @!p0 $0xFFFFF086;
	s6 =	sadd.s32 @!p0 s3, s7;
	s7 =	simm.s32 @!p0 $0x108  }
0x21: {  	s3 =	sadd.s32 s3, s9;
	s6 =	sadd.s32 @!p0 $0x88, s6;
	s7 =	simm.s32 @p2 $0x1082  }
0x22: {  	[simem:s7], [sflag:s8] =	dma.local @!p0 [hbm:s6], $0xF7A  }
0x23: {  	s9 =	sor.u32 $0xD0000000, s2;
	s6 =	simm.s32 $0x108;
	_ =	swait.ge @!p0 [sflag:s8], $0x0  }
0x24: {  	s3 =	sadd.s32 $0x88, s3;
	s6 =	simm.s32 @!p1 $0x1082;
	[sflag:s4] =	ssyncset.s32 $0xFFFFF086  }
0x25: {  	[simem:s6], [sflag:s4] =	dma.local [hbm:s3], $0xF7A  }
0x26: {  	[smem:$0x3F80] =	sst s1;
	(tag) =	ssettag s2;
	_ =	strace s9  }
0x27: {  	s1 =	sld [smem:$0x3F90]  }
0x28: {  	s2 =	sld [smem:$0x3F91]  }
0x29: {  	s4 =	sld [smem:$0x3F93]  }
0x2a: {  	p0 =	seq.s32 s5, $0x0;
	s5 =	sld [smem:$0x3F94]  }
0x2b: {  	s6 =	sld [smem:$0x3F95]  }
0x2c: {  	s7 =	sld [smem:$0x3F96]  }
0x2d: {  	s3 =	simm.s32 $0x108;
	s8 =	sld [smem:$0x3F97]  }
0x2e: {  	s3 =	simm.s32 @!p0 $0x1082;
	s9 =	sld [smem:$0x3F98]  }
0x2f: {  	lr =	sadd.s32 s0, s3;
	s0 =	sld [smem:$0x3F8F]  }
0x30: {  	s3 =	sld [smem:$0x3F92]  }
0x31: {  	[smem:$0x3F9B] =	sst s10  }
0x32: {  	s10 =	sld [smem:$0x3F99];
	_ =	sdelay $0x3  }
0x33: {  	p0 =	seq.s32 s10, $0x1;
	s10 =	sld [smem:$0x3F9B];
	_ =	sdelay $0x3  }
0x34: {  	[smem:$0x3F9B] =	sst s10  }
0x35: {  	s10 =	sld [smem:$0x3F9A];
	_ =	sdelay $0x3  }
0x36: {  	p1 =	seq.s32 s10, $0x1;
	s10 =	sld [smem:$0x3F9B];
	_ =	sdelay $0x3  }
0x37: {  	[smem:$0x3F9B] =	sst s10  }
0x38: {  	s10 =	sld [smem:$0x3F9C]  }
0x39: {  	_ = 	snop;
	(pc) =	sbr.ind lr, $3  }
0x3a: {  	_ = 	snop  }
0x3b: {  	_ = 	snop  }
0x3c: {  	p2 =	seq.s32 s10, $0x1;
	s10 =	sld [smem:$0x3F9B]  }
0x3d: {  	_ =	shalt  }
0x3e: {  	_ =	shalt  }
0x3f: {  	_ =	shalt  }
0x40: {  	_ =	shalt  }
0x41: {  	_ =	shalt  }
0x42: {  	_ =	shalt  }
0x43: {  	_ =	shalt  }
0x44: {  	_ =	shalt  }
0x45: {  	_ =	shalt  }
0x46: {  	_ =	shalt  }
0x47: {  	_ =	shalt  }
0x48: {  	_ =	shalt  }
0x49: {  	_ =	shalt  }
0x4a: {  	_ =	shalt  }
0x4b: {  	_ =	shalt  }
0x4c: {  	_ =	shalt  }
0x4d: {  	_ =	shalt  }
0x4e: {  	_ =	shalt  }
0x4f: {  	_ =	shalt  }
0x50: {  	_ =	shalt  }
0x51: {  	_ =	shalt  }
0x52: {  	_ =	shalt  }
0x53: {  	_ =	shalt  }
0x54: {  	_ =	shalt  }
0x55: {  	_ =	shalt  }
0x56: {  	_ =	shalt  }
0x57: {  	_ =	shalt  }
0x58: {  	_ =	shalt  }
0x59: {  	_ =	shalt  }
0x5a: {  	_ =	shalt  }
0x5b: {  	_ =	shalt  }
0x5c: {  	_ =	shalt  }
0x5d: {  	_ =	shalt  }
0x5e: {  	_ =	shalt  }
0x5f: {  	_ =	shalt  }
0x60: {  	_ =	shalt  }
0x61: {  	_ =	shalt  }
0x62: {  	_ =	shalt  }
0x63: {  	_ =	shalt  }
0x64: {  	_ =	shalt  }
0x65: {  	_ =	shalt  }
0x66: {  	_ =	shalt  }
0x67: {  	_ =	shalt  }
0x68: {  	_ =	shalt  }
0x69: {  	_ =	shalt  }
0x6a: {  	_ =	shalt  }
0x6b: {  	_ =	shalt  }
0x6c: {  	_ =	shalt  }
0x6d: {  	_ =	shalt  }
0x6e: {  	_ =	shalt  }
0x6f: {  	_ =	shalt  }
0x70: {  	_ =	shalt  }
0x71: {  	_ =	shalt  }
0x72: {  	_ =	shalt  }
0x73: {  	_ =	shalt  }
0x74: {  	_ =	shalt  }
0x75: {  	_ =	shalt  }
0x76: {  	_ =	shalt  }
0x77: {  	_ =	shalt  }
0x78: {  	_ =	shalt  }
0x79: {  	_ =	shalt  }
0x7a: {  	_ =	shalt  }
0x7b: {  	_ =	shalt  }
0x7c: {  	_ =	shalt  }
0x7d: {  	_ =	shalt  }
0x7e: {  	_ =	shalt  }
0x7f: {  	_ =	shalt  }
0x80: {  	_ =	shalt  }
0x81: {  	_ =	shalt  }
0x82: {  	_ =	shalt  }
0x83: {  	_ =	shalt  }
0x84: {  	_ =	shalt  }
0x85: {  	_ =	shalt  }
0x86: {  	_ =	shalt  }
0x87: {  	_ =	shalt  }
.Lfunc_end0:
.L_simem_size_0:
called_computation.1_lowered:
.L_overlay_start_0:
0x88: {  	s2 =	sld [smem:$0x3FD9]  }
0x89: {  	s3 =	sld [smem:$0x3FFE];
	_ =	sdelay $0x1  }
0x8a: {  	s1 =	srdreg.scid  }
0x8b: {  	s0 =	sand.u32 $0x1, s1  }
0x8c: {  	s17 =	sshll.u32 s0, $0xA;
	s2 =	sadd.s32 s3, s2  }
0x8d: {  	s2 =	sadd.s32 s2, s17  }
0x8e: {  	[smem:$0x3FA7] =	sst s2  }
0x8f: {  	_ = 	snop  }
0x90: {  	s2 =	sld [smem:$0x3FC9]  }
0x91: {  	s18 =	sld [smem:$0x3FC8]  }
0x92: {  	s4 =	sld [smem:$0x3FBA]  }
0x93: {  	s5 =	sld [smem:$0x3FA9];
	(tm) =	ssettm $0x1  }
0x94: {  	s6 =	sld [smem:$0x3FFB];
	_ =	sdelay $0x3  }
0x95: {  	_ =	strace s6  }
0x96: {  	s6 =	sld [smem:$0x3FFC];
	_ =	sdelay $0x3  }
0x97: {  	_ =	strace s6  }
0x98: {  	s6 =	sld [smem:$0x3FFD];
	_ =	sdelay $0x3  }
0x99: {  	_ =	strace s6  }
0x9a: {  	_ =	strace $0x8FFFFFFF  }
0x9b: {  	s19 =	sld [smem:$0x3FDB];
	_ =	sdelay $0x1  }
0x9c: {  	s7 =	simm.s32 $_scs_section_size  }
0x9d: {  	s8 =	simm.s32 $_size__tile_overlayer_lowered;
	s9 =	simm.s32 $_tile_overlayer_lowered  }
0x9e: {  	s22 =	simm.s32 $0x1BFF;
	s21 =	sshll.u32 s9, $0x1;
	s6 =	sadd.s32 s7, s19  }
0x9f: {  	s10 =	simm.s32 $0x0;
	s20 =	sshll.u32 s8, $0x1;
	s8 =	sadd.s32 s21, s6  }
0xa0: {  	[timem:s10], [sflag:s22] =	dma.local [hbm:s8], s20  }
0xa1: {  	_ =	swait.ge [sflag:s22], s20  }
0xa2: {  	s7 =	ssub.s32 $0x0, s20;
	[sflag:s22] =	ssyncset.done $0x0  }
0xa3: {  	[sflag:s22] =	ssyncadd.s32 s7;
	_ =	sdelay $0x1  }
0xa4: {  	s23 =	simm.s32 $0x1B8B  }
0xa5: {  	_ =	swait.ge [sflag:s23], $0x1  }
0xa6: {  	[sflag:s23] =	ssyncset.done $0x0  }
0xa7: {  	s25 =	simm.s32 $0x1B8E;
	s24 =	sld [smem:$0x3FFE];
	[sflag:s23] =	ssyncadd.s32 $0xFFFFFFFF  }
0xa8: {  	s26 =	simm.s32 $execute0_lowered;
	[smem:$0x3FD2] =	sst s25  }
0xa9: {  	s8 =	sshll.u32 s26, $0x1;
	_ =	strace $0x80000049;
	[dreg:$0x1] =	wrdreg $0xFFFFFFFF  }
0xaa: {  	s28 =	simm.s32 $_size_execute0_lowered;
	s6 =	sadd.s32 s6, s8;
	[dreg:$0x0] =	wrdreg $0x0  }
0xab: {  	s8 =	sshll.u32 s28, $0x1;
	[dreg:$0x2] =	wrdreg s6  }
0xac: {  	[dreg:$0x3] =	wrdreg s8  }
0xad: {  	[dreg:$0x4] =	wrdreg $0xC0  }
0xae: {  	_ =	task [dreg:s10], $0x5FFFF  }
0xaf: {  	[dreg:$0x1] =	wrdreg $0xFFFFFFFF  }
0xb0: {  	[dreg:$0x0] =	wrdreg $0x60  }
0xb1: {  	[dreg:$0x2] =	wrdreg s5  }
0xb2: {  	[dreg:$0x3] =	wrdreg s4  }
0xb3: {  	[dreg:$0x4] =	wrdreg s24  }
0xb4: {  	[dreg:$0x5] =	wrdreg s2  }
0xb5: {  	[dreg:$0x6] =	wrdreg s18  }
0xb6: {  	[dreg:$0x7] =	wrdreg $0x9  }
0xb7: {  	_ =	task.clear_ibuf [dreg:s10], $0x8FFFF;
	_ =	strace $0x90000049  }
0xb8: {  	s29 =	simm.s32 $0x9;
	_ =	strace $0x8000004B  }
0xb9: {  	_ =	swait.ge [sflag:s29], $0x1  }
0xba: {  	[sflag:s29] =	ssyncadd.s32 $0xFFFFFFFF  }
0xbb: {  	_ =	strace $0x9000004B  }
0xbc: {  	_ =	sfence  }
0xbd: {  	s30 =	sld [smem:$0x0];
	_ =	sdelay $0x2  }
0xbe: {  	s31 =	sshll.u32 s1, $0xD;
	s1 =	sshrl.u32 s1, $0x2  }
0xbf: {  	s3 =	sand.u32 $0x4000, s31;
	s1 =	sadd.s32 s1, s30  }
0xc0: {  	s0 =	sor.u32 s3, s0;
	s1 =	sshll.u32 s1, $0x11  }
0xc1: {  	s0 =	sor.u32 s1, s0  }
0xc2: {  	s0 =	sadd.s32 $0x8F2B, s0  }
0xc3: {  	[sflag:s0] =	ssyncadd.remote.s32 $0x1  }
0xc4: {  	_ =	sfence.sel $0xFFFF  }
0xc5: {  	[dreg:$0x0] =	wrdreg $0xFFFFFFFF;
	(pc) =	sbr.abs _section_cstart, $3  }
0xc6: {  	[dreg:$0x1] =	wrdreg $0xFFFFFFFF  }
0xc7: {  	_ =	task.clear_ibuf [dreg:s10], $0x2FFFF;
	_ =	strace $0x9FFFFFFF  }
0xc8: {  	(tm) =	ssettm $0x7FFFFFFF  }
0xc9: {  	_ =	shalt  }
tec
execute0_lowered:
.L_overlay_start_1:
0x0: {  	(tag) =	ssettag $0x1  }
0x1: {  	s0 =	rddreg [dreg:$0x0]  }
0x2: {  	s19 =	rddreg [dreg:$0x1]  }
0x3: {  	s1 =	srdreg.scid;
	s8 =	rddreg [dreg:$0x2]  }
0x4: {  	s20 =	stileid.u32;
	s4 =	rddreg [dreg:$0x3];
	s1 =	sand.u32 $0x1, s1  }
0x5: {  	s5 =	rddreg [dreg:$0x4];
	s2 =	sshll.u32 s20, $0x8;
	s3 =	sshll.u32 s1, $0x7  }
0x6: {  	[dreg:$0x6] =	wrdreg s0;
	s3 =	sor.u32 s3, s2  }
0x7: {  	[dreg:$0x7] =	wrdreg s19;
	s2 =	simm.s32 $0x0;
	s6 =	sshrl.u32 s3, $0x3  }
0x8: {  	[smem:$0x7FF] =	sst s2;
	s30 =	sadd.s32 s3, s8;
	s4 =	sadd.s32 s4, s6  }
0x9: {  	_ =	strace $0x8000004A;
	s22 =	sadd.s32 s5, s6;
	[dreg:$0x8] =	wrdreg s4  }
0xa: {  	s24 =	sadd.s32 $0x3F9A00, s30;
	[dreg:$0xa] =	wrdreg s22  }
0xb: {  	s26 =	sadd.s32 $0x3F9A10, s30;
	[dreg:$0xc] =	wrdreg s24  }
0xc: {  	s7 =	smul.u32 $0xE00, s6;
	s6 =	sadd.s32 $0x3F9A30, s30;
	[dreg:$0xe] =	wrdreg s26  }
0xd: {  	s9 =	sadd.s32 $0x3F9A40, s30;
	[dreg:$0x12] =	wrdreg s6  }
0xe: {  	s11 =	sadd.s32 $0x3F9A50, s30;
	[dreg:$0x14] =	wrdreg s9  }
0xf: {  	s13 =	sadd.s32 $0x3F9A60, s30;
	[dreg:$0x16] =	wrdreg s11  }
0x10: {  	s15 =	sadd.s32 $0x3F9A70, s30;
	[dreg:$0x18] =	wrdreg s13  }
0x11: {  	s17 =	sadd.s32 $0x3FAA00, s30;
	[dreg:$0x1a] =	wrdreg s15  }
0x12: {  	s19 =	sadd.s32 $0x3FAA10, s30;
	[dreg:$0x1c] =	wrdreg s17  }
0x13: {  	s4 =	sadd.s32 $0x3F9A20, s30;
	[dreg:$0x1e] =	wrdreg s19  }
0x14: {  	s9 =	sadd.s32 $0x3FAA70, s30;
	s31 =	sadd.s32 s7, s8;
	[dreg:$0x10] =	wrdreg s4  }
0x15: {  	[smem:$0x7FD] =	sst s9;
	s21 =	sadd.s32 $0x2000, s31  }
0x16: {  	s23 =	sadd.s32 $0x2080, s31;
	[dreg:$0x9] =	wrdreg s21  }
0x17: {  	s25 =	sadd.s32 $0x2100, s31;
	[dreg:$0xb] =	wrdreg s23  }
0x18: {  	s0 =	sadd.s32 $0x2180, s31;
	[dreg:$0xd] =	wrdreg s25  }
0x19: {  	s5 =	sadd.s32 $0x2200, s31;
	[dreg:$0xf] =	wrdreg s0  }
0x1a: {  	s7 =	sadd.s32 $0x2280, s31;
	[dreg:$0x11] =	wrdreg s5  }
0x1b: {  	s10 =	sadd.s32 $0x2300, s31;
	[dreg:$0x13] =	wrdreg s7  }
0x1c: {  	s12 =	sadd.s32 $0x2380, s31;
	[dreg:$0x15] =	wrdreg s10  }
0x1d: {  	s14 =	sadd.s32 $0x2400, s31;
	[dreg:$0x17] =	wrdreg s12  }
0x1e: {  	s16 =	sadd.s32 $0x2480, s31;
	[dreg:$0x19] =	wrdreg s14  }
0x1f: {  	s18 =	sadd.s32 $0x2500, s31;
	[dreg:$0x1b] =	wrdreg s16  }
0x20: {  	s20 =	sadd.s32 $0x2580, s31;
	[dreg:$0x1d] =	wrdreg s18  }
0x21: {  	s22 =	sadd.s32 $0x2600, s31;
	[dreg:$0x1f] =	wrdreg s20  }
0x22: {  	s24 =	sadd.s32 $0x2680, s31;
	[smem:$0x7F4] =	sst s22  }
0x23: {  	s26 =	sadd.s32 $0x2700, s31;
	[smem:$0x7F6] =	sst s24  }
0x24: {  	s4 =	sadd.s32 $0x2780, s31;
	[smem:$0x7F8] =	sst s26  }
0x25: {  	[smem:$0x7FA] =	sst s4  }
0x26: {  	s6 =	sadd.s32 $0x2800, s31;
	s7 =	rddreg [dreg:$0x8]  }
0x27: {  	s21 =	sadd.s32 $0x3FAA20, s30;
	[smem:$0x7FC] =	sst s6  }
0x28: {  	s23 =	sadd.s32 $0x3FAA30, s30;
	[smem:$0x7F3] =	sst s21  }
0x29: {  	s25 =	sadd.s32 $0x3FAA40, s30;
	[smem:$0x7F5] =	sst s23  }
0x2a: {  	s0 =	sadd.s32 $0x3FAA50, s30;
	[smem:$0x7F7] =	sst s25  }
0x2b: {  	s5 =	sadd.s32 $0x3FAA60, s30;
	[smem:$0x7F9] =	sst s0  }
0x2c: {  	s3 =	simm.s32 $0x2;
	[smem:$0x7FB] =	sst s5  }
0x2d: {  	[tilespmem:s2], [sflag:$0x2] =	stream.linear.gather [hbm4b:s7+s2], $0x80, $0x38;
	[tilespmem:$0x8080] =	vst v63  }
0x2e: {  	_ =	swait.ge [sflag:s3], $0x80  }
0x2f: {  	s4 =	simm.s32 $0x80;
	[sflag:s3] =	ssyncset.done $0x0  }
0x30: {  	s5 =	simm.s32 $0x1;
	s10 =	rddreg [dreg:$0x6];
	[sflag:s3] =	ssyncadd.s32 $0xFFFFFF80  }
0x31: {  	[tilespmem:s4], [sflag:$0x1] =	stream.indirect.gather [hbm4b:s10+s4], $0x80, s2, s4, $0xb8;
	[tilespmem:$0x8080] =	vst v63  }
0x32: {  	_ =	swait.ge [sflag:s5], $0x4000  }
0x33: {  	s6 =	simm.s32 $0x400;
	[sflag:s5] =	ssyncset.done $0x0  }
0x34: {  	s7 =	simm.s32 $0x7000;
	s9 =	rddreg [dreg:$0x9];
	[sflag:s5] =	ssyncadd.s32 $0xFFFFC000  }
0x35: {  	[hbm4b:s9+s6] =	stream.strided.scatter [tilespmem:s4], [sflag:$0x2], $0x4000, s7, s6, $0x38;
	[tilespmem:$0x8080] =	vst v63  }
0x36: {  	_ =	swait.ge [sflag:s3], $0x4000  }
0x37: {  	[sflag:s3] =	ssyncset.done $0x0  }
0x38: {  	s11 =	rddreg [dreg:$0xa];
	[sflag:s3] =	ssyncadd.s32 $0xFFFFC000  }
0x39: {  	[tilespmem:s2], [sflag:$0x2] =	stream.linear.gather [hbm4b:s11+s2], $0x80, $0x38;
	[tilespmem:$0x8080] =	vst v63  }
0x3a: {  	_ =	swait.ge [sflag:s3], $0x80  }
0x3b: {  	[sflag:s3] =	ssyncset.done $0x0  }
0x3c: {  	s12 =	rddreg [dreg:$0x7];
	[sflag:s3] =	ssyncadd.s32 $0xFFFFFF80  }
0x3d: {  	[tilespmem:s4], [sflag:$0x1] =	stream.indirect.gather [hbm4b:s12+s4], $0x80, s2, s4, $0xb8;
	[tilespmem:$0x8080] =	vst v63  }
0x3e: {  	_ =	swait.ge [sflag:s5], $0x4000  }
0x3f: {  	[sflag:s5] =	ssyncset.done $0x0  }
0x40: {  	s13 =	rddreg [dreg:$0xb];
	[sflag:s5] =	ssyncadd.s32 $0xFFFFC000  }
0x41: {  	[hbm4b:s13+s6] =	stream.strided.scatter [tilespmem:s4], [sflag:$0x2], $0x4000, s7, s6, $0x38;
	[tilespmem:$0x8080] =	vst v63  }
0x42: {  	_ =	swait.ge [sflag:s3], $0x4000  }
0x43: {  	[sflag:s3] =	ssyncset.done $0x0  }
0x44: {  	s14 =	rddreg [dreg:$0xc];
	[sflag:s3] =	ssyncadd.s32 $0xFFFFC000  }
0x45: {  	[tilespmem:s2], [sflag:$0x2] =	stream.linear.gather [hbm4b:s14+s2], $0x80, $0x38;
	[tilespmem:$0x8080] =	vst v63  }
0x46: {  	_ =	swait.ge [sflag:s3], $0x80  }
0x47: {  	[sflag:s3] =	ssyncset.done $0x0  }
0x48: {  	s8 =	sadd.s32 $0x3FDA00, s8;
	s9 =	simm.s32 $0x4080;
	[sflag:s3] =	ssyncadd.s32 $0xFFFFFF80  }
0x49: {  	[tilespmem:s9], [sflag:$0x1] =	stream.indirect.gather [hbm4b:s8+s4], $0x80, s2, s4, $0xb8;
	[tilespmem:$0x8080] =	vst v63  }
0x4a: {  	_ =	swait.ge [sflag:s5], $0x4000  }
0x4b: {  	[sflag:s5] =	ssyncset.done $0x0  }
0x4c: {  	s10 =	rddreg [dreg:$0xd];
	[sflag:s5] =	ssyncadd.s32 $0xFFFFC000  }
0x4d: {  	[hbm4b:s10+s6] =	stream.strided.scatter [tilespmem:s9], [sflag:$0x2], $0x4000, s7, s6, $0x38;
	[tilespmem:$0x8080] =	vst v63  }
0x4e: {  	_ =	swait.ge [sflag:s3], $0x4000  }
0x4f: {  	[sflag:s3] =	ssyncset.done $0x0  }
0x50: {  	s15 =	rddreg [dreg:$0xe];
	[sflag:s3] =	ssyncadd.s32 $0xFFFFC000  }
0x51: {  	[tilespmem:s2], [sflag:$0x2] =	stream.linear.gather [hbm4b:s15+s2], $0x80, $0x38;
	[tilespmem:$0x8080] =	vst v63  }
0x52: {  	_ =	swait.ge [sflag:s3], $0x80  }
0x53: {  	[sflag:s3] =	ssyncset.done $0x0  }
0x54: {  	[sflag:s3] =	ssyncadd.s32 $0xFFFFFF80  }
0x55: {  	[tilespmem:s9], [sflag:$0x1] =	stream.indirect.gather [hbm4b:s8+s4], $0x80, s2, s4, $0xb8;
	[tilespmem:$0x8080] =	vst v63  }
0x56: {  	_ =	swait.ge [sflag:s5], $0x4000  }
0x57: {  	[sflag:s5] =	ssyncset.done $0x0  }
0x58: {  	s16 =	rddreg [dreg:$0xf];
	[sflag:s5] =	ssyncadd.s32 $0xFFFFC000  }
0x59: {  	[hbm4b:s16+s6] =	stream.strided.scatter [tilespmem:s9], [sflag:$0x2], $0x4000, s7, s6, $0x38;
	[tilespmem:$0x8080] =	vst v63  }
0x5a: {  	_ =	swait.ge [sflag:s3], $0x4000  }
0x5b: {  	[sflag:s3] =	ssyncset.done $0x0  }
0x5c: {  	s17 =	rddreg [dreg:$0x10];
	[sflag:s3] =	ssyncadd.s32 $0xFFFFC000  }
0x5d: {  	[tilespmem:s2], [sflag:$0x2] =	stream.linear.gather [hbm4b:s17+s2], $0x80, $0x38;
	[tilespmem:$0x8080] =	vst v63  }
0x5e: {  	_ =	swait.ge [sflag:s3], $0x80  }
0x5f: {  	[sflag:s3] =	ssyncset.done $0x0  }
0x60: {  	[sflag:s3] =	ssyncadd.s32 $0xFFFFFF80  }
0x61: {  	[tilespmem:s9], [sflag:$0x1] =	stream.indirect.gather [hbm4b:s8+s4], $0x80, s2, s4, $0xb8;
	[tilespmem:$0x8080] =	vst v63  }
0x62: {  	_ =	swait.ge [sflag:s5], $0x4000  }
0x63: {  	[sflag:s5] =	ssyncset.done $0x0  }
0x64: {  	s18 =	rddreg [dreg:$0x11];
	[sflag:s5] =	ssyncadd.s32 $0xFFFFC000  }
0x65: {  	[hbm4b:s18+s6] =	stream.strided.scatter [tilespmem:s9], [sflag:$0x2], $0x4000, s7, s6, $0x38;
	[tilespmem:$0x8080] =	vst v63  }
0x66: {  	_ =	swait.ge [sflag:s3], $0x4000  }
0x67: {  	[sflag:s3] =	ssyncset.done $0x0  }
0x68: {  	s19 =	rddreg [dreg:$0x12];
	[sflag:s3] =	ssyncadd.s32 $0xFFFFC000  }
0x69: {  	[tilespmem:s2], [sflag:$0x2] =	stream.linear.gather [hbm4b:s19+s2], $0x80, $0x38;
	[tilespmem:$0x8080] =	vst v63  }
0x6a: {  	_ =	swait.ge [sflag:s3], $0x80  }
0x6b: {  	[sflag:s3] =	ssyncset.done $0x0  }
0x6c: {  	[sflag:s3] =	ssyncadd.s32 $0xFFFFFF80  }
0x6d: {  	[tilespmem:s9], [sflag:$0x1] =	stream.indirect.gather [hbm4b:s8+s4], $0x80, s2, s4, $0xb8;
	[tilespmem:$0x8080] =	vst v63  }
0x6e: {  	_ =	swait.ge [sflag:s5], $0x4000  }
0x6f: {  	[sflag:s5] =	ssyncset.done $0x0  }
0x70: {  	s20 =	rddreg [dreg:$0x13];
	[sflag:s5] =	ssyncadd.s32 $0xFFFFC000  }
0x71: {  	[hbm4b:s20+s6] =	stream.strided.scatter [tilespmem:s9], [sflag:$0x2], $0x4000, s7, s6, $0x38;
	[tilespmem:$0x8080] =	vst v63  }
0x72: {  	_ =	swait.ge [sflag:s3], $0x4000  }
0x73: {  	[sflag:s3] =	ssyncset.done $0x0  }
0x74: {  	s21 =	rddreg [dreg:$0x14];
	[sflag:s3] =	ssyncadd.s32 $0xFFFFC000  }
0x75: {  	[tilespmem:s2], [sflag:$0x2] =	stream.linear.gather [hbm4b:s21+s2], $0x80, $0x38;
	[tilespmem:$0x8080] =	vst v63  }
0x76: {  	_ =	swait.ge [sflag:s3], $0x80  }
0x77: {  	[sflag:s3] =	ssyncset.done $0x0  }
0x78: {  	[sflag:s3] =	ssyncadd.s32 $0xFFFFFF80  }
0x79: {  	[tilespmem:s9], [sflag:$0x1] =	stream.indirect.gather [hbm4b:s8+s4], $0x80, s2, s4, $0xb8;
	[tilespmem:$0x8080] =	vst v63  }
0x7a: {  	_ =	swait.ge [sflag:s5], $0x4000  }
0x7b: {  	[sflag:s5] =	ssyncset.done $0x0  }
0x7c: {  	s22 =	rddreg [dreg:$0x15];
	[sflag:s5] =	ssyncadd.s32 $0xFFFFC000  }
0x7d: {  	[hbm4b:s22+s6] =	stream.strided.scatter [tilespmem:s9], [sflag:$0x2], $0x4000, s7, s6, $0x38;
	[tilespmem:$0x8080] =	vst v63  }
0x7e: {  	_ =	swait.ge [sflag:s3], $0x4000  }
0x7f: {  	[sflag:s3] =	ssyncset.done $0x0  }
0x80: {  	s23 =	rddreg [dreg:$0x16];
	[sflag:s3] =	ssyncadd.s32 $0xFFFFC000  }
0x81: {  	[tilespmem:s2], [sflag:$0x2] =	stream.linear.gather [hbm4b:s23+s2], $0x80, $0x38;
	[tilespmem:$0x8080] =	vst v63  }
0x82: {  	_ =	swait.ge [sflag:s3], $0x80  }
0x83: {  	[sflag:s3] =	ssyncset.done $0x0  }
0x84: {  	[sflag:s3] =	ssyncadd.s32 $0xFFFFFF80  }
0x85: {  	[tilespmem:s9], [sflag:$0x1] =	stream.indirect.gather [hbm4b:s8+s4], $0x80, s2, s4, $0xb8;
	[tilespmem:$0x8080] =	vst v63  }
0x86: {  	_ =	swait.ge [sflag:s5], $0x4000  }
0x87: {  	[sflag:s5] =	ssyncset.done $0x0  }
0x88: {  	s24 =	rddreg [dreg:$0x17];
	[sflag:s5] =	ssyncadd.s32 $0xFFFFC000  }
0x89: {  	[hbm4b:s24+s6] =	stream.strided.scatter [tilespmem:s9], [sflag:$0x2], $0x4000, s7, s6, $0x38;
	[tilespmem:$0x8080] =	vst v63  }
0x8a: {  	_ =	swait.ge [sflag:s3], $0x4000  }
0x8b: {  	[sflag:s3] =	ssyncset.done $0x0  }
0x8c: {  	s25 =	rddreg [dreg:$0x18];
	[sflag:s3] =	ssyncadd.s32 $0xFFFFC000  }
0x8d: {  	[tilespmem:s2], [sflag:$0x2] =	stream.linear.gather [hbm4b:s25+s2], $0x80, $0x38;
	[tilespmem:$0x8080] =	vst v63  }
0x8e: {  	_ =	swait.ge [sflag:s3], $0x80  }
0x8f: {  	[sflag:s3] =	ssyncset.done $0x0  }
0x90: {  	[sflag:s3] =	ssyncadd.s32 $0xFFFFFF80  }
0x91: {  	[tilespmem:s9], [sflag:$0x1] =	stream.indirect.gather [hbm4b:s8+s4], $0x80, s2, s4, $0xb8;
	[tilespmem:$0x8080] =	vst v63  }
0x92: {  	_ =	swait.ge [sflag:s5], $0x4000  }
0x93: {  	[sflag:s5] =	ssyncset.done $0x0  }
0x94: {  	s26 =	rddreg [dreg:$0x19];
	[sflag:s5] =	ssyncadd.s32 $0xFFFFC000  }
0x95: {  	[hbm4b:s26+s6] =	stream.strided.scatter [tilespmem:s9], [sflag:$0x2], $0x4000, s7, s6, $0x38;
	[tilespmem:$0x8080] =	vst v63  }
0x96: {  	_ =	swait.ge [sflag:s3], $0x4000  }
0x97: {  	[sflag:s3] =	ssyncset.done $0x0  }
0x98: {  	s0 =	rddreg [dreg:$0x1a];
	[sflag:s3] =	ssyncadd.s32 $0xFFFFC000  }
0x99: {  	[tilespmem:s2], [sflag:$0x2] =	stream.linear.gather [hbm4b:s0+s2], $0x80, $0x38;
	[tilespmem:$0x8080] =	vst v63  }
0x9a: {  	_ =	swait.ge [sflag:s3], $0x80  }
0x9b: {  	[sflag:s3] =	ssyncset.done $0x0  }
0x9c: {  	[sflag:s3] =	ssyncadd.s32 $0xFFFFFF80  }
0x9d: {  	[tilespmem:s9], [sflag:$0x1] =	stream.indirect.gather [hbm4b:s8+s4], $0x80, s2, s4, $0xb8;
	[tilespmem:$0x8080] =	vst v63  }
0x9e: {  	_ =	swait.ge [sflag:s5], $0x4000  }
0x9f: {  	[sflag:s5] =	ssyncset.done $0x0  }
0xa0: {  	s11 =	rddreg [dreg:$0x1b];
	[sflag:s5] =	ssyncadd.s32 $0xFFFFC000  }
0xa1: {  	[hbm4b:s11+s6] =	stream.strided.scatter [tilespmem:s9], [sflag:$0x2], $0x4000, s7, s6, $0x38;
	[tilespmem:$0x8080] =	vst v63  }
0xa2: {  	_ =	swait.ge [sflag:s3], $0x4000  }
0xa3: {  	[sflag:s3] =	ssyncset.done $0x0  }
0xa4: {  	s12 =	rddreg [dreg:$0x1c];
	[sflag:s3] =	ssyncadd.s32 $0xFFFFC000  }
0xa5: {  	[tilespmem:s2], [sflag:$0x2] =	stream.linear.gather [hbm4b:s12+s2], $0x80, $0x38;
	[tilespmem:$0x8080] =	vst v63  }
0xa6: {  	_ =	swait.ge [sflag:s3], $0x80  }
0xa7: {  	[sflag:s3] =	ssyncset.done $0x0  }
0xa8: {  	[sflag:s3] =	ssyncadd.s32 $0xFFFFFF80  }
0xa9: {  	[tilespmem:s9], [sflag:$0x1] =	stream.indirect.gather [hbm4b:s8+s4], $0x80, s2, s4, $0xb8;
	[tilespmem:$0x8080] =	vst v63  }
0xaa: {  	_ =	swait.ge [sflag:s5], $0x4000  }
0xab: {  	[sflag:s5] =	ssyncset.done $0x0  }
0xac: {  	s13 =	rddreg [dreg:$0x1d];
	[sflag:s5] =	ssyncadd.s32 $0xFFFFC000  }
0xad: {  	[hbm4b:s13+s6] =	stream.strided.scatter [tilespmem:s9], [sflag:$0x2], $0x4000, s7, s6, $0x38;
	[tilespmem:$0x8080] =	vst v63  }
0xae: {  	_ =	swait.ge [sflag:s3], $0x4000  }
0xaf: {  	[sflag:s3] =	ssyncset.done $0x0  }
0xb0: {  	s14 =	rddreg [dreg:$0x1e];
	[sflag:s3] =	ssyncadd.s32 $0xFFFFC000  }
0xb1: {  	[tilespmem:s2], [sflag:$0x2] =	stream.linear.gather [hbm4b:s14+s2], $0x80, $0x38;
	[tilespmem:$0x8080] =	vst v63  }
0xb2: {  	_ =	swait.ge [sflag:s3], $0x80  }
0xb3: {  	[sflag:s3] =	ssyncset.done $0x0  }
0xb4: {  	[sflag:s3] =	ssyncadd.s32 $0xFFFFFF80  }
0xb5: {  	[tilespmem:s9], [sflag:$0x1] =	stream.indirect.gather [hbm4b:s8+s4], $0x80, s2, s4, $0xb8;
	[tilespmem:$0x8080] =	vst v63  }
0xb6: {  	_ =	swait.ge [sflag:s5], $0x4000  }
0xb7: {  	[sflag:s5] =	ssyncset.done $0x0  }
0xb8: {  	s15 =	rddreg [dreg:$0x1f];
	[sflag:s5] =	ssyncadd.s32 $0xFFFFC000  }
0xb9: {  	[hbm4b:s15+s6] =	stream.strided.scatter [tilespmem:s9], [sflag:$0x2], $0x4000, s7, s6, $0x38;
	[tilespmem:$0x8080] =	vst v63  }
0xba: {  	_ =	swait.ge [sflag:s3], $0x4000  }
0xbb: {  	s16 =	sld [smem:$0x7F3]  }
0xbc: {  	[sflag:s3] =	ssyncset.done $0x0  }
0xbd: {  	[sflag:s3] =	ssyncadd.s32 $0xFFFFC000  }
0xbe: {  	[tilespmem:s2], [sflag:$0x2] =	stream.linear.gather [hbm4b:s16+s2], $0x80, $0x38;
	[tilespmem:$0x8080] =	vst v63  }
0xbf: {  	_ =	swait.ge [sflag:s3], $0x80  }
0xc0: {  	[sflag:s3] =	ssyncset.done $0x0  }
0xc1: {  	[sflag:s3] =	ssyncadd.s32 $0xFFFFFF80  }
0xc2: {  	[tilespmem:s9], [sflag:$0x1] =	stream.indirect.gather [hbm4b:s8+s4], $0x80, s2, s4, $0xb8;
	[tilespmem:$0x8080] =	vst v63  }
0xc3: {  	_ =	swait.ge [sflag:s5], $0x4000  }
0xc4: {  	s17 =	sld [smem:$0x7F4]  }
0xc5: {  	[sflag:s5] =	ssyncset.done $0x0  }
0xc6: {  	[sflag:s5] =	ssyncadd.s32 $0xFFFFC000  }
0xc7: {  	[hbm4b:s17+s6] =	stream.strided.scatter [tilespmem:s9], [sflag:$0x2], $0x4000, s7, s6, $0x38;
	[tilespmem:$0x8080] =	vst v63  }
0xc8: {  	_ =	swait.ge [sflag:s3], $0x4000  }
0xc9: {  	s18 =	sld [smem:$0x7F5]  }
0xca: {  	[sflag:s3] =	ssyncset.done $0x0  }
0xcb: {  	[sflag:s3] =	ssyncadd.s32 $0xFFFFC000  }
0xcc: {  	[tilespmem:s2], [sflag:$0x2] =	stream.linear.gather [hbm4b:s18+s2], $0x80, $0x38;
	[tilespmem:$0x8080] =	vst v63  }
0xcd: {  	_ =	swait.ge [sflag:s3], $0x80  }
0xce: {  	[sflag:s3] =	ssyncset.done $0x0  }
0xcf: {  	[sflag:s3] =	ssyncadd.s32 $0xFFFFFF80  }
0xd0: {  	[tilespmem:s9], [sflag:$0x1] =	stream.indirect.gather [hbm4b:s8+s4], $0x80, s2, s4, $0xb8;
	[tilespmem:$0x8080] =	vst v63  }
0xd1: {  	_ =	swait.ge [sflag:s5], $0x4000  }
0xd2: {  	s19 =	sld [smem:$0x7F6]  }
0xd3: {  	[sflag:s5] =	ssyncset.done $0x0  }
0xd4: {  	[sflag:s5] =	ssyncadd.s32 $0xFFFFC000  }
0xd5: {  	[hbm4b:s19+s6] =	stream.strided.scatter [tilespmem:s9], [sflag:$0x2], $0x4000, s7, s6, $0x38;
	[tilespmem:$0x8080] =	vst v63  }
0xd6: {  	_ =	swait.ge [sflag:s3], $0x4000  }
0xd7: {  	s20 =	sld [smem:$0x7F7]  }
0xd8: {  	[sflag:s3] =	ssyncset.done $0x0  }
0xd9: {  	[sflag:s3] =	ssyncadd.s32 $0xFFFFC000  }
0xda: {  	[tilespmem:s2], [sflag:$0x2] =	stream.linear.gather [hbm4b:s20+s2], $0x80, $0x38;
	[tilespmem:$0x8080] =	vst v63  }
0xdb: {  	_ =	swait.ge [sflag:s3], $0x80  }
0xdc: {  	[sflag:s3] =	ssyncset.done $0x0  }
0xdd: {  	[sflag:s3] =	ssyncadd.s32 $0xFFFFFF80  }
0xde: {  	[tilespmem:s9], [sflag:$0x1] =	stream.indirect.gather [hbm4b:s8+s4], $0x80, s2, s4, $0xb8;
	[tilespmem:$0x8080] =	vst v63  }
0xdf: {  	_ =	swait.ge [sflag:s5], $0x4000  }
0xe0: {  	s21 =	sld [smem:$0x7F8]  }
0xe1: {  	[sflag:s5] =	ssyncset.done $0x0  }
0xe2: {  	[sflag:s5] =	ssyncadd.s32 $0xFFFFC000  }
0xe3: {  	[hbm4b:s21+s6] =	stream.strided.scatter [tilespmem:s9], [sflag:$0x2], $0x4000, s7, s6, $0x38;
	[tilespmem:$0x8080] =	vst v63  }
0xe4: {  	_ =	swait.ge [sflag:s3], $0x4000  }
0xe5: {  	s22 =	sld [smem:$0x7F9]  }
0xe6: {  	[sflag:s3] =	ssyncset.done $0x0  }
0xe7: {  	[sflag:s3] =	ssyncadd.s32 $0xFFFFC000  }
0xe8: {  	[tilespmem:s2], [sflag:$0x2] =	stream.linear.gather [hbm4b:s22+s2], $0x80, $0x38;
	[tilespmem:$0x8080] =	vst v63  }
0xe9: {  	_ =	swait.ge [sflag:s3], $0x80  }
0xea: {  	[sflag:s3] =	ssyncset.done $0x0  }
0xeb: {  	[sflag:s3] =	ssyncadd.s32 $0xFFFFFF80  }
0xec: {  	[tilespmem:s9], [sflag:$0x1] =	stream.indirect.gather [hbm4b:s8+s4], $0x80, s2, s4, $0xb8;
	[tilespmem:$0x8080] =	vst v63  }
0xed: {  	_ =	swait.ge [sflag:s5], $0x4000  }
0xee: {  	s23 =	sld [smem:$0x7FA]  }
0xef: {  	[sflag:s5] =	ssyncset.done $0x0  }
0xf0: {  	[sflag:s5] =	ssyncadd.s32 $0xFFFFC000  }
0xf1: {  	[hbm4b:s23+s6] =	stream.strided.scatter [tilespmem:s9], [sflag:$0x2], $0x4000, s7, s6, $0x38;
	[tilespmem:$0x8080] =	vst v63  }
0xf2: {  	_ =	swait.ge [sflag:s3], $0x4000  }
0xf3: {  	s24 =	sld [smem:$0x7FB]  }
0xf4: {  	[sflag:s3] =	ssyncset.done $0x0  }
0xf5: {  	[sflag:s3] =	ssyncadd.s32 $0xFFFFC000  }
0xf6: {  	[tilespmem:s2], [sflag:$0x2] =	stream.linear.gather [hbm4b:s24+s2], $0x80, $0x38;
	[tilespmem:$0x8080] =	vst v63  }
0xf7: {  	_ =	swait.ge [sflag:s3], $0x80  }
0xf8: {  	[sflag:s3] =	ssyncset.done $0x0  }
0xf9: {  	[sflag:s3] =	ssyncadd.s32 $0xFFFFFF80  }
0xfa: {  	[tilespmem:s9], [sflag:$0x1] =	stream.indirect.gather [hbm4b:s8+s4], $0x80, s2, s4, $0xb8;
	[tilespmem:$0x8080] =	vst v63  }
0xfb: {  	_ =	swait.ge [sflag:s5], $0x4000  }
0xfc: {  	s25 =	sld [smem:$0x7FC]  }
0xfd: {  	[sflag:s5] =	ssyncset.done $0x0  }
0xfe: {  	[sflag:s5] =	ssyncadd.s32 $0xFFFFC000  }
0xff: {  	[hbm4b:s25+s6] =	stream.strided.scatter [tilespmem:s9], [sflag:$0x2], $0x4000, s7, s6, $0x38;
	[tilespmem:$0x8080] =	vst v63  }
0x100: {  	_ =	swait.ge [sflag:s3], $0x4000  }
0x101: {  	s26 =	sld [smem:$0x7FD]  }
0x102: {  	[sflag:s3] =	ssyncset.done $0x0  }
0x103: {  	[sflag:s3] =	ssyncadd.s32 $0xFFFFC000  }
0x104: {  	[tilespmem:s2], [sflag:$0x2] =	stream.linear.gather [hbm4b:s26+s2], $0x80, $0x38;
	[tilespmem:$0x8080] =	vst v63  }
0x105: {  	_ =	swait.ge [sflag:s3], $0x80  }
0x106: {  	[sflag:s3] =	ssyncset.done $0x0  }
0x107: {  	[sflag:s3] =	ssyncadd.s32 $0xFFFFFF80  }
0x108: {  	[tilespmem:s9], [sflag:$0x1] =	stream.indirect.gather [hbm4b:s8+s4], $0x80, s2, s4, $0xb8;
	[tilespmem:$0x8080] =	vst v63  }
0x109: {  	_ =	swait.ge [sflag:s5], $0x4000  }
0x10a: {  	[sflag:s5] =	ssyncset.done $0x0  }
0x10b: {  	s10 =	sadd.s32 $0x2880, s31;
	[sflag:s5] =	ssyncadd.s32 $0xFFFFC000  }
0x10c: {  	[hbm4b:s10+s6] =	stream.strided.scatter [tilespmem:s9], [sflag:$0x2], $0x4000, s7, s6, $0x38;
	[tilespmem:$0x8080] =	vst v63  }
0x10d: {  	_ =	swait.ge [sflag:s3], $0x4000  }
0x10e: {  	[sflag:s3] =	ssyncset.done $0x0  }
0x10f: {  	s11 =	sadd.s32 $0x3FBA00, s30;
	[sflag:s3] =	ssyncadd.s32 $0xFFFFC000  }
0x110: {  	[tilespmem:s2], [sflag:$0x2] =	stream.linear.gather [hbm4b:s11+s2], $0x80, $0x38;
	[tilespmem:$0x8080] =	vst v63  }
0x111: {  	_ =	swait.ge [sflag:s3], $0x80  }
0x112: {  	[sflag:s3] =	ssyncset.done $0x0  }
0x113: {  	[sflag:s3] =	ssyncadd.s32 $0xFFFFFF80  }
0x114: {  	[tilespmem:s9], [sflag:$0x1] =	stream.indirect.gather [hbm4b:s8+s4], $0x80, s2, s4, $0xb8;
	[tilespmem:$0x8080] =	vst v63  }
0x115: {  	_ =	swait.ge [sflag:s5], $0x4000  }
0x116: {  	[sflag:s5] =	ssyncset.done $0x0  }
0x117: {  	s12 =	sadd.s32 $0x2900, s31;
	[sflag:s5] =	ssyncadd.s32 $0xFFFFC000  }
0x118: {  	[hbm4b:s12+s6] =	stream.strided.scatter [tilespmem:s9], [sflag:$0x2], $0x4000, s7, s6, $0x38;
	[tilespmem:$0x8080] =	vst v63  }
0x119: {  	_ =	swait.ge [sflag:s3], $0x4000  }
0x11a: {  	[sflag:s3] =	ssyncset.done $0x0  }
0x11b: {  	s13 =	sadd.s32 $0x3FBA10, s30;
	[sflag:s3] =	ssyncadd.s32 $0xFFFFC000  }
0x11c: {  	[tilespmem:s2], [sflag:$0x2] =	stream.linear.gather [hbm4b:s13+s2], $0x80, $0x38;
	[tilespmem:$0x8080] =	vst v63  }
0x11d: {  	_ =	swait.ge [sflag:s3], $0x80  }
0x11e: {  	[sflag:s3] =	ssyncset.done $0x0  }
0x11f: {  	[sflag:s3] =	ssyncadd.s32 $0xFFFFFF80  }
0x120: {  	[tilespmem:s9], [sflag:$0x1] =	stream.indirect.gather [hbm4b:s8+s4], $0x80, s2, s4, $0xb8;
	[tilespmem:$0x8080] =	vst v63  }
0x121: {  	_ =	swait.ge [sflag:s5], $0x4000  }
0x122: {  	[sflag:s5] =	ssyncset.done $0x0  }
0x123: {  	s14 =	sadd.s32 $0x2980, s31;
	[sflag:s5] =	ssyncadd.s32 $0xFFFFC000  }
0x124: {  	[hbm4b:s14+s6] =	stream.strided.scatter [tilespmem:s9], [sflag:$0x2], $0x4000, s7, s6, $0x38;
	[tilespmem:$0x8080] =	vst v63  }
0x125: {  	_ =	swait.ge [sflag:s3], $0x4000  }
0x126: {  	[sflag:s3] =	ssyncset.done $0x0  }
0x127: {  	s15 =	sadd.s32 $0x3FBA20, s30;
	[sflag:s3] =	ssyncadd.s32 $0xFFFFC000  }
0x128: {  	[tilespmem:s2], [sflag:$0x2] =	stream.linear.gather [hbm4b:s15+s2], $0x80, $0x38;
	[tilespmem:$0x8080] =	vst v63  }
0x129: {  	_ =	swait.ge [sflag:s3], $0x80  }
0x12a: {  	[sflag:s3] =	ssyncset.done $0x0  }
0x12b: {  	[sflag:s3] =	ssyncadd.s32 $0xFFFFFF80  }
0x12c: {  	[tilespmem:s9], [sflag:$0x1] =	stream.indirect.gather [hbm4b:s8+s4], $0x80, s2, s4, $0xb8;
	[tilespmem:$0x8080] =	vst v63  }
0x12d: {  	_ =	swait.ge [sflag:s5], $0x4000  }
0x12e: {  	[sflag:s5] =	ssyncset.done $0x0  }
0x12f: {  	s16 =	sadd.s32 $0x2A00, s31;
	[sflag:s5] =	ssyncadd.s32 $0xFFFFC000  }
0x130: {  	[hbm4b:s16+s6] =	stream.strided.scatter [tilespmem:s9], [sflag:$0x2], $0x4000, s7, s6, $0x38;
	[tilespmem:$0x8080] =	vst v63  }
0x131: {  	_ =	swait.ge [sflag:s3], $0x4000  }
0x132: {  	[sflag:s3] =	ssyncset.done $0x0  }
0x133: {  	s17 =	sadd.s32 $0x3FBA30, s30;
	[sflag:s3] =	ssyncadd.s32 $0xFFFFC000  }
0x134: {  	[tilespmem:s2], [sflag:$0x2] =	stream.linear.gather [hbm4b:s17+s2], $0x80, $0x38;
	[tilespmem:$0x8080] =	vst v63  }
0x135: {  	_ =	swait.ge [sflag:s3], $0x80  }
0x136: {  	[sflag:s3] =	ssyncset.done $0x0  }
0x137: {  	[sflag:s3] =	ssyncadd.s32 $0xFFFFFF80  }
0x138: {  	[tilespmem:s9], [sflag:$0x1] =	stream.indirect.gather [hbm4b:s8+s4], $0x80, s2, s4, $0xb8;
	[tilespmem:$0x8080] =	vst v63  }
0x139: {  	_ =	swait.ge [sflag:s5], $0x4000  }
0x13a: {  	[sflag:s5] =	ssyncset.done $0x0  }
0x13b: {  	s18 =	sadd.s32 $0x2A80, s31;
	[sflag:s5] =	ssyncadd.s32 $0xFFFFC000  }
0x13c: {  	[hbm4b:s18+s6] =	stream.strided.scatter [tilespmem:s9], [sflag:$0x2], $0x4000, s7, s6, $0x38;
	[tilespmem:$0x8080] =	vst v63  }
0x13d: {  	_ =	swait.ge [sflag:s3], $0x4000  }
0x13e: {  	[sflag:s3] =	ssyncset.done $0x0  }
0x13f: {  	s19 =	sadd.s32 $0x3FBA40, s30;
	[sflag:s3] =	ssyncadd.s32 $0xFFFFC000  }
0x140: {  	[tilespmem:s2], [sflag:$0x2] =	stream.linear.gather [hbm4b:s19+s2], $0x80, $0x38;
	[tilespmem:$0x8080] =	vst v63  }
0x141: {  	_ =	swait.ge [sflag:s3], $0x80  }
0x142: {  	[sflag:s3] =	ssyncset.done $0x0  }
0x143: {  	[sflag:s3] =	ssyncadd.s32 $0xFFFFFF80  }
0x144: {  	[tilespmem:s9], [sflag:$0x1] =	stream.indirect.gather [hbm4b:s8+s4], $0x80, s2, s4, $0xb8;
	[tilespmem:$0x8080] =	vst v63  }
0x145: {  	_ =	swait.ge [sflag:s5], $0x4000  }
0x146: {  	[sflag:s5] =	ssyncset.done $0x0  }
0x147: {  	s20 =	sadd.s32 $0x2B00, s31;
	[sflag:s5] =	ssyncadd.s32 $0xFFFFC000  }
0x148: {  	[hbm4b:s20+s6] =	stream.strided.scatter [tilespmem:s9], [sflag:$0x2], $0x4000, s7, s6, $0x38;
	[tilespmem:$0x8080] =	vst v63  }
0x149: {  	_ =	swait.ge [sflag:s3], $0x4000  }
0x14a: {  	[sflag:s3] =	ssyncset.done $0x0  }
0x14b: {  	s21 =	sadd.s32 $0x3FBA50, s30;
	[sflag:s3] =	ssyncadd.s32 $0xFFFFC000  }
0x14c: {  	[tilespmem:s2], [sflag:$0x2] =	stream.linear.gather [hbm4b:s21+s2], $0x80, $0x38;
	[tilespmem:$0x8080] =	vst v63  }
0x14d: {  	_ =	swait.ge [sflag:s3], $0x80  }
0x14e: {  	[sflag:s3] =	ssyncset.done $0x0  }
0x14f: {  	[sflag:s3] =	ssyncadd.s32 $0xFFFFFF80  }
0x150: {  	[tilespmem:s9], [sflag:$0x1] =	stream.indirect.gather [hbm4b:s8+s4], $0x80, s2, s4, $0xb8;
	[tilespmem:$0x8080] =	vst v63  }
0x151: {  	_ =	swait.ge [sflag:s5], $0x4000  }
0x152: {  	[sflag:s5] =	ssyncset.done $0x0  }
0x153: {  	s22 =	sadd.s32 $0x2B80, s31;
	[sflag:s5] =	ssyncadd.s32 $0xFFFFC000  }
0x154: {  	[hbm4b:s22+s6] =	stream.strided.scatter [tilespmem:s9], [sflag:$0x2], $0x4000, s7, s6, $0x38;
	[tilespmem:$0x8080] =	vst v63  }
0x155: {  	_ =	swait.ge [sflag:s3], $0x4000  }
0x156: {  	[sflag:s3] =	ssyncset.done $0x0  }
0x157: {  	s23 =	sadd.s32 $0x3FBA60, s30;
	[sflag:s3] =	ssyncadd.s32 $0xFFFFC000  }
0x158: {  	[tilespmem:s2], [sflag:$0x2] =	stream.linear.gather [hbm4b:s23+s2], $0x80, $0x38;
	[tilespmem:$0x8080] =	vst v63  }
0x159: {  	_ =	swait.ge [sflag:s3], $0x80  }
0x15a: {  	[sflag:s3] =	ssyncset.done $0x0  }
0x15b: {  	[sflag:s3] =	ssyncadd.s32 $0xFFFFFF80  }
0x15c: {  	[tilespmem:s9], [sflag:$0x1] =	stream.indirect.gather [hbm4b:s8+s4], $0x80, s2, s4, $0xb8;
	[tilespmem:$0x8080] =	vst v63  }
0x15d: {  	_ =	swait.ge [sflag:s5], $0x4000  }
0x15e: {  	[sflag:s5] =	ssyncset.done $0x0  }
0x15f: {  	s24 =	sadd.s32 $0x2C00, s31;
	[sflag:s5] =	ssyncadd.s32 $0xFFFFC000  }
0x160: {  	[hbm4b:s24+s6] =	stream.strided.scatter [tilespmem:s9], [sflag:$0x2], $0x4000, s7, s6, $0x38;
	[tilespmem:$0x8080] =	vst v63  }
0x161: {  	_ =	swait.ge [sflag:s3], $0x4000  }
0x162: {  	[sflag:s3] =	ssyncset.done $0x0  }
0x163: {  	s25 =	sadd.s32 $0x3FBA70, s30;
	[sflag:s3] =	ssyncadd.s32 $0xFFFFC000  }
0x164: {  	[tilespmem:s2], [sflag:$0x2] =	stream.linear.gather [hbm4b:s25+s2], $0x80, $0x38;
	[tilespmem:$0x8080] =	vst v63  }
0x165: {  	_ =	swait.ge [sflag:s3], $0x80  }
0x166: {  	[sflag:s3] =	ssyncset.done $0x0  }
0x167: {  	[sflag:s3] =	ssyncadd.s32 $0xFFFFFF80  }
0x168: {  	[tilespmem:s9], [sflag:$0x1] =	stream.indirect.gather [hbm4b:s8+s4], $0x80, s2, s4, $0xb8;
	[tilespmem:$0x8080] =	vst v63  }
0x169: {  	_ =	swait.ge [sflag:s5], $0x4000  }
0x16a: {  	[sflag:s5] =	ssyncset.done $0x0  }
0x16b: {  	s26 =	sadd.s32 $0x2C80, s31;
	[sflag:s5] =	ssyncadd.s32 $0xFFFFC000  }
0x16c: {  	[hbm4b:s26+s6] =	stream.strided.scatter [tilespmem:s9], [sflag:$0x2], $0x4000, s7, s6, $0x38;
	[tilespmem:$0x8080] =	vst v63  }
0x16d: {  	_ =	swait.ge [sflag:s3], $0x4000  }
0x16e: {  	[sflag:s3] =	ssyncset.done $0x0  }
0x16f: {  	s28 =	sadd.s32 $0x3FCA00, s30;
	[sflag:s3] =	ssyncadd.s32 $0xFFFFC000  }
0x170: {  	[tilespmem:s2], [sflag:$0x2] =	stream.linear.gather [hbm4b:s28+s2], $0x80, $0x38;
	[tilespmem:$0x8080] =	vst v63  }
0x171: {  	_ =	swait.ge [sflag:s3], $0x80  }
0x172: {  	[sflag:s3] =	ssyncset.done $0x0  }
0x173: {  	[sflag:s3] =	ssyncadd.s32 $0xFFFFFF80  }
0x174: {  	[tilespmem:s9], [sflag:$0x1] =	stream.indirect.gather [hbm4b:s8+s4], $0x80, s2, s4, $0xb8;
	[tilespmem:$0x8080] =	vst v63  }
0x175: {  	_ =	swait.ge [sflag:s5], $0x4000  }
0x176: {  	[sflag:s5] =	ssyncset.done $0x0  }
0x177: {  	s29 =	sadd.s32 $0x2D00, s31;
	[sflag:s5] =	ssyncadd.s32 $0xFFFFC000  }
0x178: {  	[hbm4b:s29+s6] =	stream.strided.scatter [tilespmem:s9], [sflag:$0x2], $0x4000, s7, s6, $0x38;
	[tilespmem:$0x8080] =	vst v63  }
0x179: {  	_ =	swait.ge [sflag:s3], $0x4000  }
0x17a: {  	s1 =	ssub.s32 $0x2, s1;
	[sflag:s3] =	ssyncset.done $0x0  }
0x17b: {  	s0 =	sshrl.u32 s1, $0x1;
	s30 =	sadd.s32 $0x3FCA10, s30;
	[sflag:s3] =	ssyncadd.s32 $0xFFFFC000  }
0x17c: {  	[tilespmem:s2], [sflag:$0x2] =	stream.linear.gather [hbm4b:s30+s2], $0x80, $0x38;
	[tilespmem:$0x8080] =	vst v63  }
0x17d: {  	s0 =	ssub.s32 s1, s0;
	_ =	swait.ge [sflag:s3], $0x80  }
0x17e: {  	s0 =	smax.u32 s0, $0x1;
	[sflag:s3] =	ssyncset.done $0x0  }
0x17f: {  	p0 =	sne.s32 s0, $0x1;
	[sflag:s3] =	ssyncadd.s32 $0xFFFFFF80  }
0x180: {  	[tilespmem:s9], [sflag:$0x1] =	stream.indirect.gather [hbm4b:s8+s4], $0x80, s2, s4, $0xb8;
	[tilespmem:$0x8080] =	vst v63  }
.Ltmp0:
0x181: {  	_ =	swait.ge [sflag:s5], $0x4000;
	(pc) =	sbr.rel @!p0 .LBB2_2-.Ltmp0, $4  }
0x182: {  	[sflag:s5] =	ssyncset.done $0x0  }
0x183: {  	s31 =	sadd.s32 $0x2D80, s31;
	[sflag:s5] =	ssyncadd.s32 $0xFFFFC000  }
0x184: {  	[hbm4b:s31+s6] =	stream.strided.scatter [tilespmem:s9], [sflag:$0x2], $0x4000, s7, s6, $0x38;
	[tilespmem:$0x8080] =	vst v63  }
0x185: {  	s1 =	sadd.s32 $0xFFFFFFFF, s0;
	_ =	swait.ge [sflag:s3], $0x4000  }
.LBB2_1:
0x186: {  	[sflag:s3] =	ssyncset.done $0x0  }
0x187: {  	s0 =	rddreg [dreg:$0x8];
	[sflag:s3] =	ssyncadd.s32 $0xFFFFC000  }
0x188: {  	[tilespmem:s2], [sflag:$0x2] =	stream.linear.gather [hbm4b:s0+s2], $0x80, $0x38;
	[tilespmem:$0x8080] =	vst v63  }
0x189: {  	_ =	swait.ge [sflag:s3], $0x80  }
0x18a: {  	[sflag:s3] =	ssyncset.done $0x0  }
0x18b: {  	s0 =	rddreg [dreg:$0x6];
	[sflag:s3] =	ssyncadd.s32 $0xFFFFFF80  }
0x18c: {  	[tilespmem:s4], [sflag:$0x1] =	stream.indirect.gather [hbm4b:s0+s4], $0x80, s2, s4, $0xb8;
	[tilespmem:$0x8080] =	vst v63  }
0x18d: {  	_ =	swait.ge [sflag:s5], $0x4000  }
0x18e: {  	[sflag:s5] =	ssyncset.done $0x0  }
0x18f: {  	s0 =	rddreg [dreg:$0x9];
	[sflag:s5] =	ssyncadd.s32 $0xFFFFC000  }
0x190: {  	[hbm4b:s0+s6] =	stream.strided.scatter [tilespmem:s4], [sflag:$0x2], $0x4000, s7, s6, $0x38;
	[tilespmem:$0x8080] =	vst v63  }
0x191: {  	_ =	swait.ge [sflag:s3], $0x4000  }
0x192: {  	[sflag:s3] =	ssyncset.done $0x0  }
0x193: {  	s0 =	rddreg [dreg:$0xa];
	[sflag:s3] =	ssyncadd.s32 $0xFFFFC000  }
0x194: {  	[tilespmem:s2], [sflag:$0x2] =	stream.linear.gather [hbm4b:s0+s2], $0x80, $0x38;
	[tilespmem:$0x8080] =	vst v63  }
0x195: {  	_ =	swait.ge [sflag:s3], $0x80  }
0x196: {  	[sflag:s3] =	ssyncset.done $0x0  }
0x197: {  	s0 =	rddreg [dreg:$0x7];
	[sflag:s3] =	ssyncadd.s32 $0xFFFFFF80  }
0x198: {  	[tilespmem:s4], [sflag:$0x1] =	stream.indirect.gather [hbm4b:s0+s4], $0x80, s2, s4, $0xb8;
	[tilespmem:$0x8080] =	vst v63  }
0x199: {  	_ =	swait.ge [sflag:s5], $0x4000  }
0x19a: {  	[sflag:s5] =	ssyncset.done $0x0  }
0x19b: {  	s0 =	rddreg [dreg:$0xb];
	[sflag:s5] =	ssyncadd.s32 $0xFFFFC000  }
0x19c: {  	[hbm4b:s0+s6] =	stream.strided.scatter [tilespmem:s4], [sflag:$0x2], $0x4000, s7, s6, $0x38;
	[tilespmem:$0x8080] =	vst v63  }
0x19d: {  	_ =	swait.ge [sflag:s3], $0x4000  }
0x19e: {  	[sflag:s3] =	ssyncset.done $0x0  }
0x19f: {  	s0 =	rddreg [dreg:$0xc];
	[sflag:s3] =	ssyncadd.s32 $0xFFFFC000  }
0x1a0: {  	[tilespmem:s2], [sflag:$0x2] =	stream.linear.gather [hbm4b:s0+s2], $0x80, $0x38;
	[tilespmem:$0x8080] =	vst v63  }
0x1a1: {  	_ =	swait.ge [sflag:s3], $0x80  }
0x1a2: {  	[sflag:s3] =	ssyncset.done $0x0  }
0x1a3: {  	[sflag:s3] =	ssyncadd.s32 $0xFFFFFF80  }
0x1a4: {  	[tilespmem:s9], [sflag:$0x1] =	stream.indirect.gather [hbm4b:s8+s4], $0x80, s2, s4, $0xb8;
	[tilespmem:$0x8080] =	vst v63  }
0x1a5: {  	_ =	swait.ge [sflag:s5], $0x4000  }
0x1a6: {  	[sflag:s5] =	ssyncset.done $0x0  }
0x1a7: {  	s0 =	rddreg [dreg:$0xd];
	[sflag:s5] =	ssyncadd.s32 $0xFFFFC000  }
0x1a8: {  	[hbm4b:s0+s6] =	stream.strided.scatter [tilespmem:s9], [sflag:$0x2], $0x4000, s7, s6, $0x38;
	[tilespmem:$0x8080] =	vst v63  }
0x1a9: {  	_ =	swait.ge [sflag:s3], $0x4000  }
0x1aa: {  	[sflag:s3] =	ssyncset.done $0x0  }
0x1ab: {  	s0 =	rddreg [dreg:$0xe];
	[sflag:s3] =	ssyncadd.s32 $0xFFFFC000  }
0x1ac: {  	[tilespmem:s2], [sflag:$0x2] =	stream.linear.gather [hbm4b:s0+s2], $0x80, $0x38;
	[tilespmem:$0x8080] =	vst v63  }
0x1ad: {  	_ =	swait.ge [sflag:s3], $0x80  }
0x1ae: {  	[sflag:s3] =	ssyncset.done $0x0  }
0x1af: {  	[sflag:s3] =	ssyncadd.s32 $0xFFFFFF80  }
0x1b0: {  	[tilespmem:s9], [sflag:$0x1] =	stream.indirect.gather [hbm4b:s8+s4], $0x80, s2, s4, $0xb8;
	[tilespmem:$0x8080] =	vst v63  }
0x1b1: {  	_ =	swait.ge [sflag:s5], $0x4000  }
0x1b2: {  	[sflag:s5] =	ssyncset.done $0x0  }
0x1b3: {  	s0 =	rddreg [dreg:$0xf];
	[sflag:s5] =	ssyncadd.s32 $0xFFFFC000  }
0x1b4: {  	[hbm4b:s0+s6] =	stream.strided.scatter [tilespmem:s9], [sflag:$0x2], $0x4000, s7, s6, $0x38;
	[tilespmem:$0x8080] =	vst v63  }
0x1b5: {  	_ =	swait.ge [sflag:s3], $0x4000  }
0x1b6: {  	[sflag:s3] =	ssyncset.done $0x0  }
0x1b7: {  	s0 =	rddreg [dreg:$0x10];
	[sflag:s3] =	ssyncadd.s32 $0xFFFFC000  }
0x1b8: {  	[tilespmem:s2], [sflag:$0x2] =	stream.linear.gather [hbm4b:s0+s2], $0x80, $0x38;
	[tilespmem:$0x8080] =	vst v63  }
0x1b9: {  	_ =	swait.ge [sflag:s3], $0x80  }
0x1ba: {  	[sflag:s3] =	ssyncset.done $0x0  }
0x1bb: {  	[sflag:s3] =	ssyncadd.s32 $0xFFFFFF80  }
0x1bc: {  	[tilespmem:s9], [sflag:$0x1] =	stream.indirect.gather [hbm4b:s8+s4], $0x80, s2, s4, $0xb8;
	[tilespmem:$0x8080] =	vst v63  }
0x1bd: {  	_ =	swait.ge [sflag:s5], $0x4000  }
0x1be: {  	[sflag:s5] =	ssyncset.done $0x0  }
0x1bf: {  	s0 =	rddreg [dreg:$0x11];
	[sflag:s5] =	ssyncadd.s32 $0xFFFFC000  }
0x1c0: {  	[hbm4b:s0+s6] =	stream.strided.scatter [tilespmem:s9], [sflag:$0x2], $0x4000, s7, s6, $0x38;
	[tilespmem:$0x8080] =	vst v63  }
0x1c1: {  	_ =	swait.ge [sflag:s3], $0x4000  }
0x1c2: {  	[sflag:s3] =	ssyncset.done $0x0  }
0x1c3: {  	s0 =	rddreg [dreg:$0x12];
	[sflag:s3] =	ssyncadd.s32 $0xFFFFC000  }
0x1c4: {  	[tilespmem:s2], [sflag:$0x2] =	stream.linear.gather [hbm4b:s0+s2], $0x80, $0x38;
	[tilespmem:$0x8080] =	vst v63  }
0x1c5: {  	_ =	swait.ge [sflag:s3], $0x80  }
0x1c6: {  	[sflag:s3] =	ssyncset.done $0x0  }
0x1c7: {  	[sflag:s3] =	ssyncadd.s32 $0xFFFFFF80  }
0x1c8: {  	[tilespmem:s9], [sflag:$0x1] =	stream.indirect.gather [hbm4b:s8+s4], $0x80, s2, s4, $0xb8;
	[tilespmem:$0x8080] =	vst v63  }
0x1c9: {  	_ =	swait.ge [sflag:s5], $0x4000  }
0x1ca: {  	[sflag:s5] =	ssyncset.done $0x0  }
0x1cb: {  	s0 =	rddreg [dreg:$0x13];
	[sflag:s5] =	ssyncadd.s32 $0xFFFFC000  }
0x1cc: {  	[hbm4b:s0+s6] =	stream.strided.scatter [tilespmem:s9], [sflag:$0x2], $0x4000, s7, s6, $0x38;
	[tilespmem:$0x8080] =	vst v63  }
0x1cd: {  	_ =	swait.ge [sflag:s3], $0x4000  }
0x1ce: {  	[sflag:s3] =	ssyncset.done $0x0  }
0x1cf: {  	s0 =	rddreg [dreg:$0x14];
	[sflag:s3] =	ssyncadd.s32 $0xFFFFC000  }
0x1d0: {  	[tilespmem:s2], [sflag:$0x2] =	stream.linear.gather [hbm4b:s0+s2], $0x80, $0x38;
	[tilespmem:$0x8080] =	vst v63  }
0x1d1: {  	_ =	swait.ge [sflag:s3], $0x80  }
0x1d2: {  	[sflag:s3] =	ssyncset.done $0x0  }
0x1d3: {  	[sflag:s3] =	ssyncadd.s32 $0xFFFFFF80  }
0x1d4: {  	[tilespmem:s9], [sflag:$0x1] =	stream.indirect.gather [hbm4b:s8+s4], $0x80, s2, s4, $0xb8;
	[tilespmem:$0x8080] =	vst v63  }
0x1d5: {  	_ =	swait.ge [sflag:s5], $0x4000  }
0x1d6: {  	[sflag:s5] =	ssyncset.done $0x0  }
0x1d7: {  	s0 =	rddreg [dreg:$0x15];
	[sflag:s5] =	ssyncadd.s32 $0xFFFFC000  }
0x1d8: {  	[hbm4b:s0+s6] =	stream.strided.scatter [tilespmem:s9], [sflag:$0x2], $0x4000, s7, s6, $0x38;
	[tilespmem:$0x8080] =	vst v63  }
0x1d9: {  	_ =	swait.ge [sflag:s3], $0x4000  }
0x1da: {  	[sflag:s3] =	ssyncset.done $0x0  }
0x1db: {  	s0 =	rddreg [dreg:$0x16];
	[sflag:s3] =	ssyncadd.s32 $0xFFFFC000  }
0x1dc: {  	[tilespmem:s2], [sflag:$0x2] =	stream.linear.gather [hbm4b:s0+s2], $0x80, $0x38;
	[tilespmem:$0x8080] =	vst v63  }
0x1dd: {  	_ =	swait.ge [sflag:s3], $0x80  }
0x1de: {  	[sflag:s3] =	ssyncset.done $0x0  }
0x1df: {  	[sflag:s3] =	ssyncadd.s32 $0xFFFFFF80  }
0x1e0: {  	[tilespmem:s9], [sflag:$0x1] =	stream.indirect.gather [hbm4b:s8+s4], $0x80, s2, s4, $0xb8;
	[tilespmem:$0x8080] =	vst v63  }
0x1e1: {  	_ =	swait.ge [sflag:s5], $0x4000  }
0x1e2: {  	[sflag:s5] =	ssyncset.done $0x0  }
0x1e3: {  	s0 =	rddreg [dreg:$0x17];
	[sflag:s5] =	ssyncadd.s32 $0xFFFFC000  }
0x1e4: {  	[hbm4b:s0+s6] =	stream.strided.scatter [tilespmem:s9], [sflag:$0x2], $0x4000, s7, s6, $0x38;
	[tilespmem:$0x8080] =	vst v63  }
0x1e5: {  	_ =	swait.ge [sflag:s3], $0x4000  }
0x1e6: {  	[sflag:s3] =	ssyncset.done $0x0  }
0x1e7: {  	s0 =	rddreg [dreg:$0x18];
	[sflag:s3] =	ssyncadd.s32 $0xFFFFC000  }
0x1e8: {  	[tilespmem:s2], [sflag:$0x2] =	stream.linear.gather [hbm4b:s0+s2], $0x80, $0x38;
	[tilespmem:$0x8080] =	vst v63  }
0x1e9: {  	_ =	swait.ge [sflag:s3], $0x80  }
0x1ea: {  	[sflag:s3] =	ssyncset.done $0x0  }
0x1eb: {  	[sflag:s3] =	ssyncadd.s32 $0xFFFFFF80  }
0x1ec: {  	[tilespmem:s9], [sflag:$0x1] =	stream.indirect.gather [hbm4b:s8+s4], $0x80, s2, s4, $0xb8;
	[tilespmem:$0x8080] =	vst v63  }
0x1ed: {  	_ =	swait.ge [sflag:s5], $0x4000  }
0x1ee: {  	[sflag:s5] =	ssyncset.done $0x0  }
0x1ef: {  	s0 =	rddreg [dreg:$0x19];
	[sflag:s5] =	ssyncadd.s32 $0xFFFFC000  }
0x1f0: {  	[hbm4b:s0+s6] =	stream.strided.scatter [tilespmem:s9], [sflag:$0x2], $0x4000, s7, s6, $0x38;
	[tilespmem:$0x8080] =	vst v63  }
0x1f1: {  	_ =	swait.ge [sflag:s3], $0x4000  }
0x1f2: {  	[sflag:s3] =	ssyncset.done $0x0  }
0x1f3: {  	s0 =	rddreg [dreg:$0x1a];
	[sflag:s3] =	ssyncadd.s32 $0xFFFFC000  }
0x1f4: {  	[tilespmem:s2], [sflag:$0x2] =	stream.linear.gather [hbm4b:s0+s2], $0x80, $0x38;
	[tilespmem:$0x8080] =	vst v63  }
0x1f5: {  	_ =	swait.ge [sflag:s3], $0x80  }
0x1f6: {  	[sflag:s3] =	ssyncset.done $0x0  }
0x1f7: {  	[sflag:s3] =	ssyncadd.s32 $0xFFFFFF80  }
0x1f8: {  	[tilespmem:s9], [sflag:$0x1] =	stream.indirect.gather [hbm4b:s8+s4], $0x80, s2, s4, $0xb8;
	[tilespmem:$0x8080] =	vst v63  }
0x1f9: {  	_ =	swait.ge [sflag:s5], $0x4000  }
0x1fa: {  	[sflag:s5] =	ssyncset.done $0x0  }
0x1fb: {  	s0 =	rddreg [dreg:$0x1b];
	[sflag:s5] =	ssyncadd.s32 $0xFFFFC000  }
0x1fc: {  	[hbm4b:s0+s6] =	stream.strided.scatter [tilespmem:s9], [sflag:$0x2], $0x4000, s7, s6, $0x38;
	[tilespmem:$0x8080] =	vst v63  }
0x1fd: {  	_ =	swait.ge [sflag:s3], $0x4000  }
0x1fe: {  	[sflag:s3] =	ssyncset.done $0x0  }
0x1ff: {  	s0 =	rddreg [dreg:$0x1c];
	[sflag:s3] =	ssyncadd.s32 $0xFFFFC000  }
0x200: {  	[tilespmem:s2], [sflag:$0x2] =	stream.linear.gather [hbm4b:s0+s2], $0x80, $0x38;
	[tilespmem:$0x8080] =	vst v63  }
0x201: {  	_ =	swait.ge [sflag:s3], $0x80  }
0x202: {  	[sflag:s3] =	ssyncset.done $0x0  }
0x203: {  	[sflag:s3] =	ssyncadd.s32 $0xFFFFFF80  }
0x204: {  	[tilespmem:s9], [sflag:$0x1] =	stream.indirect.gather [hbm4b:s8+s4], $0x80, s2, s4, $0xb8;
	[tilespmem:$0x8080] =	vst v63  }
0x205: {  	_ =	swait.ge [sflag:s5], $0x4000  }
0x206: {  	[sflag:s5] =	ssyncset.done $0x0  }
0x207: {  	s0 =	rddreg [dreg:$0x1d];
	[sflag:s5] =	ssyncadd.s32 $0xFFFFC000  }
0x208: {  	[hbm4b:s0+s6] =	stream.strided.scatter [tilespmem:s9], [sflag:$0x2], $0x4000, s7, s6, $0x38;
	[tilespmem:$0x8080] =	vst v63  }
0x209: {  	_ =	swait.ge [sflag:s3], $0x4000  }
0x20a: {  	[sflag:s3] =	ssyncset.done $0x0  }
0x20b: {  	s0 =	rddreg [dreg:$0x1e];
	[sflag:s3] =	ssyncadd.s32 $0xFFFFC000  }
0x20c: {  	[tilespmem:s2], [sflag:$0x2] =	stream.linear.gather [hbm4b:s0+s2], $0x80, $0x38;
	[tilespmem:$0x8080] =	vst v63  }
0x20d: {  	_ =	swait.ge [sflag:s3], $0x80  }
0x20e: {  	[sflag:s3] =	ssyncset.done $0x0  }
0x20f: {  	[sflag:s3] =	ssyncadd.s32 $0xFFFFFF80  }
0x210: {  	[tilespmem:s9], [sflag:$0x1] =	stream.indirect.gather [hbm4b:s8+s4], $0x80, s2, s4, $0xb8;
	[tilespmem:$0x8080] =	vst v63  }
0x211: {  	_ =	swait.ge [sflag:s5], $0x4000  }
0x212: {  	[sflag:s5] =	ssyncset.done $0x0  }
0x213: {  	s0 =	rddreg [dreg:$0x1f];
	[sflag:s5] =	ssyncadd.s32 $0xFFFFC000  }
0x214: {  	[hbm4b:s0+s6] =	stream.strided.scatter [tilespmem:s9], [sflag:$0x2], $0x4000, s7, s6, $0x38;
	[tilespmem:$0x8080] =	vst v63  }
0x215: {  	_ =	swait.ge [sflag:s3], $0x4000  }
0x216: {  	s0 =	sld [smem:$0x7F3]  }
0x217: {  	[sflag:s3] =	ssyncset.done $0x0  }
0x218: {  	[sflag:s3] =	ssyncadd.s32 $0xFFFFC000  }
0x219: {  	[tilespmem:s2], [sflag:$0x2] =	stream.linear.gather [hbm4b:s0+s2], $0x80, $0x38;
	[tilespmem:$0x8080] =	vst v63  }
0x21a: {  	_ =	swait.ge [sflag:s3], $0x80  }
0x21b: {  	[sflag:s3] =	ssyncset.done $0x0  }
0x21c: {  	[sflag:s3] =	ssyncadd.s32 $0xFFFFFF80  }
0x21d: {  	[tilespmem:s9], [sflag:$0x1] =	stream.indirect.gather [hbm4b:s8+s4], $0x80, s2, s4, $0xb8;
	[tilespmem:$0x8080] =	vst v63  }
0x21e: {  	_ =	swait.ge [sflag:s5], $0x4000  }
0x21f: {  	s0 =	sld [smem:$0x7F4]  }
0x220: {  	[sflag:s5] =	ssyncset.done $0x0  }
0x221: {  	[sflag:s5] =	ssyncadd.s32 $0xFFFFC000  }
0x222: {  	[hbm4b:s0+s6] =	stream.strided.scatter [tilespmem:s9], [sflag:$0x2], $0x4000, s7, s6, $0x38;
	[tilespmem:$0x8080] =	vst v63  }
0x223: {  	_ =	swait.ge [sflag:s3], $0x4000  }
0x224: {  	s0 =	sld [smem:$0x7F5]  }
0x225: {  	[sflag:s3] =	ssyncset.done $0x0  }
0x226: {  	[sflag:s3] =	ssyncadd.s32 $0xFFFFC000  }
0x227: {  	[tilespmem:s2], [sflag:$0x2] =	stream.linear.gather [hbm4b:s0+s2], $0x80, $0x38;
	[tilespmem:$0x8080] =	vst v63  }
0x228: {  	_ =	swait.ge [sflag:s3], $0x80  }
0x229: {  	[sflag:s3] =	ssyncset.done $0x0  }
0x22a: {  	[sflag:s3] =	ssyncadd.s32 $0xFFFFFF80  }
0x22b: {  	[tilespmem:s9], [sflag:$0x1] =	stream.indirect.gather [hbm4b:s8+s4], $0x80, s2, s4, $0xb8;
	[tilespmem:$0x8080] =	vst v63  }
0x22c: {  	_ =	swait.ge [sflag:s5], $0x4000  }
0x22d: {  	s0 =	sld [smem:$0x7F6]  }
0x22e: {  	[sflag:s5] =	ssyncset.done $0x0  }
0x22f: {  	[sflag:s5] =	ssyncadd.s32 $0xFFFFC000  }
0x230: {  	[hbm4b:s0+s6] =	stream.strided.scatter [tilespmem:s9], [sflag:$0x2], $0x4000, s7, s6, $0x38;
	[tilespmem:$0x8080] =	vst v63  }
0x231: {  	_ =	swait.ge [sflag:s3], $0x4000  }
0x232: {  	s0 =	sld [smem:$0x7F7]  }
0x233: {  	[sflag:s3] =	ssyncset.done $0x0  }
0x234: {  	[sflag:s3] =	ssyncadd.s32 $0xFFFFC000  }
0x235: {  	[tilespmem:s2], [sflag:$0x2] =	stream.linear.gather [hbm4b:s0+s2], $0x80, $0x38;
	[tilespmem:$0x8080] =	vst v63  }
0x236: {  	_ =	swait.ge [sflag:s3], $0x80  }
0x237: {  	[sflag:s3] =	ssyncset.done $0x0  }
0x238: {  	[sflag:s3] =	ssyncadd.s32 $0xFFFFFF80  }
0x239: {  	[tilespmem:s9], [sflag:$0x1] =	stream.indirect.gather [hbm4b:s8+s4], $0x80, s2, s4, $0xb8;
	[tilespmem:$0x8080] =	vst v63  }
0x23a: {  	_ =	swait.ge [sflag:s5], $0x4000  }
0x23b: {  	s0 =	sld [smem:$0x7F8]  }
0x23c: {  	[sflag:s5] =	ssyncset.done $0x0  }
0x23d: {  	[sflag:s5] =	ssyncadd.s32 $0xFFFFC000  }
0x23e: {  	[hbm4b:s0+s6] =	stream.strided.scatter [tilespmem:s9], [sflag:$0x2], $0x4000, s7, s6, $0x38;
	[tilespmem:$0x8080] =	vst v63  }
0x23f: {  	_ =	swait.ge [sflag:s3], $0x4000  }
0x240: {  	s0 =	sld [smem:$0x7F9]  }
0x241: {  	[sflag:s3] =	ssyncset.done $0x0  }
0x242: {  	[sflag:s3] =	ssyncadd.s32 $0xFFFFC000  }
0x243: {  	[tilespmem:s2], [sflag:$0x2] =	stream.linear.gather [hbm4b:s0+s2], $0x80, $0x38;
	[tilespmem:$0x8080] =	vst v63  }
0x244: {  	_ =	swait.ge [sflag:s3], $0x80  }
0x245: {  	[sflag:s3] =	ssyncset.done $0x0  }
0x246: {  	[sflag:s3] =	ssyncadd.s32 $0xFFFFFF80  }
0x247: {  	[tilespmem:s9], [sflag:$0x1] =	stream.indirect.gather [hbm4b:s8+s4], $0x80, s2, s4, $0xb8;
	[tilespmem:$0x8080] =	vst v63  }
0x248: {  	_ =	swait.ge [sflag:s5], $0x4000  }
0x249: {  	s0 =	sld [smem:$0x7FA]  }
0x24a: {  	[sflag:s5] =	ssyncset.done $0x0  }
0x24b: {  	[sflag:s5] =	ssyncadd.s32 $0xFFFFC000  }
0x24c: {  	[hbm4b:s0+s6] =	stream.strided.scatter [tilespmem:s9], [sflag:$0x2], $0x4000, s7, s6, $0x38;
	[tilespmem:$0x8080] =	vst v63  }
0x24d: {  	_ =	swait.ge [sflag:s3], $0x4000  }
0x24e: {  	s0 =	sld [smem:$0x7FB]  }
0x24f: {  	[sflag:s3] =	ssyncset.done $0x0  }
0x250: {  	[sflag:s3] =	ssyncadd.s32 $0xFFFFC000  }
0x251: {  	[tilespmem:s2], [sflag:$0x2] =	stream.linear.gather [hbm4b:s0+s2], $0x80, $0x38;
	[tilespmem:$0x8080] =	vst v63  }
0x252: {  	_ =	swait.ge [sflag:s3], $0x80  }
0x253: {  	[sflag:s3] =	ssyncset.done $0x0  }
0x254: {  	[sflag:s3] =	ssyncadd.s32 $0xFFFFFF80  }
0x255: {  	[tilespmem:s9], [sflag:$0x1] =	stream.indirect.gather [hbm4b:s8+s4], $0x80, s2, s4, $0xb8;
	[tilespmem:$0x8080] =	vst v63  }
0x256: {  	_ =	swait.ge [sflag:s5], $0x4000  }
0x257: {  	s0 =	sld [smem:$0x7FC]  }
0x258: {  	[sflag:s5] =	ssyncset.done $0x0  }
0x259: {  	[sflag:s5] =	ssyncadd.s32 $0xFFFFC000  }
0x25a: {  	[hbm4b:s0+s6] =	stream.strided.scatter [tilespmem:s9], [sflag:$0x2], $0x4000, s7, s6, $0x38;
	[tilespmem:$0x8080] =	vst v63  }
0x25b: {  	_ =	swait.ge [sflag:s3], $0x4000  }
0x25c: {  	s0 =	sld [smem:$0x7FD]  }
0x25d: {  	[sflag:s3] =	ssyncset.done $0x0  }
0x25e: {  	[sflag:s3] =	ssyncadd.s32 $0xFFFFC000  }
0x25f: {  	[tilespmem:s2], [sflag:$0x2] =	stream.linear.gather [hbm4b:s0+s2], $0x80, $0x38;
	[tilespmem:$0x8080] =	vst v63  }
0x260: {  	_ =	swait.ge [sflag:s3], $0x80  }
0x261: {  	[sflag:s3] =	ssyncset.done $0x0  }
0x262: {  	[sflag:s3] =	ssyncadd.s32 $0xFFFFFF80  }
0x263: {  	[tilespmem:s9], [sflag:$0x1] =	stream.indirect.gather [hbm4b:s8+s4], $0x80, s2, s4, $0xb8;
	[tilespmem:$0x8080] =	vst v63  }
0x264: {  	_ =	swait.ge [sflag:s5], $0x4000  }
0x265: {  	[sflag:s5] =	ssyncset.done $0x0  }
0x266: {  	[sflag:s5] =	ssyncadd.s32 $0xFFFFC000  }
0x267: {  	[hbm4b:s10+s6] =	stream.strided.scatter [tilespmem:s9], [sflag:$0x2], $0x4000, s7, s6, $0x38;
	[tilespmem:$0x8080] =	vst v63  }
0x268: {  	_ =	swait.ge [sflag:s3], $0x4000  }
0x269: {  	[sflag:s3] =	ssyncset.done $0x0  }
0x26a: {  	[sflag:s3] =	ssyncadd.s32 $0xFFFFC000  }
0x26b: {  	[tilespmem:s2], [sflag:$0x2] =	stream.linear.gather [hbm4b:s11+s2], $0x80, $0x38;
	[tilespmem:$0x8080] =	vst v63  }
0x26c: {  	_ =	swait.ge [sflag:s3], $0x80  }
0x26d: {  	[sflag:s3] =	ssyncset.done $0x0  }
0x26e: {  	[sflag:s3] =	ssyncadd.s32 $0xFFFFFF80  }
0x26f: {  	[tilespmem:s9], [sflag:$0x1] =	stream.indirect.gather [hbm4b:s8+s4], $0x80, s2, s4, $0xb8;
	[tilespmem:$0x8080] =	vst v63  }
0x270: {  	_ =	swait.ge [sflag:s5], $0x4000  }
0x271: {  	[sflag:s5] =	ssyncset.done $0x0  }
0x272: {  	[sflag:s5] =	ssyncadd.s32 $0xFFFFC000  }
0x273: {  	[hbm4b:s12+s6] =	stream.strided.scatter [tilespmem:s9], [sflag:$0x2], $0x4000, s7, s6, $0x38;
	[tilespmem:$0x8080] =	vst v63  }
0x274: {  	_ =	swait.ge [sflag:s3], $0x4000  }
0x275: {  	[sflag:s3] =	ssyncset.done $0x0  }
0x276: {  	[sflag:s3] =	ssyncadd.s32 $0xFFFFC000  }
0x277: {  	[tilespmem:s2], [sflag:$0x2] =	stream.linear.gather [hbm4b:s13+s2], $0x80, $0x38;
	[tilespmem:$0x8080] =	vst v63  }
0x278: {  	_ =	swait.ge [sflag:s3], $0x80  }
0x279: {  	[sflag:s3] =	ssyncset.done $0x0  }
0x27a: {  	[sflag:s3] =	ssyncadd.s32 $0xFFFFFF80  }
0x27b: {  	[tilespmem:s9], [sflag:$0x1] =	stream.indirect.gather [hbm4b:s8+s4], $0x80, s2, s4, $0xb8;
	[tilespmem:$0x8080] =	vst v63  }
0x27c: {  	_ =	swait.ge [sflag:s5], $0x4000  }
0x27d: {  	[sflag:s5] =	ssyncset.done $0x0  }
0x27e: {  	[sflag:s5] =	ssyncadd.s32 $0xFFFFC000  }
0x27f: {  	[hbm4b:s14+s6] =	stream.strided.scatter [tilespmem:s9], [sflag:$0x2], $0x4000, s7, s6, $0x38;
	[tilespmem:$0x8080] =	vst v63  }
0x280: {  	_ =	swait.ge [sflag:s3], $0x4000  }
0x281: {  	[sflag:s3] =	ssyncset.done $0x0  }
0x282: {  	[sflag:s3] =	ssyncadd.s32 $0xFFFFC000  }
0x283: {  	[tilespmem:s2], [sflag:$0x2] =	stream.linear.gather [hbm4b:s15+s2], $0x80, $0x38;
	[tilespmem:$0x8080] =	vst v63  }
0x284: {  	_ =	swait.ge [sflag:s3], $0x80  }
0x285: {  	[sflag:s3] =	ssyncset.done $0x0  }
0x286: {  	[sflag:s3] =	ssyncadd.s32 $0xFFFFFF80  }
0x287: {  	[tilespmem:s9], [sflag:$0x1] =	stream.indirect.gather [hbm4b:s8+s4], $0x80, s2, s4, $0xb8;
	[tilespmem:$0x8080] =	vst v63  }
0x288: {  	_ =	swait.ge [sflag:s5], $0x4000  }
0x289: {  	[sflag:s5] =	ssyncset.done $0x0  }
0x28a: {  	[sflag:s5] =	ssyncadd.s32 $0xFFFFC000  }
0x28b: {  	[hbm4b:s16+s6] =	stream.strided.scatter [tilespmem:s9], [sflag:$0x2], $0x4000, s7, s6, $0x38;
	[tilespmem:$0x8080] =	vst v63  }
0x28c: {  	_ =	swait.ge [sflag:s3], $0x4000  }
0x28d: {  	[sflag:s3] =	ssyncset.done $0x0  }
0x28e: {  	[sflag:s3] =	ssyncadd.s32 $0xFFFFC000  }
0x28f: {  	[tilespmem:s2], [sflag:$0x2] =	stream.linear.gather [hbm4b:s17+s2], $0x80, $0x38;
	[tilespmem:$0x8080] =	vst v63  }
0x290: {  	_ =	swait.ge [sflag:s3], $0x80  }
0x291: {  	[sflag:s3] =	ssyncset.done $0x0  }
0x292: {  	[sflag:s3] =	ssyncadd.s32 $0xFFFFFF80  }
0x293: {  	[tilespmem:s9], [sflag:$0x1] =	stream.indirect.gather [hbm4b:s8+s4], $0x80, s2, s4, $0xb8;
	[tilespmem:$0x8080] =	vst v63  }
0x294: {  	_ =	swait.ge [sflag:s5], $0x4000  }
0x295: {  	[sflag:s5] =	ssyncset.done $0x0  }
0x296: {  	[sflag:s5] =	ssyncadd.s32 $0xFFFFC000  }
0x297: {  	[hbm4b:s18+s6] =	stream.strided.scatter [tilespmem:s9], [sflag:$0x2], $0x4000, s7, s6, $0x38;
	[tilespmem:$0x8080] =	vst v63  }
0x298: {  	_ =	swait.ge [sflag:s3], $0x4000  }
0x299: {  	[sflag:s3] =	ssyncset.done $0x0  }
0x29a: {  	[sflag:s3] =	ssyncadd.s32 $0xFFFFC000  }
0x29b: {  	[tilespmem:s2], [sflag:$0x2] =	stream.linear.gather [hbm4b:s19+s2], $0x80, $0x38;
	[tilespmem:$0x8080] =	vst v63  }
0x29c: {  	_ =	swait.ge [sflag:s3], $0x80  }
0x29d: {  	[sflag:s3] =	ssyncset.done $0x0  }
0x29e: {  	[sflag:s3] =	ssyncadd.s32 $0xFFFFFF80  }
0x29f: {  	[tilespmem:s9], [sflag:$0x1] =	stream.indirect.gather [hbm4b:s8+s4], $0x80, s2, s4, $0xb8;
	[tilespmem:$0x8080] =	vst v63  }
0x2a0: {  	_ =	swait.ge [sflag:s5], $0x4000  }
0x2a1: {  	[sflag:s5] =	ssyncset.done $0x0  }
0x2a2: {  	[sflag:s5] =	ssyncadd.s32 $0xFFFFC000  }
0x2a3: {  	[hbm4b:s20+s6] =	stream.strided.scatter [tilespmem:s9], [sflag:$0x2], $0x4000, s7, s6, $0x38;
	[tilespmem:$0x8080] =	vst v63  }
0x2a4: {  	_ =	swait.ge [sflag:s3], $0x4000  }
0x2a5: {  	[sflag:s3] =	ssyncset.done $0x0  }
0x2a6: {  	[sflag:s3] =	ssyncadd.s32 $0xFFFFC000  }
0x2a7: {  	[tilespmem:s2], [sflag:$0x2] =	stream.linear.gather [hbm4b:s21+s2], $0x80, $0x38;
	[tilespmem:$0x8080] =	vst v63  }
0x2a8: {  	_ =	swait.ge [sflag:s3], $0x80  }
0x2a9: {  	[sflag:s3] =	ssyncset.done $0x0  }
0x2aa: {  	[sflag:s3] =	ssyncadd.s32 $0xFFFFFF80  }
0x2ab: {  	[tilespmem:s9], [sflag:$0x1] =	stream.indirect.gather [hbm4b:s8+s4], $0x80, s2, s4, $0xb8;
	[tilespmem:$0x8080] =	vst v63  }
0x2ac: {  	_ =	swait.ge [sflag:s5], $0x4000  }
0x2ad: {  	[sflag:s5] =	ssyncset.done $0x0  }
0x2ae: {  	[sflag:s5] =	ssyncadd.s32 $0xFFFFC000  }
0x2af: {  	[hbm4b:s22+s6] =	stream.strided.scatter [tilespmem:s9], [sflag:$0x2], $0x4000, s7, s6, $0x38;
	[tilespmem:$0x8080] =	vst v63  }
0x2b0: {  	_ =	swait.ge [sflag:s3], $0x4000  }
0x2b1: {  	[sflag:s3] =	ssyncset.done $0x0  }
0x2b2: {  	[sflag:s3] =	ssyncadd.s32 $0xFFFFC000  }
0x2b3: {  	[tilespmem:s2], [sflag:$0x2] =	stream.linear.gather [hbm4b:s23+s2], $0x80, $0x38;
	[tilespmem:$0x8080] =	vst v63  }
0x2b4: {  	_ =	swait.ge [sflag:s3], $0x80  }
0x2b5: {  	[sflag:s3] =	ssyncset.done $0x0  }
0x2b6: {  	[sflag:s3] =	ssyncadd.s32 $0xFFFFFF80  }
0x2b7: {  	[tilespmem:s9], [sflag:$0x1] =	stream.indirect.gather [hbm4b:s8+s4], $0x80, s2, s4, $0xb8;
	[tilespmem:$0x8080] =	vst v63  }
0x2b8: {  	_ =	swait.ge [sflag:s5], $0x4000  }
0x2b9: {  	[sflag:s5] =	ssyncset.done $0x0  }
0x2ba: {  	[sflag:s5] =	ssyncadd.s32 $0xFFFFC000  }
0x2bb: {  	[hbm4b:s24+s6] =	stream.strided.scatter [tilespmem:s9], [sflag:$0x2], $0x4000, s7, s6, $0x38;
	[tilespmem:$0x8080] =	vst v63  }
0x2bc: {  	_ =	swait.ge [sflag:s3], $0x4000  }
0x2bd: {  	[sflag:s3] =	ssyncset.done $0x0  }
0x2be: {  	[sflag:s3] =	ssyncadd.s32 $0xFFFFC000  }
0x2bf: {  	[tilespmem:s2], [sflag:$0x2] =	stream.linear.gather [hbm4b:s25+s2], $0x80, $0x38;
	[tilespmem:$0x8080] =	vst v63  }
0x2c0: {  	_ =	swait.ge [sflag:s3], $0x80  }
0x2c1: {  	[sflag:s3] =	ssyncset.done $0x0  }
0x2c2: {  	[sflag:s3] =	ssyncadd.s32 $0xFFFFFF80  }
0x2c3: {  	[tilespmem:s9], [sflag:$0x1] =	stream.indirect.gather [hbm4b:s8+s4], $0x80, s2, s4, $0xb8;
	[tilespmem:$0x8080] =	vst v63  }
0x2c4: {  	_ =	swait.ge [sflag:s5], $0x4000  }
0x2c5: {  	[sflag:s5] =	ssyncset.done $0x0  }
0x2c6: {  	[sflag:s5] =	ssyncadd.s32 $0xFFFFC000  }
0x2c7: {  	[hbm4b:s26+s6] =	stream.strided.scatter [tilespmem:s9], [sflag:$0x2], $0x4000, s7, s6, $0x38;
	[tilespmem:$0x8080] =	vst v63  }
0x2c8: {  	_ =	swait.ge [sflag:s3], $0x4000  }
0x2c9: {  	[sflag:s3] =	ssyncset.done $0x0  }
0x2ca: {  	[sflag:s3] =	ssyncadd.s32 $0xFFFFC000  }
0x2cb: {  	[tilespmem:s2], [sflag:$0x2] =	stream.linear.gather [hbm4b:s28+s2], $0x80, $0x38;
	[tilespmem:$0x8080] =	vst v63  }
0x2cc: {  	_ =	swait.ge [sflag:s3], $0x80  }
0x2cd: {  	[sflag:s3] =	ssyncset.done $0x0  }
0x2ce: {  	[sflag:s3] =	ssyncadd.s32 $0xFFFFFF80  }
0x2cf: {  	[tilespmem:s9], [sflag:$0x1] =	stream.indirect.gather [hbm4b:s8+s4], $0x80, s2, s4, $0xb8;
	[tilespmem:$0x8080] =	vst v63  }
0x2d0: {  	_ =	swait.ge [sflag:s5], $0x4000  }
0x2d1: {  	[sflag:s5] =	ssyncset.done $0x0  }
0x2d2: {  	[sflag:s5] =	ssyncadd.s32 $0xFFFFC000  }
0x2d3: {  	[hbm4b:s29+s6] =	stream.strided.scatter [tilespmem:s9], [sflag:$0x2], $0x4000, s7, s6, $0x38;
	[tilespmem:$0x8080] =	vst v63  }
0x2d4: {  	_ =	swait.ge [sflag:s3], $0x4000  }
0x2d5: {  	[sflag:s3] =	ssyncset.done $0x0  }
0x2d6: {  	[sflag:s3] =	ssyncadd.s32 $0xFFFFC000  }
0x2d7: {  	[tilespmem:s2], [sflag:$0x2] =	stream.linear.gather [hbm4b:s30+s2], $0x80, $0x38;
	[tilespmem:$0x8080] =	vst v63  }
0x2d8: {  	_ =	swait.ge [sflag:s3], $0x80  }
0x2d9: {  	[sflag:s3] =	ssyncset.done $0x0  }
0x2da: {  	p0 =	sne.s32 s1, $0x1;
	[sflag:s3] =	ssyncadd.s32 $0xFFFFFF80  }
0x2db: {  	[tilespmem:s9], [sflag:$0x1] =	stream.indirect.gather [hbm4b:s8+s4], $0x80, s2, s4, $0xb8;
	[tilespmem:$0x8080] =	vst v63  }
.Ltmp1:
0x2dc: {  	_ =	swait.ge [sflag:s5], $0x4000;
	(pc) =	sbr.rel @p0 .LBB2_1-.Ltmp1, $4  }
0x2dd: {  	[sflag:s5] =	ssyncset.done $0x0  }
0x2de: {  	[sflag:s5] =	ssyncadd.s32 $0xFFFFC000  }
0x2df: {  	[hbm4b:s31+s6] =	stream.strided.scatter [tilespmem:s9], [sflag:$0x2], $0x4000, s7, s6, $0x38;
	[tilespmem:$0x8080] =	vst v63  }
0x2e0: {  	s1 =	sadd.s32 $0xFFFFFFFF, s1;
	_ =	swait.ge [sflag:s3], $0x4000  }
.LBB2_2:
0x2e1: {  	[sflag:s3] =	ssyncset.done $0x0  }
0x2e2: {  	[sflag:s3] =	ssyncadd.s32 $0xFFFFC000  }
0x2e3: {  	_ =	sfence.sel $0x180000  }
0x2e4: {  	[bflag:$0x0] =	sbarrier.arrive $0xFFFF  }
0x2e5: {  	_ =	strace $0x9000004A  }
0x2e6: {  	s0 =	stileid.u32;
	[bflag:$0x2] =	sbarrier.arrive $0xFFFF  }
0x2e7: {  	p0 =	sne.s32 s0, $0x0;
	s0 =	rddreg [dreg:$0x5]  }
0x2e8: {  	s0 =	sadd.s32 @!p0 $0x100000, s0  }
0x2e9: {  	[sflag:s0] =	ssyncadd.tile.s32 @!p0 $0x1;
	_ =	shalt  }
.Lfunc_end2:
_tile_overlayer_lowered:
.L_overlay_start_2:
0x2ea: {  	(tag) =	ssettag $0x2  }
0x2eb: {  	s0 =	rddreg [dreg:$0x0];
	s2 =	stileid.u32  }
0x2ec: {  	s1 =	rddreg [dreg:$0x1];
	p0 =	sne.s32 s2, $0x0  }
0x2ed: {  	s3 =	rddreg [dreg:$0x2];
	[bflag:$0x3] =	sbarrier.arrive $0xFFFF;
	s2 =	simm.s32 @!p0 $0x1C02  }
0x2ee: {  	[timem:s3], [sflag:s2] =	dma.local @!p0 [hbm:s0], s1  }
0x2ef: {  	s0 =	simm.s32 @!p0 $0x2  }
0x2f0: {  	_ =	swait.ge @!p0 [sflag:s0], s1  }
0x2f1: {  	s1 =	ssub.s32 @!p0 $0x0, s1;
	[sflag:s0] =	ssyncset.done @!p0 $0x0  }
0x2f2: {  	[sflag:s0] =	ssyncadd.s32 @!p0 s1  }
0x2f3: {  	[bflag:$0x3] =	sbarrier.arrive $0xFFFF  }
0x2f4: {  	_ =	shalt  }

// kernel: sparse-core-data-format-call.cloned.1.call-start
scs
called_computation_lowered:
.L_overlay_start_0:
0x0: {  	s2 =	sld [smem:$0x3FD9]  }
0x1: {  	s3 =	sld [smem:$0x3FFE];
	_ =	sdelay $0x1  }
0x2: {  	s1 =	srdreg.scid  }
0x3: {  	s0 =	sand.u32 $0x1, s1  }
0x4: {  	s18 =	sshll.u32 s0, $0xA;
	s2 =	sadd.s32 s3, s2  }
0x5: {  	s2 =	sadd.s32 s2, s18  }
0x6: {  	[smem:$0x3FA7] =	sst s2  }
0x7: {  	_ = 	snop  }
0x8: {  	s2 =	sld [smem:$0x3FC1];
	(tm) =	ssettm $0x1  }
0x9: {  	s19 =	sld [smem:$0x3FFB];
	_ =	sdelay $0x3  }
0xa: {  	_ =	strace s19  }
0xb: {  	s3 =	sld [smem:$0x3FFC];
	_ =	sdelay $0x3  }
0xc: {  	_ =	strace s3  }
0xd: {  	s3 =	sld [smem:$0x3FFD];
	_ =	sdelay $0x3  }
0xe: {  	_ =	strace s3  }
0xf: {  	_ =	strace $0x8FFFFFFF  }
0x10: {  	s20 =	sld [smem:$0x3FDB];
	_ =	sdelay $0x1  }
0x11: {  	s4 =	simm.s32 $_scs_section_size  }
0x12: {  	s5 =	simm.s32 $_size__tile_overlayer_lowered;
	s6 =	simm.s32 $_tile_overlayer_lowered  }
0x13: {  	s23 =	simm.s32 $0x1BFF;
	s22 =	sshll.u32 s6, $0x1;
	s3 =	sadd.s32 s4, s20  }
0x14: {  	s7 =	simm.s32 $0x0;
	s21 =	sshll.u32 s5, $0x1;
	s5 =	sadd.s32 s22, s3  }
0x15: {  	[timem:s7], [sflag:s23] =	dma.local [hbm:s5], s21  }
0x16: {  	_ =	swait.ge [sflag:s23], s21  }
0x17: {  	s4 =	ssub.s32 $0x0, s21;
	[sflag:s23] =	ssyncset.done $0x0  }
0x18: {  	[sflag:s23] =	ssyncadd.s32 s4;
	_ =	sdelay $0x1  }
0x19: {  	s24 =	simm.s32 $0x1B8B  }
0x1a: {  	_ =	swait.ge [sflag:s24], $0x1  }
0x1b: {  	[sflag:s24] =	ssyncset.done $0x0  }
0x1c: {  	s26 =	simm.s32 $0x1B8E;
	s25 =	sld [smem:$0x3FFE];
	[sflag:s24] =	ssyncadd.s32 $0xFFFFFFFF  }
0x1d: {  	s27 =	simm.s32 $execute0_lowered;
	[smem:$0x3FD2] =	sst s26  }
0x1e: {  	s5 =	sshll.u32 s27, $0x1;
	_ =	strace $0x80000046;
	[dreg:$0x1] =	wrdreg $0xFFFFFFFF  }
0x1f: {  	s28 =	simm.s32 $_size_execute0_lowered;
	s3 =	sadd.s32 s3, s5;
	[dreg:$0x0] =	wrdreg $0x0  }
0x20: {  	s5 =	sshll.u32 s28, $0x1;
	[dreg:$0x2] =	wrdreg s3  }
0x21: {  	[dreg:$0x3] =	wrdreg s5  }
0x22: {  	[dreg:$0x4] =	wrdreg $0xC0  }
0x23: {  	_ =	task [dreg:s7], $0x5FFFF  }
0x24: {  	[dreg:$0x1] =	wrdreg $0xFFFFFFFF  }
0x25: {  	[dreg:$0x0] =	wrdreg $0x60  }
0x26: {  	[dreg:$0x2] =	wrdreg s2  }
0x27: {  	[dreg:$0x3] =	wrdreg s25  }
0x28: {  	[dreg:$0x4] =	wrdreg $0x9  }
0x29: {  	_ =	task.clear_ibuf [dreg:s7], $0x5FFFF;
	_ =	strace $0x90000046  }
0x2a: {  	s29 =	simm.s32 $0x9;
	_ =	strace $0x80000048  }
0x2b: {  	_ =	swait.ge [sflag:s29], $0x1  }
0x2c: {  	[sflag:s29] =	ssyncadd.s32 $0xFFFFFFFF  }
0x2d: {  	_ =	strace $0x90000048  }
0x2e: {  	_ =	sfence  }
0x2f: {  	s30 =	sld [smem:$0x0];
	_ =	sdelay $0x2  }
0x30: {  	s31 =	sshll.u32 s1, $0xD;
	s1 =	sshrl.u32 s1, $0x2  }
0x31: {  	s3 =	sand.u32 $0x4000, s31;
	s1 =	sadd.s32 s1, s30  }
0x32: {  	s0 =	sor.u32 s3, s0;
	s1 =	sshll.u32 s1, $0x11  }
0x33: {  	s0 =	sor.u32 s1, s0  }
0x34: {  	s0 =	sadd.s32 $0x8F2B, s0  }
0x35: {  	[sflag:s0] =	ssyncadd.remote.s32 $0x1  }
0x36: {  	_ =	sfence.sel $0xFFFF  }
0x37: {  	[dreg:$0x0] =	wrdreg $0xFFFFFFFF;
	(pc) =	sbr.abs _section_cstart, $3  }
0x38: {  	[dreg:$0x1] =	wrdreg $0xFFFFFFFF  }
0x39: {  	_ =	task.clear_ibuf [dreg:s7], $0x2FFFF;
	_ =	strace $0x9FFFFFFF  }
0x3a: {  	(tm) =	ssettm $0x7FFFFFFF  }
0x3b: {  	_ =	shalt  }
tec
execute0_lowered:
.L_overlay_start_1:
0x0: {  	(tag) =	ssettag $0x1  }
0x1: {  	s0 =	srdreg.scid  }
0x2: {  	s0 =	sshll.u32 s0, $0x4  }
0x3: {  	s1 =	stileid.u32;
	s0 =	sand.u32 $0x10, s0  }
0x4: {  	s28 =	rddreg [dreg:$0x1];
	s0 =	sor.u32 s1, s0  }
0x5: {  	_ =	strace $0x80000047;
	s3 =	simm.s32 $0x1;
	s2 =	sshll.u32 s0, $0x7  }
0x6: {  	s30 =	simm.s32 $0x2;
	s15 =	simm.s32 $0x0;
	s29 =	ssub.s32 $0x2700, s2  }
0x7: {  	s14 =	simm.s32 $0x0;
	s16 =	simm.s32 $0x0;
	s1 =	sshrl.u32 s29, $0xC  }
0x8: {  	s7 =	simm.s32 $0x0;
	s8 =	simm.s32 $0x0;
	s1 =	smul.u32 $0x1A, s1  }
.Ltmp0:
0x9: {  	s10 =	simm.s32 $0x0;
	s0 =	sadd.s32 $0x2000, s28;
	(pc) =	sbr.rel .LBB1_1-.Ltmp0, $4  }
0xa: {  	s11 =	simm.s32 $0x0;
	s12 =	simm.s32 $0x0;
	[dreg:$0x4] =	wrdreg s0  }
0xb: {  	s13 =	simm.s32 $0x0;
	[dreg:$0x3] =	wrdreg s2;
	s31 =	sadd.s32 $0x1A, s1  }
0xc: {  	[sflag:s3] =	ssyncpa.u1 $0x0;
	s6 =	sadd.s32 $0x1B, s1;
	[dreg:$0x5] =	wrdreg s31  }
0xd: {  	[sflag:s30] =	ssyncpa.u1 $0x0;
	s9 =	smov.u32 s2;
	[dreg:$0x6] =	wrdreg s6  }
.LBB1_14:
0xe: {  	s7 =	rddreg [dreg:$0x7]  }
0xf: {  	s8 =	rddreg [dreg:$0x8]  }
0x10: {  	s4 =	rddreg [dreg:$0x12]  }
0x11: {  	s24 =	rddreg [dreg:$0x13]  }
0x12: {  	s25 =	rddreg [dreg:$0x11]  }
0x13: {  	s10 =	rddreg [dreg:$0xa]  }
0x14: {  	s29 =	rddreg [dreg:$0x4]  }
0x15: {  	s30 =	rddreg [dreg:$0x14]  }
0x16: {  	s6 =	rddreg [dreg:$0x6]  }
0x17: {  	s9 =	rddreg [dreg:$0x9]  }
0x18: {  	s11 =	rddreg [dreg:$0xb]  }
0x19: {  	s12 =	rddreg [dreg:$0xc]  }
0x1a: {  	s13 =	rddreg [dreg:$0xd]  }
0x1b: {  	s14 =	rddreg [dreg:$0xe]  }
0x1c: {  	s15 =	rddreg [dreg:$0xf];
	s0 =	sshll.u32 s7, $0x7  }
0x1d: {  	s1 =	sshll.u32 s8, $0x3;
	p0 =	sgt.s32 s8, $0x0;
	s3 =	smov.u32 s7  }
0x1e: {  	s26 =	smul.u32 $0x27100, s10;
	s2 =	sand.u32 $0xFFFFFC00, s0;
	s1 =	sand.u32 $0xFFFFFC00, s1  }
0x1f: {  	s0 =	sand.u32 $0x380, s0;
	s1 =	sadd.s32 s1, s2;
	s2 =	smov.u32 s8  }
0x20: {  	s0 =	sor.u32 s0, s1;
	s2 =	simm.s32 @!p0 $0x0;
	p0 =	sgt.s32 s7, $0x2690  }
0x21: {  	s0 =	sshrl.u32 s0, $0x7;
	s2 =	sadd.s32 s2, s4;
	s3 =	simm.s32 @!p0 $0x2690  }
0x22: {  	s23 =	smulhi.u32 $0x1A36E2F, s0;
	p0 =	sgt.s32 s2, $0x7F;
	s2 =	ssub.s32 $0x80, s2  }
0x23: {  	s27 =	sshrl.u32 s8, $0x3;
	s3 =	sadd.s32 s24, s3;
	s2 =	simm.s32 @p0 $0x0  }
0x24: {  	s4 =	sadd.s32 $0xFFFFD970, s3;
	s1 =	sshrl.u32 s23, $0x6;
	s2 =	smul.u32 s25, s2  }
0x25: {  	s3 =	ssub.s32 $0x2710, s3;
	p0 =	sgt.s32 s4, $0x7F;
	s1 =	smul.u32 $0x2710, s1  }
0x26: {  	s16 =	rddreg [dreg:$0x10];
	s28 =	sand.u32 $0xF, s27;
	s3 =	simm.s32 @p0 $0x0  }
0x27: {  	s2 =	smul.u32 s3, s2;
	s3 =	sadd.s32 s29, s26;
	s0 =	ssub.s32 s0, s1  }
0x28: {  	s31 =	sand.u32 $0x7, s8;
	s1 =	sadd.s32 s28, s3;
	s0 =	sshll.u32 s0, $0x4  }
0x29: {  	s3 =	sor.u32 $0x8000, s30;
	s2 =	sand.u32 $0x3FFFFFFF, s2;
	s0 =	sadd.s32 s0, s1  }
0x2a: {  	[hbm4b:s0+s31] =	stream.linear.scatter [tilespmem:s3], [sflag:$0x2], s2, $0x20;
	[tilespmem:$0x10100] =	vst v63  }
.LBB1_15:
0x2b: {  	p0 =	slt.u32 s13, $0x2  }
0x2c: {  	s0 =	smov.u32 s16;
	p1 =	sgt.s32 @!p0 s16, $0x19  }
0x2d: {  	s4 =	smov.u32 s11;
	s1 =	sshra.s32 @!p0 s16, $0x1F;
	p1 =	por !p1, p0  }
0x2e: {  	s2 =	sshra.s32 @!p0 s15, $0x1F;
	s1 =	sand.u32 @!p0 s1, s16;
	s0 =	simm.s32 @p1 $0x19  }
0x2f: {  	s3 =	ssub.s32 @!p0 $0x0, s14;
	s2 =	sand.u32 @!p0 s2, s15;
	s0 =	ssub.s32 @!p0 s0, s1  }
0x30: {  	s3 =	smin.u32 @!p0 s14, s3;
	p1 =	sgt.s32 @!p0 s15, $0x2690;
	s1 =	sadd.s32 @!p0 $0xFFFFFFE7, s0  }
0x31: {  	p1 =	por !p1, p0;
	p2 =	sgt.s32 @!p0 s1, $0x0;
	s1 =	smov.u32 s15  }
0x32: {  	s0 =	ssub.s32 @!p0 $0x1A, s0;
	s1 =	simm.s32 @p1 $0x2690;
	p1 =	por !p2, p0  }
0x33: {  	s0 =	simm.s32 @!p1 $0x0;
	s1 =	ssub.s32 @!p0 s1, s2;
	p1 =	sgt.s32 @!p0 s3, $0x7F  }
0x34: {  	s3 =	ssub.s32 @!p0 $0x80, s3;
	s2 =	sadd.s32 @!p0 $0xFFFFD970, s1;
	p1 =	por !p1, p0  }
0x35: {  	s1 =	ssub.s32 @!p0 $0x2710, s1;
	s3 =	simm.s32 @!p1 $0x0;
	p1 =	sgt.s32 @!p0 s2, $0x7F  }
0x36: {  	s2 =	sadd.s32 $0x1000, s9;
	p1 =	por !p1, p0;
	s0 =	smul.u32 @!p0 s0, s3  }
0x37: {  	s3 =	sadd.s32 $0x80, s11;
	s1 =	simm.s32 @!p1 $0x0;
	p1 =	sgt.s32 s2, $0x270F  }
0x38: {  	s0 =	smul.u32 @!p0 s1, s0;
	s4 =	smov.u32 @p1 s3;
	s1 =	rddreg [dreg:$0x3]  }
0x39: {  	s2 =	smov.u32 @p1 s1;
	p1 =	sgt.s32 s4, $0x64;
	s1 =	simm.s32 $0x1  }
0x3a: {  	s1 =	simm.s32 @!p1 $0x0  }
0x3b: {  	s1 =	sadd.s32 s1, s12  }
0x3c: {  	s14 =	smov.u32 s8;
	s4 =	simm.s32 @p1 $0x0;
	p1 =	sgt.s32 s1, $0x19  }
0x3d: {  	s16 =	smov.u32 s10;
	s1 =	simm.s32 @p1 $0x0;
	p1 =	sne.s32 s13, s6  }
.Ltmp1:
0x3e: {  	s8 =	smov.u32 s11;
	s10 =	smov.u32 s12;
	(pc) =	sbr.rel @!p1 .LBB1_16-.Ltmp1, $4  }
0x3f: {  	s15 =	smov.u32 s7;
	s3 =	simm.s32 @!p0 $0x2;
	s0 =	sand.u32 @!p0 $0x3FFFFFFF, s0  }
0x40: {  	s7 =	smov.u32 s9;
	s9 =	smov.u32 s2;
	_ =	swait.ge @!p0 [sflag:s3], s0  }
0x41: {  	s0 =	ssub.s32 @!p0 $0x0, s0;
	s11 =	smov.u32 s4;
	[sflag:s3] =	ssyncset.done @!p0 $0x0  }
0x42: {  	s13 =	sadd.s32 $0x1, s13;
	[sflag:s3] =	ssyncadd.s32 @!p0 s0;
	s12 =	smov.u32 s1  }
.LBB1_1:
0x43: {  	s0 =	rddreg [dreg:$0x5]  }
0x44: {  	p0 =	sge.u32 s13, s0  }
0x45: {  	s5 =	smov.u32 s9;
	s0 =	sshrl.u32 @!p0 s11, $0x3  }
0x46: {  	s1 =	sshll.u32 @!p0 s9, $0x3;
	p1 =	sgt.s32 @!p0 s12, $0x19;
	s0 =	smul.u32 @!p0 $0x13C00, s0  }
0x47: {  	s2 =	sshra.s32 @!p0 s12, $0x1F;
	s3 =	sshll.u32 @!p0 s11, $0x7;
	s1 =	sand.u32 @!p0 $0xFFFFFC00, s1  }
0x48: {  	p1 =	por !p1, p0;
	s0 =	sadd.s32 @!p0 s0, s1;
	s1 =	smov.u32 s12  }
0x49: {  	s2 =	sand.u32 @!p0 s2, s12;
	s3 =	sand.u32 @!p0 $0x380, s3;
	s1 =	simm.s32 @p1 $0x19  }
0x4a: {  	p1 =	sgt.s32 @!p0 s11, $0xFFFFFFE8;
	s0 =	sor.u32 @!p0 s3, s0;
	s1 =	ssub.s32 @!p0 s1, s2  }
0x4b: {  	s3 =	smov.u32 s11;
	p1 =	por !p1, p0;
	s2 =	sadd.s32 @!p0 $0xFFFFFFE7, s1  }
0x4c: {  	s3 =	simm.s32 @p1 $0xFFFFFFE8;
	p1 =	sgt.s32 @!p0 s2, $0x0;
	s2 =	sshra.s32 @!p0 s11, $0x1F  }
0x4d: {  	s1 =	ssub.s32 @!p0 $0x1A, s1;
	p1 =	por !p1, p0;
	s2 =	sand.u32 @!p0 s2, s11  }
0x4e: {  	s1 =	simm.s32 @!p1 $0x0;
	s2 =	ssub.s32 @!p0 s3, s2;
	p1 =	sgt.s32 @!p0 s9, $0x2700  }
0x4f: {  	s3 =	smulhi.u32 @!p0 $0xCF6474A9, s0;
	s4 =	sadd.s32 @!p0 $0x18, s2;
	p1 =	por !p1, p0  }
0x50: {  	s5 =	simm.s32 @p1 $0x2700;
	p1 =	sgt.s32 @!p0 s4, $0x7F;
	s4 =	sshra.s32 @!p0 s9, $0x1F  }
0x51: {  	s2 =	ssub.s32 @!p0 $0x68, s2;
	p1 =	por !p1, p0;
	s4 =	sand.u32 @!p0 s4, s9  }
0x52: {  	s3 =	sshrl.u32 @!p0 s3, $0xD;
	s4 =	ssub.s32 @!p0 s5, s4;
	s2 =	simm.s32 @!p1 $0x0  }
0x53: {  	s5 =	sand.u32 @!p0 $0x7F, s9;
	s1 =	smul.u32 @!p0 s1, s2;
	s2 =	sadd.s32 @!p0 $0xFFFFD900, s4  }
0x54: {  	s0 =	sor.u32 @!p0 s5, s0;
	s5 =	smulhi.u32 @!p0 $0x2762763, s3;
	p1 =	sgt.s32 @!p0 s2, $0x7F  }
0x55: {  	s4 =	ssub.s32 @!p0 $0x2780, s4;
	s2 =	smulhi.u32 @!p0 $0xCF6474A9, s0;
	p1 =	por !p1, p0  }
0x56: {  	s5 =	smul.u32 @!p0 $0x68, s5;
	s4 =	simm.s32 @!p1 $0x0  }
0x57: {  	s2 =	sshrl.u32 @!p0 s2, $0xD;
	s1 =	smul.u32 @!p0 s4, s1;
	s4 =	sxor.u32 @!p0 $0xFFFFFFFF, s13  }
0x58: {  	s2 =	smul.u32 @!p0 $0x2780, s2;
	s4 =	sshll.u32 @!p0 s4, $0xE  }
0x59: {  	s3 =	ssub.s32 @!p0 s3, s5;
	s5 =	smul.u32 @!p0 $0x20180, s12;
	s4 =	sand.u32 @!p0 $0x4000, s4  }
0x5a: {  	s0 =	ssub.s32 @!p0 s0, s2;
	s2 =	smul.u32 @!p0 $0x4F0, s3;
	s3 =	rddreg [dreg:$0x0]  }
0x5b: {  	s1 =	sand.u32 @!p0 $0x3FFFFFFF, s1;
	s3 =	sadd.s32 @!p0 s3, s5;
	s5 =	sand.u32 @!p0 $0x7, s0  }
0x5c: {  	s0 =	sshrl.u32 @!p0 s0, $0x3;
	s2 =	sadd.s32 @!p0 s2, s3;
	s3 =	sshll.u32 @!p0 s5, $0x12  }
0x5d: {  	s0 =	sadd.s32 @!p0 s0, s2;
	s2 =	sor.u32 @!p0 $0x400, s3;
	s3 =	simm.s32 @!p0 $0x13C00  }
0x5e: {  	[tilespmem:s4], [sflag:$0x1] =	stream.strided.gather @!p0 [hbm4b:s0+s2], s1, s3, s2, $0x38;
	[tilespmem:$0x10100] =	vst v63  }
0x5f: {  	p0 =	seq.s32 s13, $0x0  }
0x60: {  	p1 =	sge.u32 @!p0 s13, s6  }
0x61: {  	p0 =	por p0, p1  }
.Ltmp2:
0x62: {  	_ = 	snop;
	(pc) =	sbr.rel @p0 .LBB1_15-.Ltmp2, $1  }
0x63: {  	_ =	sdelay $0x3  }
0x64: {  	[dreg:$0x10] =	wrdreg s16  }
0x65: {  	[dreg:$0xf] =	wrdreg s15  }
0x66: {  	[dreg:$0xe] =	wrdreg s14  }
0x67: {  	[dreg:$0xc] =	wrdreg s12  }
0x68: {  	[dreg:$0xb] =	wrdreg s11  }
0x69: {  	[dreg:$0x9] =	wrdreg s9  }
0x6a: {  	p0 =	sgt.s32 s10, $0x19;
	s0 =	smov.u32 s10;
	s1 =	sshra.s32 s10, $0x1F  }
0x6b: {  	s25 =	ssub.s32 $0x0, s8;
	s2 =	sshra.s32 s8, $0x1F;
	s3 =	smov.u32 s8  }
0x6c: {  	p1 =	sgt.s32 s7, $0x2700;
	s27 =	ssub.s32 $0x0, s7;
	[dreg:$0x7] =	wrdreg s7  }
0x6d: {  	s28 =	sshra.s32 s7, $0x1F;
	s0 =	simm.s32 @!p0 $0x19;
	s1 =	sand.u32 s1, s10  }
0x6e: {  	p0 =	sgt.s32 s8, $0xFFFFFFE8;
	s29 =	sand.u32 s27, s28;
	s0 =	ssub.s32 s0, s1  }
0x6f: {  	s1 =	sand.u32 s25, s2;
	s3 =	simm.s32 @!p0 $0xFFFFFFE8;
	s2 =	smov.u32 s7  }
0x70: {  	s4 =	sadd.s32 $0xFFFFFFE7, s0;
	[dreg:$0x12] =	wrdreg s1;
	s1 =	sadd.s32 s1, s3  }
0x71: {  	s5 =	ssub.s32 $0x1A, s0;
	s2 =	simm.s32 @!p1 $0x2700;
	p0 =	sgt.s32 s4, $0x0  }
0x72: {  	s26 =	sadd.s32 $0x18, s1;
	s0 =	ssub.s32 $0x68, s1;
	s1 =	sadd.s32 s29, s2  }
0x73: {  	[dreg:$0xa] =	wrdreg s10;
	s5 =	simm.s32 @p0 $0x0;
	s2 =	sadd.s32 $0xFFFFD900, s1  }
0x74: {  	s1 =	ssub.s32 $0x2780, s1;
	p0 =	sgt.s32 s2, $0x7F;
	s2 =	sadd.s32 $0x1, s10  }
0x75: {  	s3 =	sadd.s32 $0x80, s8;
	s1 =	simm.s32 @p0 $0x0;
	p0 =	slt.s32 s2, $0x1A  }
0x76: {  	p1 =	sgt.s32 s26, $0x7F;
	s2 =	simm.s32 @!p0 $0x1A;
	p0 =	slt.s32 s3, $0x65  }
0x77: {  	s0 =	simm.s32 @p1 $0x0;
	s22 =	ssub.s32 s2, s10;
	s3 =	simm.s32 @!p0 $0x65  }
0x78: {  	s0 =	smul.u32 s5, s0;
	s23 =	ssub.s32 s3, s8;
	p0 =	slt.s32 s22, $0x1  }
0x79: {  	[dreg:$0x8] =	wrdreg s8;
	p1 =	slt.s32 @!p0 s23, $0x1  }
0x7a: {  	[dreg:$0xd] =	wrdreg s13;
	s0 =	smul.u32 s1, s0;
	p1 =	por p0, p1  }
.Ltmp3:
0x7b: {  	s30 =	simm.s32 $0x1;
	[dreg:$0x13] =	wrdreg s29;
	(pc) =	sbr.rel @p1 .LBB1_14-.Ltmp3, $4  }
0x7c: {  	[dreg:$0x11] =	wrdreg s5;
	s1 =	sand.u32 $0x3FFFFFFF, s0;
	s0 =	sand.u32 $0x1, s13  }
0x7d: {  	_ =	swait.ge [sflag:s30], s1;
	s31 =	smul.u32 $0x4080, s0  }
0x7e: {  	s1 =	ssub.s32 $0x0, s1;
	[sflag:s30] =	ssyncset.done $0x0  }
0x7f: {  	[sflag:s30] =	ssyncadd.s32 s1;
	[dreg:$0x14] =	wrdreg s31  }
0x80: {  	s2 =	rddreg [dreg:$0x7]  }
0x81: {  	s1 =	sadd.s32 $0x80, s2  }
0x82: {  	p1 =	slt.s32 s1, $0x2710  }
.Ltmp4:
0x83: {  	s1 =	simm.s32 @!p1 $0x2710;
	(pc) =	sbr.rel .LBB1_4-.Ltmp4, $4  }
0x84: {  	s26 =	sshll.u32 @!p0 s0, $0xE;
	s0 =	rddreg [dreg:$0x14];
	s1 =	ssub.s32 s1, s2  }
0x85: {  	s29 =	simm.s32 $0x0;
	s27 =	sor.u32 @!p0 $0x8000, s0;
	s1 =	sadd.s32 $0xF, s1  }
0x86: {  	s24 =	sand.u32 $0xFFFFFFF0, s1;
	s25 =	sand.u32 @!p0 $0xFFFFFF00, s1;
	s31 =	sshll.u32 s1, $0x3  }
0x87: {  	p0 =	slt.s32 s1, $0x100;
	s28 =	sand.u32 $0xFFFFF800, s31;
	p1 =	sge.s32 s25, s24  }
.LBB1_13:
0x88: {  	s29 =	sadd.s32 $0x1, s29  }
0x89: {  	p2 =	sne.s32 s29, s22  }
.Ltmp5:
0x8a: {  	_ = 	snop;
	(pc) =	sbr.rel @!p2 .LBB1_14-.Ltmp5, $1  }
0x8b: {  	_ =	sdelay $0x3  }
.LBB1_4:
.Ltmp6:
0x8c: {  	(pc) =	sbr.rel .LBB1_5-.Ltmp6, $4  }
0x8d: {  	s0 =	sshll.u32 s29, $0x10;
	s1 =	smul.u32 $0x10200, s29  }
0x8e: {  	s0 =	sshra.s32 s0, $0x2  }
0x8f: {  	s30 =	sadd.s32 s0, s26;
	s21 =	sshra.s32 s1, $0x2  }
0x90: {  	s1 =	simm.s32 $0x400;
	s0 =	simm.s32 $0x0;
	s31 =	sadd.s32 s21, s27  }
.LBB1_12:
0x91: {  	s0 =	sadd.s32 $0x1, s0  }
0x92: {  	p2 =	sne.s32 s0, s23  }
.Ltmp7:
0x93: {  	_ = 	snop;
	(pc) =	sbr.rel @!p2 .LBB1_13-.Ltmp7, $2  }
0x94: {  	_ =	sdelay $0x2  }
0x95: {  	s1 =	sadd.s32 $0x80, s1  }
.LBB1_5:
.Ltmp8:
0x96: {  	(pc) =	sbr.rel @p0 .LBB1_9-.Ltmp8, $2  }
0x97: {  	_ =	sdelay $0x2  }
0x98: {  	s2 =	sshll.u32 s0, $0x7;
	s5 =	sand.u32 $0x7F, s0  }
0x99: {  	s9 =	sshll.u32 s0, $0x3;
	s7 =	sand.u32 $0x380, s2  }
0x9a: {  	s8 =	sshrl.u32 s9, $0x7;
	s4 =	sadd.s32 $0x800, s9;
	s10 =	sadd.s32 $0x1000, s9  }
0x9b: {  	s14 =	sadd.s32 s7, s30;
	s13 =	sadd.s32 $0x1800, s9;
	s18 =	sadd.s32 $0x3000, s9  }
0x9c: {  	s3 =	sand.u32 $0x78, s8;
	s4 =	sshrl.u32 s4, $0x7;
	s12 =	sshrl.u32 s10, $0x7  }
0x9d: {  	s10 =	sshrl.u32 s13, $0x7;
	s13 =	sadd.s32 $0x2800, s9;
	s19 =	sshrl.u32 s18, $0x7  }
0x9e: {  	s9 =	sadd.s32 $0x3800, s9;
	s20 =	sadd.s32 $0x10, s8;
	v0 =	vmov s14;
	s14 =	sand.u32 $0x3C00, s1  }
0x9f: {  	s6 =	smul.u32 $0x204, s3;
	s4 =	sand.u32 $0x78, s4;
	s7 =	sand.u32 $0x78, s12  }
0xa0: {  	s10 =	sand.u32 $0x78, s10;
	s3 =	sxor.u32 $0x40, s3;
	s4 =	smul.u32 $0x204, s4  }
0xa1: {  	s17 =	sshrl.u32 s13, $0x7;
	s9 =	sshrl.u32 s9, $0x7;
	s7 =	smul.u32 $0x204, s7  }
0xa2: {  	s12 =	sadd.s32 $0x20, s8;
	s10 =	smul.u32 $0x204, s10;
	s6 =	sshrl.u32 s6, $0x2  }
0xa3: {  	s15 =	smul.u32 $0x204, s3;
	s9 =	sand.u32 $0x78, s9;
	s6 =	sadd.s32 s6, s31  }
0xa4: {  	s4 =	sshrl.u32 s4, $0x2;
	s7 =	sshrl.u32 s7, $0x2;
	s16 =	sshrl.u32 s10, $0x2  }
0xa5: {  	s10 =	sand.u32 $0x78, s17;
	s11 =	sadd.s32 s4, s31;
	s4 =	sadd.s32 s5, s6  }
0xa6: {  	s7 =	sadd.s32 s7, s31;
	s10 =	smul.u32 $0x204, s10;
	s6 =	sadd.s32 s5, s11  }
0xa7: {  	s3 =	sadd.s32 s5, s7;
	s7 =	sadd.s32 s16, s31;
	s11 =	sshrl.u32 s15, $0x2  }
0xa8: {  	s9 =	smul.u32 $0x204, s9;
	s11 =	sadd.s32 s11, s31;
	s21 =	sadd.s32 s5, s7  }
0xa9: {  	s10 =	sshrl.u32 s10, $0x2;
	s7 =	sadd.s32 s5, s11;
	s11 =	sand.u32 $0x78, s19  }
0xaa: {  	s17 =	sadd.s32 $0x50, s8;
	s10 =	sadd.s32 s10, s31;
	s11 =	smul.u32 $0x204, s11  }
0xab: {  	s9 =	sshrl.u32 s9, $0x2;
	s19 =	sadd.s32 s5, s10;
	s10 =	sand.u32 $0x78, s20  }
0xac: {  	s15 =	sand.u32 $0x78, s12;
	s10 =	smul.u32 $0x204, s10;
	s11 =	sshrl.u32 s11, $0x2  }
0xad: {  	s9 =	sadd.s32 s9, s31;
	s16 =	sadd.s32 $0x30, s8;
	s11 =	sadd.s32 s11, s31  }
0xae: {  	s18 =	sadd.s32 s5, s9;
	s10 =	sshrl.u32 s10, $0x2;
	s20 =	sadd.s32 s5, s11  }
0xaf: {  	s11 =	smul.u32 $0x204, s15;
	s9 =	sadd.s32 s10, s31;
	s10 =	sand.u32 $0x78, s16  }
0xb0: {  	s13 =	sand.u32 $0x78, s17;
	s15 =	sadd.s32 $0x60, s8;
	s10 =	smul.u32 $0x204, s10  }
0xb1: {  	v1 =	vld.idx.msk [tilespmem:v0+s14+$0x0 ss:$0x1], $0xffff;
	s13 =	smul.u32 $0x204, s13;
	s15 =	sand.u32 $0x78, s15;
	s11 =	sshrl.u32 s11, $0x2  }
0xb2: {  	s12 =	smul.u32 $0x204, s15;
	s10 =	sshrl.u32 s10, $0x2;
	s11 =	sadd.s32 s11, s31  }
0xb3: {  	s17 =	sadd.s32 s5, s9;
	s10 =	sadd.s32 s10, s31;
	s15 =	sadd.s32 s5, s11  }
0xb4: {  	s11 =	sshrl.u32 s13, $0x2;
	s12 =	sshrl.u32 s12, $0x2;
	s16 =	sadd.s32 s5, s10  }
0xb5: {  	s9 =	sadd.s32 s11, s31;
	s10 =	sadd.s32 s12, s31;
	s12 =	sadd.s32 $0xFFFFFC00, s1  }
0xb6: {  	[tilespmem:s4+$0x0 ss:$0x81] =	vst.msk $0xffff, v1;
	v1 =	vld.idx.msk [tilespmem:v0+s14+$0x20 ss:$0x1], $0xffff;
	s11 =	sadd.s32 s5, s9;
	s9 =	sand.u32 $0x3C00, s12  }
0xb7: {  	v2 =	vld.idx.msk [tilespmem:v0+s9+$0x70 ss:$0x1], $0xffff  }
0xb8: {  	v3 =	vld.idx.msk [tilespmem:v0+s9+$0x0 ss:$0x1], $0xffff  }
0xb9: {  	v4 =	vld.idx.msk [tilespmem:v0+s9+$0x10 ss:$0x1], $0xffff  }
0xba: {  	v5 =	vld.idx.msk [tilespmem:v0+s9+$0x20 ss:$0x1], $0xffff  }
0xbb: {  	v6 =	vld.idx.msk [tilespmem:v0+s9+$0x30 ss:$0x1], $0xffff  }
0xbc: {  	s8 =	sadd.s32 $0x70, s8;
	v7 =	vld.idx.msk [tilespmem:v0+s9+$0x40 ss:$0x1], $0xffff;
	[tilespmem:s18+$0x0 ss:$0x81] =	vst.msk $0xffff, v2  }
0xbd: {  	s8 =	sand.u32 $0x78, s8;
	v8 =	vld.idx.msk [tilespmem:v0+s9+$0x50 ss:$0x1], $0xffff;
	[tilespmem:s4+$0x0 ss:$0x81] =	vst.msk $0xffff, v3  }
0xbe: {  	p2 =	sgt.s32 s25, $0x100;
	s8 =	smul.u32 $0x204, s8;
	v9 =	vld.idx.msk [tilespmem:v0+s9+$0x60 ss:$0x1], $0xffff;
	[tilespmem:s6+$0x0 ss:$0x81] =	vst.msk $0xffff, v4  }
.Ltmp9:
0xbf: {  	v4 =	vld.idx.msk [tilespmem:v0+s14+$0x10 ss:$0x1], $0xffff;
	[tilespmem:s3+$0x0 ss:$0x81] =	vst.msk $0xffff, v5;
	(pc) =	sbr.rel @!p2 .LBB1_8-.Ltmp9, $4  }
0xc0: {  	[tilespmem:s21+$0x0 ss:$0x81] =	vst.msk $0xffff, v6;
	v2 =	vld.idx.msk [tilespmem:v0+s14+$0x30 ss:$0x1], $0xffff  }
0xc1: {  	s8 =	sshrl.u32 s8, $0x2;
	[tilespmem:s7+$0x0 ss:$0x81] =	vst.msk $0xffff, v7;
	v3 =	vld.idx.msk [tilespmem:v0+s14+$0x40 ss:$0x1], $0xffff  }
0xc2: {  	s13 =	sadd.s32 s8, s31;
	s8 =	sadd.s32 s5, s10;
	[tilespmem:s19+$0x0 ss:$0x81] =	vst.msk $0xffff, v8;
	v5 =	vld.idx.msk [tilespmem:v0+s14+$0x50 ss:$0x1], $0xffff  }
0xc3: {  	s13 =	sadd.s32 s5, s13;
	s10 =	simm.s32 $0x100;
	s9 =	sadd.s32 $0x800, s1;
	[tilespmem:s20+$0x0 ss:$0x81] =	vst.msk $0xffff, v9;
	v6 =	vld.idx.msk [tilespmem:v0+s14+$0x60 ss:$0x1], $0xffff  }
.LBB1_7:
0xc4: {  	s12 =	sadd.s32 $0xFFFFFC00, s9;
	s10 =	sadd.s32 $0x100, s10;
	[tilespmem:s17+$0x0 ss:$0x81] =	vst.msk $0xffff, v4;
	v4 =	vld.idx.msk [tilespmem:v0+s14+$0x70 ss:$0x1], $0xffff;
	s14 =	sand.u32 $0x3C00, s9  }
0xc5: {  	s12 =	sand.u32 $0x3C00, s12;
	v7 =	vld.idx.msk [tilespmem:v0+s14+$0x0 ss:$0x1], $0xffff;
	p2 =	slt.s32 s10, s25;
	[tilespmem:s15+$0x0 ss:$0x81] =	vst.msk $0xffff, v1  }
0xc6: {  	v1 =	vld.idx.msk [tilespmem:v0+s12+$0x70 ss:$0x1], $0xffff;
	[tilespmem:s16+$0x0 ss:$0x81] =	vst.msk $0xffff, v2  }
0xc7: {  	v2 =	vld.idx.msk [tilespmem:v0+s12+$0x0 ss:$0x1], $0xffff;
	[tilespmem:s7+$0x0 ss:$0x81] =	vst.msk $0xffff, v3  }
0xc8: {  	v3 =	vld.idx.msk [tilespmem:v0+s12+$0x10 ss:$0x1], $0xffff;
	[tilespmem:s11+$0x0 ss:$0x81] =	vst.msk $0xffff, v5  }
0xc9: {  	v5 =	vld.idx.msk [tilespmem:v0+s12+$0x20 ss:$0x1], $0xffff;
	[tilespmem:s8+$0x0 ss:$0x81] =	vst.msk $0xffff, v6  }
0xca: {  	v6 =	vld.idx.msk [tilespmem:v0+s12+$0x30 ss:$0x1], $0xffff;
	[tilespmem:s13+$0x0 ss:$0x81] =	vst.msk $0xffff, v4  }
0xcb: {  	v8 =	vld.idx.msk [tilespmem:v0+s12+$0x40 ss:$0x1], $0xffff;
	[tilespmem:s4+$0x0 ss:$0x81] =	vst.msk $0xffff, v7  }
0xcc: {  	v7 =	vld.idx.msk [tilespmem:v0+s12+$0x50 ss:$0x1], $0xffff;
	[tilespmem:s18+$0x0 ss:$0x81] =	vst.msk $0xffff, v1  }
0xcd: {  	[tilespmem:s4+$0x0 ss:$0x81] =	vst.msk $0xffff, v2;
	v9 =	vld.idx.msk [tilespmem:v0+s12+$0x60 ss:$0x1], $0xffff  }
0xce: {  	[tilespmem:s6+$0x0 ss:$0x81] =	vst.msk $0xffff, v3;
	v4 =	vld.idx.msk [tilespmem:v0+s14+$0x10 ss:$0x1], $0xffff  }
.Ltmp10:
0xcf: {  	[tilespmem:s3+$0x0 ss:$0x81] =	vst.msk $0xffff, v5;
	v1 =	vld.idx.msk [tilespmem:v0+s14+$0x20 ss:$0x1], $0xffff;
	(pc) =	sbr.rel @p2 .LBB1_7-.Ltmp10, $4  }
0xd0: {  	[tilespmem:s21+$0x0 ss:$0x81] =	vst.msk $0xffff, v6;
	v2 =	vld.idx.msk [tilespmem:v0+s14+$0x30 ss:$0x1], $0xffff  }
0xd1: {  	[tilespmem:s7+$0x0 ss:$0x81] =	vst.msk $0xffff, v8;
	v3 =	vld.idx.msk [tilespmem:v0+s14+$0x40 ss:$0x1], $0xffff  }
0xd2: {  	[tilespmem:s19+$0x0 ss:$0x81] =	vst.msk $0xffff, v7;
	v5 =	vld.idx.msk [tilespmem:v0+s14+$0x50 ss:$0x1], $0xffff  }
0xd3: {  	s9 =	sadd.s32 $0x800, s9;
	[tilespmem:s20+$0x0 ss:$0x81] =	vst.msk $0xffff, v9;
	v6 =	vld.idx.msk [tilespmem:v0+s14+$0x60 ss:$0x1], $0xffff  }
.LBB1_8:
0xd4: {  	_ =	sdelay $0x2  }
0xd5: {  	[tilespmem:s17+$0x0 ss:$0x81] =	vst.msk $0xffff, v4  }
0xd6: {  	v0 =	vld.idx.msk [tilespmem:v0+s14+$0x70 ss:$0x1], $0xffff;
	[tilespmem:s15+$0x0 ss:$0x81] =	vst.msk $0xffff, v1  }
0xd7: {  	[tilespmem:s16+$0x0 ss:$0x81] =	vst.msk $0xffff, v2  }
0xd8: {  	[tilespmem:s7+$0x0 ss:$0x81] =	vst.msk $0xffff, v3  }
0xd9: {  	[tilespmem:s11+$0x0 ss:$0x81] =	vst.msk $0xffff, v5  }
0xda: {  	[tilespmem:s8+$0x0 ss:$0x81] =	vst.msk $0xffff, v6  }
0xdb: {  	[tilespmem:s13+$0x0 ss:$0x81] =	vst.msk $0xffff, v0  }
.LBB1_9:
.Ltmp11:
0xdc: {  	(pc) =	sbr.rel @p1 .LBB1_12-.Ltmp11, $1  }
0xdd: {  	_ =	sdelay $0x3  }
0xde: {  	s4 =	sand.u32 $0x380, s2;
	s3 =	sshrl.u32 s0, $0x4;
	s5 =	sadd.s32 s5, s31  }
0xdf: {  	s6 =	smov.u32 s28;
	s7 =	smov.u32 s25;
	s4 =	sadd.s32 s4, s30  }
.LBB1_11:
0xe0: {  	s8 =	sand.u32 $0x3C00, s6  }
0xe1: {  	s8 =	sadd.s32 s2, s8  }
0xe2: {  	s8 =	sand.u32 $0x3C00, s8  }
0xe3: {  	s9 =	sand.u32 $0x70, s7;
	s20 =	sadd.s32 s7, s3;
	s8 =	sadd.s32 s8, s4  }
0xe4: {  	s7 =	sadd.s32 $0x10, s7;
	s21 =	sand.u32 $0x78, s20;
	s8 =	sadd.s32 s9, s8  }
0xe5: {  	p2 =	slt.s32 s7, s24;
	v0 =	vld [tilespmem:s8+$0x0];
	s8 =	smul.u32 $0x204, s21  }
.Ltmp12:
0xe6: {  	_ = 	snop;
	(pc) =	sbr.rel @p2 .LBB1_11-.Ltmp12, $4  }
0xe7: {  	_ = 	snop  }
0xe8: {  	s8 =	sshrl.u32 s8, $0x2  }
0xe9: {  	s8 =	sadd.s32 s8, s5  }
0xea: {  	s6 =	sadd.s32 $0x80, s6;
	[tilespmem:s8+$0x0 ss:$0x81] =	vst.msk $0xffff, v0  }
.Ltmp13:
0xeb: {  	_ = 	snop;
	(pc) =	sbr.rel .LBB1_12-.Ltmp13, $1  }
0xec: {  	_ =	sdelay $0x3  }
.LBB1_16:
0xed: {  	_ =	sfence.sel $0x180000  }
0xee: {  	s0 =	simm.s32 $0x1;
	[bflag:$0x0] =	sbarrier.arrive $0xFFFF  }
0xef: {  	s30 =	simm.s32 $0x2;
	[sflag:s0] =	ssyncpa.u1 $0x1  }
0xf0: {  	[sflag:s30] =	ssyncpa.u1 $0x1  }
0xf1: {  	_ =	strace $0x90000047  }
0xf2: {  	s31 =	stileid.u32;
	[bflag:$0x2] =	sbarrier.arrive $0xFFFF  }
0xf3: {  	p0 =	sne.s32 s31, $0x0;
	s0 =	rddreg [dreg:$0x2]  }
0xf4: {  	s0 =	sadd.s32 @!p0 $0x100000, s0  }
0xf5: {  	[sflag:s0] =	ssyncadd.tile.s32 @!p0 $0x1;
	_ =	shalt  }
.Lfunc_end1:
_tile_overlayer_lowered:
.L_overlay_start_2:
0xf6: {  	(tag) =	ssettag $0x2  }
0xf7: {  	s0 =	rddreg [dreg:$0x0];
	s2 =	stileid.u32  }
0xf8: {  	s1 =	rddreg [dreg:$0x1];
	p0 =	sne.s32 s2, $0x0  }
0xf9: {  	s3 =	rddreg [dreg:$0x2];
	[bflag:$0x3] =	sbarrier.arrive $0xFFFF;
	s2 =	simm.s32 @!p0 $0x1C01  }
0xfa: {  	[timem:s3], [sflag:s2] =	dma.local @!p0 [hbm:s0], s1  }
0xfb: {  	s0 =	simm.s32 @!p0 $0x1  }
0xfc: {  	_ =	swait.ge @!p0 [sflag:s0], s1  }
0xfd: {  	s1 =	ssub.s32 @!p0 $0x0, s1;
	[sflag:s0] =	ssyncset.done @!p0 $0x0  }
0xfe: {  	[sflag:s0] =	ssyncadd.s32 @!p0 s1  }
0xff: {  	[bflag:$0x3] =	sbarrier.arrive $0xFFFF  }
0x100: {  	_ =	shalt  }

</sc_bundles>
